<compile_context>
chip_gen: v7x
topology: tpu7x:2x2x1
jax: 0.10.2.dev20260603
libtpu: 0.0.44.dev20260713+nightly
codegen_flags: <defaults>
</compile_context>

<pallas_src>
import functools

import jax
import jax.numpy as jnp
from jax import lax
from jax.experimental import pallas as pl
from jax.experimental.pallas import tpu as pltpu
from jax.experimental.pallas import tpu_sc as plsc

NUM_CORES = 2
NUM_SUBCORES = 16
LANES = 16
NW = NUM_CORES * NUM_SUBCORES
RING = 8

_MESH = dict(core_axis_name="c", subcore_axis_name="s",
             num_cores=NUM_CORES, num_subcores=NUM_SUBCORES)


def _fm_kernel(d_latent, b_per_w, ui_hbm, ii_hbm, eut_hbm, eit_hbm, b1_hbm,
               h_hbm, out_hbm, ui_v, ii_v, h_v, ub, ib, bb, o_v, *sems):
    wid = lax.axis_index("s") * NUM_CORES + lax.axis_index("c")
    base = wid * b_per_w

    pltpu.sync_copy(ui_hbm.at[pl.ds(base, b_per_w)],
                    ui_v.at[pl.ds(0, b_per_w)])
    pltpu.sync_copy(ii_hbm.at[pl.ds(base, b_per_w)],
                    ii_v.at[pl.ds(0, b_per_w)])
    pltpu.sync_copy(h_hbm, h_v)

    h0 = h_v[pl.ds(0, LANES)]
    h1 = h_v[pl.ds(LANES, LANES)]
    iota = lax.iota(jnp.int32, LANES)
    lane0 = iota == 0

    def idx_vecs(k16):
        fk = jnp.full((LANES,), k16, jnp.int32) + iota
        return plsc.load_gather(ui_v, [fk]), plsc.load_gather(ii_v, [fk])

    def fire(iu, iv, j, slot):
        cu = lax.mul(lax.div(iu[j], 128), 128)
        ci = lax.mul(lax.div(iv[j], 128), 128)
        cb = lax.mul(lax.div(iv[j], LANES), LANES)
        pltpu.async_copy(eut_hbm.at[:, pl.ds(cu, 128)], ub.at[slot],
                         sems[slot])
        pltpu.async_copy(eit_hbm.at[:, pl.ds(ci, 128)], ib.at[slot],
                         sems[slot])
        pltpu.async_copy(b1_hbm.at[pl.ds(cb, LANES)], bb.at[slot],
                         sems[slot])

    iu0, iv0 = idx_vecs(0)
    for j in range(RING):
        fire(iu0, iv0, j, j)

    def step(q, carry):
        iu, iv = idx_vecs(q * RING)
        inext, ivnext = idx_vecs(q * RING + RING)
        for j in range(RING):
            k = q * RING + j
            pltpu.make_async_copy(eut_hbm.at[:, pl.ds(0, 128)], ub.at[j],
                                  sems[j]).wait()
            pltpu.make_async_copy(eit_hbm.at[:, pl.ds(0, 128)], ib.at[j],
                                  sems[j]).wait()
            pltpu.make_async_copy(b1_hbm.at[pl.ds(0, LANES)], bb.at[j],
                                  sems[j]).wait()
            fj = jnp.full((LANES,), j, jnp.int32)
            flu = jnp.full((LANES,), jnp.bitwise_and(iu[j], 127), jnp.int32)
            fli = jnp.full((LANES,), jnp.bitwise_and(iv[j], 127), jnp.int32)
            flb = jnp.full((LANES,), jnp.bitwise_and(iv[j], LANES - 1),
                           jnp.int32)
            u0 = plsc.load_gather(ub, [fj, iota, flu])
            u1 = plsc.load_gather(ub, [fj, iota + LANES, flu])
            v0 = plsc.load_gather(ib, [fj, iota, fli])
            v1 = plsc.load_gather(ib, [fj, iota + LANES, fli])
            t = (jnp.maximum(u0 * v0, 0.0) * h0
                 + jnp.maximum(u1 * v1, 0.0) * h1)
            s = (lax.reduce_sum_p.bind(t, axes=(0,))
                 + plsc.load_gather(bb, [fj, flb])[0])
            plsc.store_scatter(o_v, [jnp.full((LANES,), k, jnp.int32)],
                               jnp.full((LANES,), s, jnp.float32),
                               mask=lane0)

            @pl.when(k + RING < b_per_w)
            def _():
                fire(inext, ivnext, j, j)
        return carry

    lax.fori_loop(0, b_per_w // RING, step, 0)
    pltpu.sync_copy(o_v, out_hbm.at[pl.ds(base, b_per_w)])


def kernel(user_indices, item_indices, embedding_user, embedding_item,
           bias_item, h):
    batch = user_indices.shape[0]
    d_latent = embedding_user.shape[1]
    num_items = bias_item.shape[0]
    assert batch % (NW * RING) == 0 and num_items % LANES == 0
    assert d_latent == 2 * LANES
    b_per_w = batch // NW

    b1 = bias_item.reshape(num_items)
    h1d = h.reshape(d_latent)
    mesh = plsc.VectorSubcoreMesh(**_MESH)

    out = pl.kernel(
        functools.partial(_fm_kernel, d_latent, b_per_w),
        out_type=jax.ShapeDtypeStruct((batch,), jnp.float32),
        mesh=mesh,
        compiler_params=pltpu.CompilerParams(needs_layout_passes=False,
                                             use_tc_tiling_on_sc=True),
        scratch_types=[
            pltpu.VMEM((b_per_w + 2 * LANES,), jnp.int32),
            pltpu.VMEM((b_per_w + 2 * LANES,), jnp.int32),
            pltpu.VMEM((d_latent,), jnp.float32),
            pltpu.VMEM((RING, d_latent, 128), jnp.float32),
            pltpu.VMEM((RING, d_latent, 128), jnp.float32),
            pltpu.VMEM((RING, LANES), jnp.float32),
            pltpu.VMEM((b_per_w,), jnp.float32),
        ] + [pltpu.SemaphoreType.DMA] * RING,
    )(user_indices, item_indices, embedding_user.T, embedding_item.T,
      b1, h1d)
    return out.reshape(batch, 1)

# --- scband reference (transcript-rebuilt; emitter-appended) ---
"""Pipeline reference for scband-fm-19353122636029 (READ-ONLY COPY).

The authoritative reference and input builder live on the scoring server;
editing this copy changes nothing except your own understanding.
"""

import jax, jax.numpy as jnp
import numpy as np

NUM_USERS = 1000000
NUM_ITEMS = 1000000
LATENT_DIM = 32
BATCH = 16384


def setup_inputs(seed: int = 0) -> dict:
    key = jax.random.key(seed)
    k1, k2, k3, k4, k5, k6 = jax.random.split(key, 6)
    user_indices = jax.random.randint(k1, (BATCH,), 0, NUM_USERS, dtype=jnp.int64) if jax.config.jax_enable_x64 else jax.random.randint(k1, (BATCH,), 0, NUM_USERS, dtype=jnp.int32)
    item_indices = jax.random.randint(k2, (BATCH,), 0, NUM_ITEMS, dtype=jnp.int32)
    user_indices = user_indices.astype(jnp.int32)
    embedding_user = jax.random.normal(k3, (NUM_USERS, LATENT_DIM), dtype=jnp.float32) * 0.01
    embedding_item = jax.random.normal(k4, (NUM_ITEMS, LATENT_DIM), dtype=jnp.float32) * 0.01
    bias_item = jax.random.normal(k5, (NUM_ITEMS, 1), dtype=jnp.float32) * 0.01
    h = jax.random.normal(k6, (LATENT_DIM, 1), dtype=jnp.float32)
    return {
        'user_indices': user_indices,
        'item_indices': item_indices,
        'embedding_user': embedding_user,
        'embedding_item': embedding_item,
        'bias_item': bias_item,
        'h': h,
    }


def reference(user_indices, item_indices, embedding_user, embedding_item, bias_item, h):
    # u_feat = self.embedding_user(user_indices)
    u_feat = jnp.take(embedding_user, user_indices, axis=0)
    # i_feat = self.embedding_item(item_indices)
    i_feat = jnp.take(embedding_item, item_indices, axis=0)
    # fm = relu(u * i); dropout is identity in eval mode (original line nn.Dropout(fm) is a no-op bug)
    fm = jax.nn.relu(u_feat * i_feat)
    # i_bias = self.bias_item(item_indices)
    i_bias = jnp.take(bias_item, item_indices, axis=0)
    return fm @ h + i_bias

if __name__ == "__main__":
    import jax
    _d = setup_inputs()
    print(jax.jit(kernel)(*tuple(_d.values())))

</pallas_src>

<mosaic_0001>
#map = affine_map<(d0, d1) -> (0)>
#map1 = affine_map<(d0, d1) -> (0, 0)>
module attributes {stable_mosaic.version = 14 : i64} {
  func.func @_fm_kernel(%arg0: i32, %arg1: i32, %arg2: memref<16384xi32, #tpu.memory_space<hbm>>, %arg3: memref<16384xi32, #tpu.memory_space<hbm>>, %arg4: memref<32x1000000xf32, #tpu.memory_space<hbm>>, %arg5: memref<32x1000000xf32, #tpu.memory_space<hbm>>, %arg6: memref<1000000xf32, #tpu.memory_space<hbm>>, %arg7: memref<32xf32, #tpu.memory_space<hbm>>, %arg8: memref<16384xf32, #tpu.memory_space<hbm>>, %arg9: memref<544xi32, #tpu.memory_space<vmem>>, %arg10: memref<544xi32, #tpu.memory_space<vmem>>, %arg11: memref<32xf32, #tpu.memory_space<vmem>>, %arg12: memref<8x32x128xf32, #tpu.memory_space<vmem>>, %arg13: memref<8x32x128xf32, #tpu.memory_space<vmem>>, %arg14: memref<8x16xf32, #tpu.memory_space<vmem>>, %arg15: memref<512xf32, #tpu.memory_space<vmem>>, %arg16: memref<!tpu.dma_semaphore, #tpu.memory_space<semaphore_mem>>, %arg17: memref<!tpu.dma_semaphore, #tpu.memory_space<semaphore_mem>>, %arg18: memref<!tpu.dma_semaphore, #tpu.memory_space<semaphore_mem>>, %arg19: memref<!tpu.dma_semaphore, #tpu.memory_space<semaphore_mem>>, %arg20: memref<!tpu.dma_semaphore, #tpu.memory_space<semaphore_mem>>, %arg21: memref<!tpu.dma_semaphore, #tpu.memory_space<semaphore_mem>>, %arg22: memref<!tpu.dma_semaphore, #tpu.memory_space<semaphore_mem>>, %arg23: memref<!tpu.dma_semaphore, #tpu.memory_space<semaphore_mem>>) attributes {dimension_semantics = [#tpu.dimension_semantics<core_parallel>, #tpu.dimension_semantics<subcore_parallel>], iteration_bounds = array<i64: 2, 16>, scalar_prefetch = 0 : i64, scratch_operands = 15 : i64, tpu.core_type = #tpu.core_type<sc_vector_subcore>, window_params = [{transform_indices = #map}, {transform_indices = #map}, {transform_indices = #map1}, {transform_indices = #map1}, {transform_indices = #map}, {transform_indices = #map}, {transform_indices = #map}]} {
    %mul3A = arith.constant 2 : i32
    %mul3A_0 = arith.muli %arg1, %mul3A : i32
    %add3A = arith.addi %mul3A_0, %arg0 : i32
    %mul3A_1 = arith.constant 512 : i32
    %mul3A_2 = arith.muli %add3A, %mul3A_1 : i32
    "tpu.region"() ({
      %run_scoped3A = tpu.sem_alloc : memref<!tpu.dma_semaphore, #tpu.memory_space<semaphore_mem>>
      %dma_start3A_436 = arith.constant 0 : i32
      %dma_start3A_437 = tpu.memref_slice %arg9[%dma_start3A_436] : memref<544xi32, #tpu.memory_space<vmem>> -> memref<512xi32, #tpu.memory_space<vmem>>
      %dma_start3A_438 = tpu.memref_slice %arg2[%mul3A_2] : memref<16384xi32, #tpu.memory_space<hbm>> -> memref<512xi32, #tpu.memory_space<hbm>>
      %dma_start3A_439 = arith.constant 0 : i32
      %dma_start3A_440 = tpu.memref_slice %arg9[%dma_start3A_439] : memref<544xi32, #tpu.memory_space<vmem>> -> memref<512xi32, #tpu.memory_space<vmem>>
      %dma_start3A_441 = tpu.memref_slice %arg2[%mul3A_2] : memref<16384xi32, #tpu.memory_space<hbm>> -> memref<512xi32, #tpu.memory_space<hbm>>
      tpu.enqueue_dma source(%dma_start3A_441 : memref<512xi32, #tpu.memory_space<hbm>>) target(%dma_start3A_440 : memref<512xi32, #tpu.memory_space<vmem>>) target_semaphore(%run_scoped3A : memref<!tpu.dma_semaphore, #tpu.memory_space<semaphore_mem>>)
      %dma_wait3A = arith.constant 0 : i32
      %dma_wait3A_442 = tpu.memref_slice %arg9[%dma_wait3A] : memref<544xi32, #tpu.memory_space<vmem>> -> memref<512xi32, #tpu.memory_space<vmem>>
      %dma_wait3A_443 = tpu.memref_slice %arg2[%mul3A_2] : memref<16384xi32, #tpu.memory_space<hbm>> -> memref<512xi32, #tpu.memory_space<hbm>>
      %dma_wait3A_444 = arith.constant 0 : i32
      %dma_wait3A_445 = tpu.memref_slice %arg9[%dma_wait3A_444] : memref<544xi32, #tpu.memory_space<vmem>> -> memref<512xi32, #tpu.memory_space<vmem>>
      %dma_wait3A_446 = tpu.memref_slice %arg2[%mul3A_2] : memref<16384xi32, #tpu.memory_space<hbm>> -> memref<512xi32, #tpu.memory_space<hbm>>
      tpu.wait_dma2 semaphore(%run_scoped3A : memref<!tpu.dma_semaphore, #tpu.memory_space<semaphore_mem>>) src(%dma_wait3A_446 : memref<512xi32, #tpu.memory_space<hbm>>) dst(%dma_wait3A_445 : memref<512xi32, #tpu.memory_space<vmem>>)
      tpu.yield
    }) : () -> ()
    "tpu.region"() ({
      %run_scoped3A = tpu.sem_alloc : memref<!tpu.dma_semaphore, #tpu.memory_space<semaphore_mem>>
      %dma_start3A_436 = arith.constant 0 : i32
      %dma_start3A_437 = tpu.memref_slice %arg10[%dma_start3A_436] : memref<544xi32, #tpu.memory_space<vmem>> -> memref<512xi32, #tpu.memory_space<vmem>>
      %dma_start3A_438 = tpu.memref_slice %arg3[%mul3A_2] : memref<16384xi32, #tpu.memory_space<hbm>> -> memref<512xi32, #tpu.memory_space<hbm>>
      %dma_start3A_439 = arith.constant 0 : i32
      %dma_start3A_440 = tpu.memref_slice %arg10[%dma_start3A_439] : memref<544xi32, #tpu.memory_space<vmem>> -> memref<512xi32, #tpu.memory_space<vmem>>
      %dma_start3A_441 = tpu.memref_slice %arg3[%mul3A_2] : memref<16384xi32, #tpu.memory_space<hbm>> -> memref<512xi32, #tpu.memory_space<hbm>>
      tpu.enqueue_dma source(%dma_start3A_441 : memref<512xi32, #tpu.memory_space<hbm>>) target(%dma_start3A_440 : memref<512xi32, #tpu.memory_space<vmem>>) target_semaphore(%run_scoped3A : memref<!tpu.dma_semaphore, #tpu.memory_space<semaphore_mem>>)
      %dma_wait3A = arith.constant 0 : i32
      %dma_wait3A_442 = tpu.memref_slice %arg10[%dma_wait3A] : memref<544xi32, #tpu.memory_space<vmem>> -> memref<512xi32, #tpu.memory_space<vmem>>
      %dma_wait3A_443 = tpu.memref_slice %arg3[%mul3A_2] : memref<16384xi32, #tpu.memory_space<hbm>> -> memref<512xi32, #tpu.memory_space<hbm>>
      %dma_wait3A_444 = arith.constant 0 : i32
      %dma_wait3A_445 = tpu.memref_slice %arg10[%dma_wait3A_444] : memref<544xi32, #tpu.memory_space<vmem>> -> memref<512xi32, #tpu.memory_space<vmem>>
      %dma_wait3A_446 = tpu.memref_slice %arg3[%mul3A_2] : memref<16384xi32, #tpu.memory_space<hbm>> -> memref<512xi32, #tpu.memory_space<hbm>>
      tpu.wait_dma2 semaphore(%run_scoped3A : memref<!tpu.dma_semaphore, #tpu.memory_space<semaphore_mem>>) src(%dma_wait3A_446 : memref<512xi32, #tpu.memory_space<hbm>>) dst(%dma_wait3A_445 : memref<512xi32, #tpu.memory_space<vmem>>)
      tpu.yield
    }) : () -> ()
    "tpu.region"() ({
      %run_scoped3A = tpu.sem_alloc : memref<!tpu.dma_semaphore, #tpu.memory_space<semaphore_mem>>
      tpu.enqueue_dma source(%arg7 : memref<32xf32, #tpu.memory_space<hbm>>) target(%arg11 : memref<32xf32, #tpu.memory_space<vmem>>) target_semaphore(%run_scoped3A : memref<!tpu.dma_semaphore, #tpu.memory_space<semaphore_mem>>)
      tpu.wait_dma2 semaphore(%run_scoped3A : memref<!tpu.dma_semaphore, #tpu.memory_space<semaphore_mem>>) src(%arg7 : memref<32xf32, #tpu.memory_space<hbm>>) dst(%arg11 : memref<32xf32, #tpu.memory_space<vmem>>)
      tpu.yield
    }) : () -> ()
    %get3A = arith.constant 0 : index
    %get3A_3 = tpu.vector_load %arg11[%get3A] {strides = array<i32>} : memref<32xf32, #tpu.memory_space<vmem>>, vector<16xf32>,
    %get3A_4 = arith.constant 16 : index
    %get3A_5 = tpu.vector_load %arg11[%get3A_4] {strides = array<i32>} : memref<32xf32, #tpu.memory_space<vmem>>, vector<16xf32>,
    %iota3A = tpu.iota {dimensions = array<i32: 0>} : vector<16xi32>
    %eq3A = arith.constant 0 : i32
    %eq3A_6 = vector.broadcast %eq3A : i32 to vector<16xi32>
    %eq3A_7 = arith.cmpi eq, %iota3A, %eq3A_6 : vector<16xi32>
    %broadcast_in_dim3A = arith.constant 0 : i32
    %broadcast_in_dim3A_8 = vector.broadcast %broadcast_in_dim3A : i32 to vector<16xi32>
    %add3A_9 = arith.addi %broadcast_in_dim3A_8, %iota3A : vector<16xi32>
    %gather3A = tpu.vector_load_idx %arg9[%add3A_9] : memref<544xi32, #tpu.memory_space<vmem>>[vector<16xi32>], vector<16xi32>,
    %gather3A_10 = tpu.vector_load_idx %arg10[%add3A_9] : memref<544xi32, #tpu.memory_space<vmem>>[vector<16xi32>], vector<16xi32>,
    %slice3A = vector.extract_strided_slice %gather3A {offsets = [0], sizes = [1], strides = [1]} : vector<16xi32> to vector<1xi32>
    %squeeze3A = vector.extract %slice3A[0] : i32 from vector<1xi32>
    %div3A = arith.constant 128 : i32
    %div3A_11 = arith.divsi %squeeze3A, %div3A : i32
    %mul3A_12 = arith.constant 128 : i32
    %mul3A_13 = arith.muli %div3A_11, %mul3A_12 : i32
    %slice3A_14 = vector.extract_strided_slice %gather3A_10 {offsets = [0], sizes = [1], strides = [1]} : vector<16xi32> to vector<1xi32>
    %squeeze3A_15 = vector.extract %slice3A_14[0] : i32 from vector<1xi32>
    %div3A_16 = arith.constant 128 : i32
    %div3A_17 = arith.divsi %squeeze3A_15, %div3A_16 : i32
    %mul3A_18 = arith.constant 128 : i32
    %mul3A_19 = arith.muli %div3A_17, %mul3A_18 : i32
    %slice3A_20 = vector.extract_strided_slice %gather3A_10 {offsets = [0], sizes = [1], strides = [1]} : vector<16xi32> to vector<1xi32>
    %squeeze3A_21 = vector.extract %slice3A_20[0] : i32 from vector<1xi32>
    %div3A_22 = arith.constant 16 : i32
    %div3A_23 = arith.divsi %squeeze3A_21, %div3A_22 : i32
    %mul3A_24 = arith.constant 16 : i32
    %mul3A_25 = arith.muli %div3A_23, %mul3A_24 : i32
    %dma_start3A = arith.constant 0 : i32
    %dma_start3A_26 = arith.constant 0 : i32
    %dma_start3A_27 = arith.constant 0 : i32
    %dma_start3A_28 = tpu.memref_slice %arg12[%dma_start3A, %dma_start3A_26, %dma_start3A_27] : memref<8x32x128xf32, #tpu.memory_space<vmem>> -> memref<1x32x128xf32, #tpu.memory_space<vmem>>
    %dma_start3A_29 = tpu.memref_squeeze %dma_start3A_28 : memref<1x32x128xf32, #tpu.memory_space<vmem>> -> memref<32x128xf32, #tpu.memory_space<vmem>>
    %dma_start3A_30 = arith.constant 0 : i32
    %dma_start3A_31 = tpu.memref_slice %arg4[%dma_start3A_30, %mul3A_13] : memref<32x1000000xf32, #tpu.memory_space<hbm>> -> memref<32x128xf32, #tpu.memory_space<hbm>>
    %dma_start3A_32 = arith.constant 0 : i32
    %dma_start3A_33 = arith.constant 0 : i32
    %dma_start3A_34 = tpu.memref_slice %arg12[%dma_start3A, %dma_start3A_32, %dma_start3A_33] : memref<8x32x128xf32, #tpu.memory_space<vmem>> -> memref<1x32x128xf32, #tpu.memory_space<vmem>>
    %dma_start3A_35 = tpu.memref_squeeze %dma_start3A_34 : memref<1x32x128xf32, #tpu.memory_space<vmem>> -> memref<32x128xf32, #tpu.memory_space<vmem>>
    %dma_start3A_36 = arith.constant 0 : i32
    %dma_start3A_37 = tpu.memref_slice %arg4[%dma_start3A_36, %mul3A_13] : memref<32x1000000xf32, #tpu.memory_space<hbm>> -> memref<32x128xf32, #tpu.memory_space<hbm>>
    tpu.enqueue_dma source(%dma_start3A_37 : memref<32x128xf32, #tpu.memory_space<hbm>>) target(%dma_start3A_35 : memref<32x128xf32, #tpu.memory_space<vmem>>) target_semaphore(%arg16 : memref<!tpu.dma_semaphore, #tpu.memory_space<semaphore_mem>>)
    %dma_start3A_38 = arith.constant 0 : i32
    %dma_start3A_39 = arith.constant 0 : i32
    %dma_start3A_40 = arith.constant 0 : i32
    %dma_start3A_41 = tpu.memref_slice %arg13[%dma_start3A_38, %dma_start3A_39, %dma_start3A_40] : memref<8x32x128xf32, #tpu.memory_space<vmem>> -> memref<1x32x128xf32, #tpu.memory_space<vmem>>
    %dma_start3A_42 = tpu.memref_squeeze %dma_start3A_41 : memref<1x32x128xf32, #tpu.memory_space<vmem>> -> memref<32x128xf32, #tpu.memory_space<vmem>>
    %dma_start3A_43 = arith.constant 0 : i32
    %dma_start3A_44 = tpu.memref_slice %arg5[%dma_start3A_43, %mul3A_19] : memref<32x1000000xf32, #tpu.memory_space<hbm>> -> memref<32x128xf32, #tpu.memory_space<hbm>>
    %dma_start3A_45 = arith.constant 0 : i32
    %dma_start3A_46 = arith.constant 0 : i32
    %dma_start3A_47 = tpu.memref_slice %arg13[%dma_start3A_38, %dma_start3A_45, %dma_start3A_46] : memref<8x32x128xf32, #tpu.memory_space<vmem>> -> memref<1x32x128xf32, #tpu.memory_space<vmem>>
    %dma_start3A_48 = tpu.memref_squeeze %dma_start3A_47 : memref<1x32x128xf32, #tpu.memory_space<vmem>> -> memref<32x128xf32, #tpu.memory_space<vmem>>
    %dma_start3A_49 = arith.constant 0 : i32
    %dma_start3A_50 = tpu.memref_slice %arg5[%dma_start3A_49, %mul3A_19] : memref<32x1000000xf32, #tpu.memory_space<hbm>> -> memref<32x128xf32, #tpu.memory_space<hbm>>
    tpu.enqueue_dma source(%dma_start3A_50 : memref<32x128xf32, #tpu.memory_space<hbm>>) target(%dma_start3A_48 : memref<32x128xf32, #tpu.memory_space<vmem>>) target_semaphore(%arg16 : memref<!tpu.dma_semaphore, #tpu.memory_space<semaphore_mem>>)
    %dma_start3A_51 = arith.constant 0 : i32
    %dma_start3A_52 = arith.constant 0 : i32
    %dma_start3A_53 = tpu.memref_slice %arg14[%dma_start3A_51, %dma_start3A_52] : memref<8x16xf32, #tpu.memory_space<vmem>> -> memref<1x16xf32, #tpu.memory_space<vmem>>
    %dma_start3A_54 = tpu.memref_squeeze %dma_start3A_53 : memref<1x16xf32, #tpu.memory_space<vmem>> -> memref<16xf32, #tpu.memory_space<vmem>>
    %dma_start3A_55 = tpu.memref_slice %arg6[%mul3A_25] : memref<1000000xf32, #tpu.memory_space<hbm>> -> memref<16xf32, #tpu.memory_space<hbm>>
    %dma_start3A_56 = arith.constant 0 : i32
    %dma_start3A_57 = tpu.memref_slice %arg14[%dma_start3A_51, %dma_start3A_56] : memref<8x16xf32, #tpu.memory_space<vmem>> -> memref<1x16xf32, #tpu.memory_space<vmem>>
    %dma_start3A_58 = tpu.memref_squeeze %dma_start3A_57 : memref<1x16xf32, #tpu.memory_space<vmem>> -> memref<16xf32, #tpu.memory_space<vmem>>
    %dma_start3A_59 = tpu.memref_slice %arg6[%mul3A_25] : memref<1000000xf32, #tpu.memory_space<hbm>> -> memref<16xf32, #tpu.memory_space<hbm>>
    tpu.enqueue_dma source(%dma_start3A_59 : memref<16xf32, #tpu.memory_space<hbm>>) target(%dma_start3A_58 : memref<16xf32, #tpu.memory_space<vmem>>) target_semaphore(%arg16 : memref<!tpu.dma_semaphore, #tpu.memory_space<semaphore_mem>>)
    %slice3A_60 = vector.extract_strided_slice %gather3A {offsets = [1], sizes = [1], strides = [1]} : vector<16xi32> to vector<1xi32>
    %squeeze3A_61 = vector.extract %slice3A_60[0] : i32 from vector<1xi32>
    %div3A_62 = arith.constant 128 : i32
    %div3A_63 = arith.divsi %squeeze3A_61, %div3A_62 : i32
    %mul3A_64 = arith.constant 128 : i32
    %mul3A_65 = arith.muli %div3A_63, %mul3A_64 : i32
    %slice3A_66 = vector.extract_strided_slice %gather3A_10 {offsets = [1], sizes = [1], strides = [1]} : vector<16xi32> to vector<1xi32>
    %squeeze3A_67 = vector.extract %slice3A_66[0] : i32 from vector<1xi32>
    %div3A_68 = arith.constant 128 : i32
    %div3A_69 = arith.divsi %squeeze3A_67, %div3A_68 : i32
    %mul3A_70 = arith.constant 128 : i32
    %mul3A_71 = arith.muli %div3A_69, %mul3A_70 : i32
    %slice3A_72 = vector.extract_strided_slice %gather3A_10 {offsets = [1], sizes = [1], strides = [1]} : vector<16xi32> to vector<1xi32>
    %squeeze3A_73 = vector.extract %slice3A_72[0] : i32 from vector<1xi32>
    %div3A_74 = arith.constant 16 : i32
    %div3A_75 = arith.divsi %squeeze3A_73, %div3A_74 : i32
    %mul3A_76 = arith.constant 16 : i32
    %mul3A_77 = arith.muli %div3A_75, %mul3A_76 : i32
    %dma_start3A_78 = arith.constant 1 : i32
    %dma_start3A_79 = arith.constant 0 : i32
    %dma_start3A_80 = arith.constant 0 : i32
    %dma_start3A_81 = tpu.memref_slice %arg12[%dma_start3A_78, %dma_start3A_79, %dma_start3A_80] : memref<8x32x128xf32, #tpu.memory_space<vmem>> -> memref<1x32x128xf32, #tpu.memory_space<vmem>>
    %dma_start3A_82 = tpu.memref_squeeze %dma_start3A_81 : memref<1x32x128xf32, #tpu.memory_space<vmem>> -> memref<32x128xf32, #tpu.memory_space<vmem>>
    %dma_start3A_83 = arith.constant 0 : i32
    %dma_start3A_84 = tpu.memref_slice %arg4[%dma_start3A_83, %mul3A_65] : memref<32x1000000xf32, #tpu.memory_space<hbm>> -> memref<32x128xf32, #tpu.memory_space<hbm>>
    %dma_start3A_85 = arith.constant 0 : i32
    %dma_start3A_86 = arith.constant 0 : i32
    %dma_start3A_87 = tpu.memref_slice %arg12[%dma_start3A_78, %dma_start3A_85, %dma_start3A_86] : memref<8x32x128xf32, #tpu.memory_space<vmem>> -> memref<1x32x128xf32, #tpu.memory_space<vmem>>
    %dma_start3A_88 = tpu.memref_squeeze %dma_start3A_87 : memref<1x32x128xf32, #tpu.memory_space<vmem>> -> memref<32x128xf32, #tpu.memory_space<vmem>>
    %dma_start3A_89 = arith.constant 0 : i32
    %dma_start3A_90 = tpu.memref_slice %arg4[%dma_start3A_89, %mul3A_65] : memref<32x1000000xf32, #tpu.memory_space<hbm>> -> memref<32x128xf32, #tpu.memory_space<hbm>>
    tpu.enqueue_dma source(%dma_start3A_90 : memref<32x128xf32, #tpu.memory_space<hbm>>) target(%dma_start3A_88 : memref<32x128xf32, #tpu.memory_space<vmem>>) target_semaphore(%arg17 : memref<!tpu.dma_semaphore, #tpu.memory_space<semaphore_mem>>)
    %dma_start3A_91 = arith.constant 1 : i32
    %dma_start3A_92 = arith.constant 0 : i32
    %dma_start3A_93 = arith.constant 0 : i32
    %dma_start3A_94 = tpu.memref_slice %arg13[%dma_start3A_91, %dma_start3A_92, %dma_start3A_93] : memref<8x32x128xf32, #tpu.memory_space<vmem>> -> memref<1x32x128xf32, #tpu.memory_space<vmem>>
    %dma_start3A_95 = tpu.memref_squeeze %dma_start3A_94 : memref<1x32x128xf32, #tpu.memory_space<vmem>> -> memref<32x128xf32, #tpu.memory_space<vmem>>
    %dma_start3A_96 = arith.constant 0 : i32
    %dma_start3A_97 = tpu.memref_slice %arg5[%dma_start3A_96, %mul3A_71] : memref<32x1000000xf32, #tpu.memory_space<hbm>> -> memref<32x128xf32, #tpu.memory_space<hbm>>
    %dma_start3A_98 = arith.constant 0 : i32
    %dma_start3A_99 = arith.constant 0 : i32
    %dma_start3A_100 = tpu.memref_slice %arg13[%dma_start3A_91, %dma_start3A_98, %dma_start3A_99] : memref<8x32x128xf32, #tpu.memory_space<vmem>> -> memref<1x32x128xf32, #tpu.memory_space<vmem>>
    %dma_start3A_101 = tpu.memref_squeeze %dma_start3A_100 : memref<1x32x128xf32, #tpu.memory_space<vmem>> -> memref<32x128xf32, #tpu.memory_space<vmem>>
    %dma_start3A_102 = arith.constant 0 : i32
    %dma_start3A_103 = tpu.memref_slice %arg5[%dma_start3A_102, %mul3A_71] : memref<32x1000000xf32, #tpu.memory_space<hbm>> -> memref<32x128xf32, #tpu.memory_space<hbm>>
    tpu.enqueue_dma source(%dma_start3A_103 : memref<32x128xf32, #tpu.memory_space<hbm>>) target(%dma_start3A_101 : memref<32x128xf32, #tpu.memory_space<vmem>>) target_semaphore(%arg17 : memref<!tpu.dma_semaphore, #tpu.memory_space<semaphore_mem>>)
    %dma_start3A_104 = arith.constant 1 : i32
    %dma_start3A_105 = arith.constant 0 : i32
    %dma_start3A_106 = tpu.memref_slice %arg14[%dma_start3A_104, %dma_start3A_105] : memref<8x16xf32, #tpu.memory_space<vmem>> -> memref<1x16xf32, #tpu.memory_space<vmem>>
    %dma_start3A_107 = tpu.memref_squeeze %dma_start3A_106 : memref<1x16xf32, #tpu.memory_space<vmem>> -> memref<16xf32, #tpu.memory_space<vmem>>
    %dma_start3A_108 = tpu.memref_slice %arg6[%mul3A_77] : memref<1000000xf32, #tpu.memory_space<hbm>> -> memref<16xf32, #tpu.memory_space<hbm>>
    %dma_start3A_109 = arith.constant 0 : i32
    %dma_start3A_110 = tpu.memref_slice %arg14[%dma_start3A_104, %dma_start3A_109] : memref<8x16xf32, #tpu.memory_space<vmem>> -> memref<1x16xf32, #tpu.memory_space<vmem>>
    %dma_start3A_111 = tpu.memref_squeeze %dma_start3A_110 : memref<1x16xf32, #tpu.memory_space<vmem>> -> memref<16xf32, #tpu.memory_space<vmem>>
    %dma_start3A_112 = tpu.memref_slice %arg6[%mul3A_77] : memref<1000000xf32, #tpu.memory_space<hbm>> -> memref<16xf32, #tpu.memory_space<hbm>>
    tpu.enqueue_dma source(%dma_start3A_112 : memref<16xf32, #tpu.memory_space<hbm>>) target(%dma_start3A_111 : memref<16xf32, #tpu.memory_space<vmem>>) target_semaphore(%arg17 : memref<!tpu.dma_semaphore, #tpu.memory_space<semaphore_mem>>)
    %slice3A_113 = vector.extract_strided_slice %gather3A {offsets = [2], sizes = [1], strides = [1]} : vector<16xi32> to vector<1xi32>
    %squeeze3A_114 = vector.extract %slice3A_113[0] : i32 from vector<1xi32>
    %div3A_115 = arith.constant 128 : i32
    %div3A_116 = arith.divsi %squeeze3A_114, %div3A_115 : i32
    %mul3A_117 = arith.constant 128 : i32
    %mul3A_118 = arith.muli %div3A_116, %mul3A_117 : i32
    %slice3A_119 = vector.extract_strided_slice %gather3A_10 {offsets = [2], sizes = [1], strides = [1]} : vector<16xi32> to vector<1xi32>
    %squeeze3A_120 = vector.extract %slice3A_119[0] : i32 from vector<1xi32>
    %div3A_121 = arith.constant 128 : i32
    %div3A_122 = arith.divsi %squeeze3A_120, %div3A_121 : i32
    %mul3A_123 = arith.constant 128 : i32
    %mul3A_124 = arith.muli %div3A_122, %mul3A_123 : i32
    %slice3A_125 = vector.extract_strided_slice %gather3A_10 {offsets = [2], sizes = [1], strides = [1]} : vector<16xi32> to vector<1xi32>
    %squeeze3A_126 = vector.extract %slice3A_125[0] : i32 from vector<1xi32>
    %div3A_127 = arith.constant 16 : i32
    %div3A_128 = arith.divsi %squeeze3A_126, %div3A_127 : i32
    %mul3A_129 = arith.constant 16 : i32
    %mul3A_130 = arith.muli %div3A_128, %mul3A_129 : i32
    %dma_start3A_131 = arith.constant 2 : i32
    %dma_start3A_132 = arith.constant 0 : i32
    %dma_start3A_133 = arith.constant 0 : i32
    %dma_start3A_134 = tpu.memref_slice %arg12[%dma_start3A_131, %dma_start3A_132, %dma_start3A_133] : memref<8x32x128xf32, #tpu.memory_space<vmem>> -> memref<1x32x128xf32, #tpu.memory_space<vmem>>
    %dma_start3A_135 = tpu.memref_squeeze %dma_start3A_134 : memref<1x32x128xf32, #tpu.memory_space<vmem>> -> memref<32x128xf32, #tpu.memory_space<vmem>>
    %dma_start3A_136 = arith.constant 0 : i32
    %dma_start3A_137 = tpu.memref_slice %arg4[%dma_start3A_136, %mul3A_118] : memref<32x1000000xf32, #tpu.memory_space<hbm>> -> memref<32x128xf32, #tpu.memory_space<hbm>>
    %dma_start3A_138 = arith.constant 0 : i32
    %dma_start3A_139 = arith.constant 0 : i32
    %dma_start3A_140 = tpu.memref_slice %arg12[%dma_start3A_131, %dma_start3A_138, %dma_start3A_139] : memref<8x32x128xf32, #tpu.memory_space<vmem>> -> memref<1x32x128xf32, #tpu.memory_space<vmem>>
    %dma_start3A_141 = tpu.memref_squeeze %dma_start3A_140 : memref<1x32x128xf32, #tpu.memory_space<vmem>> -> memref<32x128xf32, #tpu.memory_space<vmem>>
    %dma_start3A_142 = arith.constant 0 : i32
    %dma_start3A_143 = tpu.memref_slice %arg4[%dma_start3A_142, %mul3A_118] : memref<32x1000000xf32, #tpu.memory_space<hbm>> -> memref<32x128xf32, #tpu.memory_space<hbm>>
    tpu.enqueue_dma source(%dma_start3A_143 : memref<32x128xf32, #tpu.memory_space<hbm>>) target(%dma_start3A_141 : memref<32x128xf32, #tpu.memory_space<vmem>>) target_semaphore(%arg18 : memref<!tpu.dma_semaphore, #tpu.memory_space<semaphore_mem>>)
    %dma_start3A_144 = arith.constant 2 : i32
    %dma_start3A_145 = arith.constant 0 : i32
    %dma_start3A_146 = arith.constant 0 : i32
    %dma_start3A_147 = tpu.memref_slice %arg13[%dma_start3A_144, %dma_start3A_145, %dma_start3A_146] : memref<8x32x128xf32, #tpu.memory_space<vmem>> -> memref<1x32x128xf32, #tpu.memory_space<vmem>>
    %dma_start3A_148 = tpu.memref_squeeze %dma_start3A_147 : memref<1x32x128xf32, #tpu.memory_space<vmem>> -> memref<32x128xf32, #tpu.memory_space<vmem>>
    %dma_start3A_149 = arith.constant 0 : i32
    %dma_start3A_150 = tpu.memref_slice %arg5[%dma_start3A_149, %mul3A_124] : memref<32x1000000xf32, #tpu.memory_space<hbm>> -> memref<32x128xf32, #tpu.memory_space<hbm>>
    %dma_start3A_151 = arith.constant 0 : i32
    %dma_start3A_152 = arith.constant 0 : i32
    %dma_start3A_153 = tpu.memref_slice %arg13[%dma_start3A_144, %dma_start3A_151, %dma_start3A_152] : memref<8x32x128xf32, #tpu.memory_space<vmem>> -> memref<1x32x128xf32, #tpu.memory_space<vmem>>
    %dma_start3A_154 = tpu.memref_squeeze %dma_start3A_153 : memref<1x32x128xf32, #tpu.memory_space<vmem>> -> memref<32x128xf32, #tpu.memory_space<vmem>>
    %dma_start3A_155 = arith.constant 0 : i32
    %dma_start3A_156 = tpu.memref_slice %arg5[%dma_start3A_155, %mul3A_124] : memref<32x1000000xf32, #tpu.memory_space<hbm>> -> memref<32x128xf32, #tpu.memory_space<hbm>>
    tpu.enqueue_dma source(%dma_start3A_156 : memref<32x128xf32, #tpu.memory_space<hbm>>) target(%dma_start3A_154 : memref<32x128xf32, #tpu.memory_space<vmem>>) target_semaphore(%arg18 : memref<!tpu.dma_semaphore, #tpu.memory_space<semaphore_mem>>)
    %dma_start3A_157 = arith.constant 2 : i32
    %dma_start3A_158 = arith.constant 0 : i32
    %dma_start3A_159 = tpu.memref_slice %arg14[%dma_start3A_157, %dma_start3A_158] : memref<8x16xf32, #tpu.memory_space<vmem>> -> memref<1x16xf32, #tpu.memory_space<vmem>>
    %dma_start3A_160 = tpu.memref_squeeze %dma_start3A_159 : memref<1x16xf32, #tpu.memory_space<vmem>> -> memref<16xf32, #tpu.memory_space<vmem>>
    %dma_start3A_161 = tpu.memref_slice %arg6[%mul3A_130] : memref<1000000xf32, #tpu.memory_space<hbm>> -> memref<16xf32, #tpu.memory_space<hbm>>
    %dma_start3A_162 = arith.constant 0 : i32
    %dma_start3A_163 = tpu.memref_slice %arg14[%dma_start3A_157, %dma_start3A_162] : memref<8x16xf32, #tpu.memory_space<vmem>> -> memref<1x16xf32, #tpu.memory_space<vmem>>
    %dma_start3A_164 = tpu.memref_squeeze %dma_start3A_163 : memref<1x16xf32, #tpu.memory_space<vmem>> -> memref<16xf32, #tpu.memory_space<vmem>>
    %dma_start3A_165 = tpu.memref_slice %arg6[%mul3A_130] : memref<1000000xf32, #tpu.memory_space<hbm>> -> memref<16xf32, #tpu.memory_space<hbm>>
    tpu.enqueue_dma source(%dma_start3A_165 : memref<16xf32, #tpu.memory_space<hbm>>) target(%dma_start3A_164 : memref<16xf32, #tpu.memory_space<vmem>>) target_semaphore(%arg18 : memref<!tpu.dma_semaphore, #tpu.memory_space<semaphore_mem>>)
    %slice3A_166 = vector.extract_strided_slice %gather3A {offsets = [3], sizes = [1], strides = [1]} : vector<16xi32> to vector<1xi32>
    %squeeze3A_167 = vector.extract %slice3A_166[0] : i32 from vector<1xi32>
    %div3A_168 = arith.constant 128 : i32
    %div3A_169 = arith.divsi %squeeze3A_167, %div3A_168 : i32
    %mul3A_170 = arith.constant 128 : i32
    %mul3A_171 = arith.muli %div3A_169, %mul3A_170 : i32
    %slice3A_172 = vector.extract_strided_slice %gather3A_10 {offsets = [3], sizes = [1], strides = [1]} : vector<16xi32> to vector<1xi32>
    %squeeze3A_173 = vector.extract %slice3A_172[0] : i32 from vector<1xi32>
    %div3A_174 = arith.constant 128 : i32
    %div3A_175 = arith.divsi %squeeze3A_173, %div3A_174 : i32
    %mul3A_176 = arith.constant 128 : i32
    %mul3A_177 = arith.muli %div3A_175, %mul3A_176 : i32
    %slice3A_178 = vector.extract_strided_slice %gather3A_10 {offsets = [3], sizes = [1], strides = [1]} : vector<16xi32> to vector<1xi32>
    %squeeze3A_179 = vector.extract %slice3A_178[0] : i32 from vector<1xi32>
    %div3A_180 = arith.constant 16 : i32
    %div3A_181 = arith.divsi %squeeze3A_179, %div3A_180 : i32
    %mul3A_182 = arith.constant 16 : i32
    %mul3A_183 = arith.muli %div3A_181, %mul3A_182 : i32
    %dma_start3A_184 = arith.constant 3 : i32
    %dma_start3A_185 = arith.constant 0 : i32
    %dma_start3A_186 = arith.constant 0 : i32
    %dma_start3A_187 = tpu.memref_slice %arg12[%dma_start3A_184, %dma_start3A_185, %dma_start3A_186] : memref<8x32x128xf32, #tpu.memory_space<vmem>> -> memref<1x32x128xf32, #tpu.memory_space<vmem>>
    %dma_start3A_188 = tpu.memref_squeeze %dma_start3A_187 : memref<1x32x128xf32, #tpu.memory_space<vmem>> -> memref<32x128xf32, #tpu.memory_space<vmem>>
    %dma_start3A_189 = arith.constant 0 : i32
    %dma_start3A_190 = tpu.memref_slice %arg4[%dma_start3A_189, %mul3A_171] : memref<32x1000000xf32, #tpu.memory_space<hbm>> -> memref<32x128xf32, #tpu.memory_space<hbm>>
    %dma_start3A_191 = arith.constant 0 : i32
    %dma_start3A_192 = arith.constant 0 : i32
    %dma_start3A_193 = tpu.memref_slice %arg12[%dma_start3A_184, %dma_start3A_191, %dma_start3A_192] : memref<8x32x128xf32, #tpu.memory_space<vmem>> -> memref<1x32x128xf32, #tpu.memory_space<vmem>>
    %dma_start3A_194 = tpu.memref_squeeze %dma_start3A_193 : memref<1x32x128xf32, #tpu.memory_space<vmem>> -> memref<32x128xf32, #tpu.memory_space<vmem>>
    %dma_start3A_195 = arith.constant 0 : i32
    %dma_start3A_196 = tpu.memref_slice %arg4[%dma_start3A_195, %mul3A_171] : memref<32x1000000xf32, #tpu.memory_space<hbm>> -> memref<32x128xf32, #tpu.memory_space<hbm>>
    tpu.enqueue_dma source(%dma_start3A_196 : memref<32x128xf32, #tpu.memory_space<hbm>>) target(%dma_start3A_194 : memref<32x128xf32, #tpu.memory_space<vmem>>) target_semaphore(%arg19 : memref<!tpu.dma_semaphore, #tpu.memory_space<semaphore_mem>>)
    %dma_start3A_197 = arith.constant 3 : i32
    %dma_start3A_198 = arith.constant 0 : i32
    %dma_start3A_199 = arith.constant 0 : i32
    %dma_start3A_200 = tpu.memref_slice %arg13[%dma_start3A_197, %dma_start3A_198, %dma_start3A_199] : memref<8x32x128xf32, #tpu.memory_space<vmem>> -> memref<1x32x128xf32, #tpu.memory_space<vmem>>
    %dma_start3A_201 = tpu.memref_squeeze %dma_start3A_200 : memref<1x32x128xf32, #tpu.memory_space<vmem>> -> memref<32x128xf32, #tpu.memory_space<vmem>>
    %dma_start3A_202 = arith.constant 0 : i32
    %dma_start3A_203 = tpu.memref_slice %arg5[%dma_start3A_202, %mul3A_177] : memref<32x1000000xf32, #tpu.memory_space<hbm>> -> memref<32x128xf32, #tpu.memory_space<hbm>>
    %dma_start3A_204 = arith.constant 0 : i32
    %dma_start3A_205 = arith.constant 0 : i32
    %dma_start3A_206 = tpu.memref_slice %arg13[%dma_start3A_197, %dma_start3A_204, %dma_start3A_205] : memref<8x32x128xf32, #tpu.memory_space<vmem>> -> memref<1x32x128xf32, #tpu.memory_space<vmem>>
    %dma_start3A_207 = tpu.memref_squeeze %dma_start3A_206 : memref<1x32x128xf32, #tpu.memory_space<vmem>> -> memref<32x128xf32, #tpu.memory_space<vmem>>
    %dma_start3A_208 = arith.constant 0 : i32
    %dma_start3A_209 = tpu.memref_slice %arg5[%dma_start3A_208, %mul3A_177] : memref<32x1000000xf32, #tpu.memory_space<hbm>> -> memref<32x128xf32, #tpu.memory_space<hbm>>
    tpu.enqueue_dma source(%dma_start3A_209 : memref<32x128xf32, #tpu.memory_space<hbm>>) target(%dma_start3A_207 : memref<32x128xf32, #tpu.memory_space<vmem>>) target_semaphore(%arg19 : memref<!tpu.dma_semaphore, #tpu.memory_space<semaphore_mem>>)
    %dma_start3A_210 = arith.constant 3 : i32
    %dma_start3A_211 = arith.constant 0 : i32
    %dma_start3A_212 = tpu.memref_slice %arg14[%dma_start3A_210, %dma_start3A_211] : memref<8x16xf32, #tpu.memory_space<vmem>> -> memref<1x16xf32, #tpu.memory_space<vmem>>
    %dma_start3A_213 = tpu.memref_squeeze %dma_start3A_212 : memref<1x16xf32, #tpu.memory_space<vmem>> -> memref<16xf32, #tpu.memory_space<vmem>>
    %dma_start3A_214 = tpu.memref_slice %arg6[%mul3A_183] : memref<1000000xf32, #tpu.memory_space<hbm>> -> memref<16xf32, #tpu.memory_space<hbm>>
    %dma_start3A_215 = arith.constant 0 : i32
    %dma_start3A_216 = tpu.memref_slice %arg14[%dma_start3A_210, %dma_start3A_215] : memref<8x16xf32, #tpu.memory_space<vmem>> -> memref<1x16xf32, #tpu.memory_space<vmem>>
    %dma_start3A_217 = tpu.memref_squeeze %dma_start3A_216 : memref<1x16xf32, #tpu.memory_space<vmem>> -> memref<16xf32, #tpu.memory_space<vmem>>
    %dma_start3A_218 = tpu.memref_slice %arg6[%mul3A_183] : memref<1000000xf32, #tpu.memory_space<hbm>> -> memref<16xf32, #tpu.memory_space<hbm>>
    tpu.enqueue_dma source(%dma_start3A_218 : memref<16xf32, #tpu.memory_space<hbm>>) target(%dma_start3A_217 : memref<16xf32, #tpu.memory_space<vmem>>) target_semaphore(%arg19 : memref<!tpu.dma_semaphore, #tpu.memory_space<semaphore_mem>>)
    %slice3A_219 = vector.extract_strided_slice %gather3A {offsets = [4], sizes = [1], strides = [1]} : vector<16xi32> to vector<1xi32>
    %squeeze3A_220 = vector.extract %slice3A_219[0] : i32 from vector<1xi32>
    %div3A_221 = arith.constant 128 : i32
    %div3A_222 = arith.divsi %squeeze3A_220, %div3A_221 : i32
    %mul3A_223 = arith.constant 128 : i32
    %mul3A_224 = arith.muli %div3A_222, %mul3A_223 : i32
    %slice3A_225 = vector.extract_strided_slice %gather3A_10 {offsets = [4], sizes = [1], strides = [1]} : vector<16xi32> to vector<1xi32>
    %squeeze3A_226 = vector.extract %slice3A_225[0] : i32 from vector<1xi32>
    %div3A_227 = arith.constant 128 : i32
    %div3A_228 = arith.divsi %squeeze3A_226, %div3A_227 : i32
    %mul3A_229 = arith.constant 128 : i32
    %mul3A_230 = arith.muli %div3A_228, %mul3A_229 : i32
    %slice3A_231 = vector.extract_strided_slice %gather3A_10 {offsets = [4], sizes = [1], strides = [1]} : vector<16xi32> to vector<1xi32>
    %squeeze3A_232 = vector.extract %slice3A_231[0] : i32 from vector<1xi32>
    %div3A_233 = arith.constant 16 : i32
    %div3A_234 = arith.divsi %squeeze3A_232, %div3A_233 : i32
    %mul3A_235 = arith.constant 16 : i32
    %mul3A_236 = arith.muli %div3A_234, %mul3A_235 : i32
    %dma_start3A_237 = arith.constant 4 : i32
    %dma_start3A_238 = arith.constant 0 : i32
    %dma_start3A_239 = arith.constant 0 : i32
    %dma_start3A_240 = tpu.memref_slice %arg12[%dma_start3A_237, %dma_start3A_238, %dma_start3A_239] : memref<8x32x128xf32, #tpu.memory_space<vmem>> -> memref<1x32x128xf32, #tpu.memory_space<vmem>>
    %dma_start3A_241 = tpu.memref_squeeze %dma_start3A_240 : memref<1x32x128xf32, #tpu.memory_space<vmem>> -> memref<32x128xf32, #tpu.memory_space<vmem>>
    %dma_start3A_242 = arith.constant 0 : i32
    %dma_start3A_243 = tpu.memref_slice %arg4[%dma_start3A_242, %mul3A_224] : memref<32x1000000xf32, #tpu.memory_space<hbm>> -> memref<32x128xf32, #tpu.memory_space<hbm>>
    %dma_start3A_244 = arith.constant 0 : i32
    %dma_start3A_245 = arith.constant 0 : i32
    %dma_start3A_246 = tpu.memref_slice %arg12[%dma_start3A_237, %dma_start3A_244, %dma_start3A_245] : memref<8x32x128xf32, #tpu.memory_space<vmem>> -> memref<1x32x128xf32, #tpu.memory_space<vmem>>
    %dma_start3A_247 = tpu.memref_squeeze %dma_start3A_246 : memref<1x32x128xf32, #tpu.memory_space<vmem>> -> memref<32x128xf32, #tpu.memory_space<vmem>>
    %dma_start3A_248 = arith.constant 0 : i32
    %dma_start3A_249 = tpu.memref_slice %arg4[%dma_start3A_248, %mul3A_224] : memref<32x1000000xf32, #tpu.memory_space<hbm>> -> memref<32x128xf32, #tpu.memory_space<hbm>>
    tpu.enqueue_dma source(%dma_start3A_249 : memref<32x128xf32, #tpu.memory_space<hbm>>) target(%dma_start3A_247 : memref<32x128xf32, #tpu.memory_space<vmem>>) target_semaphore(%arg20 : memref<!tpu.dma_semaphore, #tpu.memory_space<semaphore_mem>>)
    %dma_start3A_250 = arith.constant 4 : i32
    %dma_start3A_251 = arith.constant 0 : i32
    %dma_start3A_252 = arith.constant 0 : i32
    %dma_start3A_253 = tpu.memref_slice %arg13[%dma_start3A_250, %dma_start3A_251, %dma_start3A_252] : memref<8x32x128xf32, #tpu.memory_space<vmem>> -> memref<1x32x128xf32, #tpu.memory_space<vmem>>
    %dma_start3A_254 = tpu.memref_squeeze %dma_start3A_253 : memref<1x32x128xf32, #tpu.memory_space<vmem>> -> memref<32x128xf32, #tpu.memory_space<vmem>>
    %dma_start3A_255 = arith.constant 0 : i32
    %dma_start3A_256 = tpu.memref_slice %arg5[%dma_start3A_255, %mul3A_230] : memref<32x1000000xf32, #tpu.memory_space<hbm>> -> memref<32x128xf32, #tpu.memory_space<hbm>>
    %dma_start3A_257 = arith.constant 0 : i32
    %dma_start3A_258 = arith.constant 0 : i32
    %dma_start3A_259 = tpu.memref_slice %arg13[%dma_start3A_250, %dma_start3A_257, %dma_start3A_258] : memref<8x32x128xf32, #tpu.memory_space<vmem>> -> memref<1x32x128xf32, #tpu.memory_space<vmem>>
    %dma_start3A_260 = tpu.memref_squeeze %dma_start3A_259 : memref<1x32x128xf32, #tpu.memory_space<vmem>> -> memref<32x128xf32, #tpu.memory_space<vmem>>
    %dma_start3A_261 = arith.constant 0 : i32
    %dma_start3A_262 = tpu.memref_slice %arg5[%dma_start3A_261, %mul3A_230] : memref<32x1000000xf32, #tpu.memory_space<hbm>> -> memref<32x128xf32, #tpu.memory_space<hbm>>
    tpu.enqueue_dma source(%dma_start3A_262 : memref<32x128xf32, #tpu.memory_space<hbm>>) target(%dma_start3A_260 : memref<32x128xf32, #tpu.memory_space<vmem>>) target_semaphore(%arg20 : memref<!tpu.dma_semaphore, #tpu.memory_space<semaphore_mem>>)
    %dma_start3A_263 = arith.constant 4 : i32
    %dma_start3A_264 = arith.constant 0 : i32
    %dma_start3A_265 = tpu.memref_slice %arg14[%dma_start3A_263, %dma_start3A_264] : memref<8x16xf32, #tpu.memory_space<vmem>> -> memref<1x16xf32, #tpu.memory_space<vmem>>
    %dma_start3A_266 = tpu.memref_squeeze %dma_start3A_265 : memref<1x16xf32, #tpu.memory_space<vmem>> -> memref<16xf32, #tpu.memory_space<vmem>>
    %dma_start3A_267 = tpu.memref_slice %arg6[%mul3A_236] : memref<1000000xf32, #tpu.memory_space<hbm>> -> memref<16xf32, #tpu.memory_space<hbm>>
    %dma_start3A_268 = arith.constant 0 : i32
    %dma_start3A_269 = tpu.memref_slice %arg14[%dma_start3A_263, %dma_start3A_268] : memref<8x16xf32, #tpu.memory_space<vmem>> -> memref<1x16xf32, #tpu.memory_space<vmem>>
    %dma_start3A_270 = tpu.memref_squeeze %dma_start3A_269 : memref<1x16xf32, #tpu.memory_space<vmem>> -> memref<16xf32, #tpu.memory_space<vmem>>
    %dma_start3A_271 = tpu.memref_slice %arg6[%mul3A_236] : memref<1000000xf32, #tpu.memory_space<hbm>> -> memref<16xf32, #tpu.memory_space<hbm>>
    tpu.enqueue_dma source(%dma_start3A_271 : memref<16xf32, #tpu.memory_space<hbm>>) target(%dma_start3A_270 : memref<16xf32, #tpu.memory_space<vmem>>) target_semaphore(%arg20 : memref<!tpu.dma_semaphore, #tpu.memory_space<semaphore_mem>>)
    %slice3A_272 = vector.extract_strided_slice %gather3A {offsets = [5], sizes = [1], strides = [1]} : vector<16xi32> to vector<1xi32>
    %squeeze3A_273 = vector.extract %slice3A_272[0] : i32 from vector<1xi32>
    %div3A_274 = arith.constant 128 : i32
    %div3A_275 = arith.divsi %squeeze3A_273, %div3A_274 : i32
    %mul3A_276 = arith.constant 128 : i32
    %mul3A_277 = arith.muli %div3A_275, %mul3A_276 : i32
    %slice3A_278 = vector.extract_strided_slice %gather3A_10 {offsets = [5], sizes = [1], strides = [1]} : vector<16xi32> to vector<1xi32>
    %squeeze3A_279 = vector.extract %slice3A_278[0] : i32 from vector<1xi32>
    %div3A_280 = arith.constant 128 : i32
    %div3A_281 = arith.divsi %squeeze3A_279, %div3A_280 : i32
    %mul3A_282 = arith.constant 128 : i32
    %mul3A_283 = arith.muli %div3A_281, %mul3A_282 : i32
    %slice3A_284 = vector.extract_strided_slice %gather3A_10 {offsets = [5], sizes = [1], strides = [1]} : vector<16xi32> to vector<1xi32>
    %squeeze3A_285 = vector.extract %slice3A_284[0] : i32 from vector<1xi32>
    %div3A_286 = arith.constant 16 : i32
    %div3A_287 = arith.divsi %squeeze3A_285, %div3A_286 : i32
    %mul3A_288 = arith.constant 16 : i32
    %mul3A_289 = arith.muli %div3A_287, %mul3A_288 : i32
    %dma_start3A_290 = arith.constant 5 : i32
    %dma_start3A_291 = arith.constant 0 : i32
    %dma_start3A_292 = arith.constant 0 : i32
    %dma_start3A_293 = tpu.memref_slice %arg12[%dma_start3A_290, %dma_start3A_291, %dma_start3A_292] : memref<8x32x128xf32, #tpu.memory_space<vmem>> -> memref<1x32x128xf32, #tpu.memory_space<vmem>>
    %dma_start3A_294 = tpu.memref_squeeze %dma_start3A_293 : memref<1x32x128xf32, #tpu.memory_space<vmem>> -> memref<32x128xf32, #tpu.memory_space<vmem>>
    %dma_start3A_295 = arith.constant 0 : i32
    %dma_start3A_296 = tpu.memref_slice %arg4[%dma_start3A_295, %mul3A_277] : memref<32x1000000xf32, #tpu.memory_space<hbm>> -> memref<32x128xf32, #tpu.memory_space<hbm>>
    %dma_start3A_297 = arith.constant 0 : i32
    %dma_start3A_298 = arith.constant 0 : i32
    %dma_start3A_299 = tpu.memref_slice %arg12[%dma_start3A_290, %dma_start3A_297, %dma_start3A_298] : memref<8x32x128xf32, #tpu.memory_space<vmem>> -> memref<1x32x128xf32, #tpu.memory_space<vmem>>
    %dma_start3A_300 = tpu.memref_squeeze %dma_start3A_299 : memref<1x32x128xf32, #tpu.memory_space<vmem>> -> memref<32x128xf32, #tpu.memory_space<vmem>>
    %dma_start3A_301 = arith.constant 0 : i32
    %dma_start3A_302 = tpu.memref_slice %arg4[%dma_start3A_301, %mul3A_277] : memref<32x1000000xf32, #tpu.memory_space<hbm>> -> memref<32x128xf32, #tpu.memory_space<hbm>>
    tpu.enqueue_dma source(%dma_start3A_302 : memref<32x128xf32, #tpu.memory_space<hbm>>) target(%dma_start3A_300 : memref<32x128xf32, #tpu.memory_space<vmem>>) target_semaphore(%arg21 : memref<!tpu.dma_semaphore, #tpu.memory_space<semaphore_mem>>)
    %dma_start3A_303 = arith.constant 5 : i32
    %dma_start3A_304 = arith.constant 0 : i32
    %dma_start3A_305 = arith.constant 0 : i32
    %dma_start3A_306 = tpu.memref_slice %arg13[%dma_start3A_303, %dma_start3A_304, %dma_start3A_305] : memref<8x32x128xf32, #tpu.memory_space<vmem>> -> memref<1x32x128xf32, #tpu.memory_space<vmem>>
    %dma_start3A_307 = tpu.memref_squeeze %dma_start3A_306 : memref<1x32x128xf32, #tpu.memory_space<vmem>> -> memref<32x128xf32, #tpu.memory_space<vmem>>
    %dma_start3A_308 = arith.constant 0 : i32
    %dma_start3A_309 = tpu.memref_slice %arg5[%dma_start3A_308, %mul3A_283] : memref<32x1000000xf32, #tpu.memory_space<hbm>> -> memref<32x128xf32, #tpu.memory_space<hbm>>
    %dma_start3A_310 = arith.constant 0 : i32
    %dma_start3A_311 = arith.constant 0 : i32
    %dma_start3A_312 = tpu.memref_slice %arg13[%dma_start3A_303, %dma_start3A_310, %dma_start3A_311] : memref<8x32x128xf32, #tpu.memory_space<vmem>> -> memref<1x32x128xf32, #tpu.memory_space<vmem>>
    %dma_start3A_313 = tpu.memref_squeeze %dma_start3A_312 : memref<1x32x128xf32, #tpu.memory_space<vmem>> -> memref<32x128xf32, #tpu.memory_space<vmem>>
    %dma_start3A_314 = arith.constant 0 : i32
    %dma_start3A_315 = tpu.memref_slice %arg5[%dma_start3A_314, %mul3A_283] : memref<32x1000000xf32, #tpu.memory_space<hbm>> -> memref<32x128xf32, #tpu.memory_space<hbm>>
    tpu.enqueue_dma source(%dma_start3A_315 : memref<32x128xf32, #tpu.memory_space<hbm>>) target(%dma_start3A_313 : memref<32x128xf32, #tpu.memory_space<vmem>>) target_semaphore(%arg21 : memref<!tpu.dma_semaphore, #tpu.memory_space<semaphore_mem>>)
    %dma_start3A_316 = arith.constant 5 : i32
    %dma_start3A_317 = arith.constant 0 : i32
    %dma_start3A_318 = tpu.memref_slice %arg14[%dma_start3A_316, %dma_start3A_317] : memref<8x16xf32, #tpu.memory_space<vmem>> -> memref<1x16xf32, #tpu.memory_space<vmem>>
    %dma_start3A_319 = tpu.memref_squeeze %dma_start3A_318 : memref<1x16xf32, #tpu.memory_space<vmem>> -> memref<16xf32, #tpu.memory_space<vmem>>
    %dma_start3A_320 = tpu.memref_slice %arg6[%mul3A_289] : memref<1000000xf32, #tpu.memory_space<hbm>> -> memref<16xf32, #tpu.memory_space<hbm>>
    %dma_start3A_321 = arith.constant 0 : i32
    %dma_start3A_322 = tpu.memref_slice %arg14[%dma_start3A_316, %dma_start3A_321] : memref<8x16xf32, #tpu.memory_space<vmem>> -> memref<1x16xf32, #tpu.memory_space<vmem>>
    %dma_start3A_323 = tpu.memref_squeeze %dma_start3A_322 : memref<1x16xf32, #tpu.memory_space<vmem>> -> memref<16xf32, #tpu.memory_space<vmem>>
    %dma_start3A_324 = tpu.memref_slice %arg6[%mul3A_289] : memref<1000000xf32, #tpu.memory_space<hbm>> -> memref<16xf32, #tpu.memory_space<hbm>>
    tpu.enqueue_dma source(%dma_start3A_324 : memref<16xf32, #tpu.memory_space<hbm>>) target(%dma_start3A_323 : memref<16xf32, #tpu.memory_space<vmem>>) target_semaphore(%arg21 : memref<!tpu.dma_semaphore, #tpu.memory_space<semaphore_mem>>)
    %slice3A_325 = vector.extract_strided_slice %gather3A {offsets = [6], sizes = [1], strides = [1]} : vector<16xi32> to vector<1xi32>
    %squeeze3A_326 = vector.extract %slice3A_325[0] : i32 from vector<1xi32>
    %div3A_327 = arith.constant 128 : i32
    %div3A_328 = arith.divsi %squeeze3A_326, %div3A_327 : i32
    %mul3A_329 = arith.constant 128 : i32
    %mul3A_330 = arith.muli %div3A_328, %mul3A_329 : i32
    %slice3A_331 = vector.extract_strided_slice %gather3A_10 {offsets = [6], sizes = [1], strides = [1]} : vector<16xi32> to vector<1xi32>
    %squeeze3A_332 = vector.extract %slice3A_331[0] : i32 from vector<1xi32>
    %div3A_333 = arith.constant 128 : i32
    %div3A_334 = arith.divsi %squeeze3A_332, %div3A_333 : i32
    %mul3A_335 = arith.constant 128 : i32
    %mul3A_336 = arith.muli %div3A_334, %mul3A_335 : i32
    %slice3A_337 = vector.extract_strided_slice %gather3A_10 {offsets = [6], sizes = [1], strides = [1]} : vector<16xi32> to vector<1xi32>
    %squeeze3A_338 = vector.extract %slice3A_337[0] : i32 from vector<1xi32>
    %div3A_339 = arith.constant 16 : i32
    %div3A_340 = arith.divsi %squeeze3A_338, %div3A_339 : i32
    %mul3A_341 = arith.constant 16 : i32
    %mul3A_342 = arith.muli %div3A_340, %mul3A_341 : i32
    %dma_start3A_343 = arith.constant 6 : i32
    %dma_start3A_344 = arith.constant 0 : i32
    %dma_start3A_345 = arith.constant 0 : i32
    %dma_start3A_346 = tpu.memref_slice %arg12[%dma_start3A_343, %dma_start3A_344, %dma_start3A_345] : memref<8x32x128xf32, #tpu.memory_space<vmem>> -> memref<1x32x128xf32, #tpu.memory_space<vmem>>
    %dma_start3A_347 = tpu.memref_squeeze %dma_start3A_346 : memref<1x32x128xf32, #tpu.memory_space<vmem>> -> memref<32x128xf32, #tpu.memory_space<vmem>>
    %dma_start3A_348 = arith.constant 0 : i32
    %dma_start3A_349 = tpu.memref_slice %arg4[%dma_start3A_348, %mul3A_330] : memref<32x1000000xf32, #tpu.memory_space<hbm>> -> memref<32x128xf32, #tpu.memory_space<hbm>>
    %dma_start3A_350 = arith.constant 0 : i32
    %dma_start3A_351 = arith.constant 0 : i32
    %dma_start3A_352 = tpu.memref_slice %arg12[%dma_start3A_343, %dma_start3A_350, %dma_start3A_351] : memref<8x32x128xf32, #tpu.memory_space<vmem>> -> memref<1x32x128xf32, #tpu.memory_space<vmem>>
    %dma_start3A_353 = tpu.memref_squeeze %dma_start3A_352 : memref<1x32x128xf32, #tpu.memory_space<vmem>> -> memref<32x128xf32, #tpu.memory_space<vmem>>
    %dma_start3A_354 = arith.constant 0 : i32
    %dma_start3A_355 = tpu.memref_slice %arg4[%dma_start3A_354, %mul3A_330] : memref<32x1000000xf32, #tpu.memory_space<hbm>> -> memref<32x128xf32, #tpu.memory_space<hbm>>
    tpu.enqueue_dma source(%dma_start3A_355 : memref<32x128xf32, #tpu.memory_space<hbm>>) target(%dma_start3A_353 : memref<32x128xf32, #tpu.memory_space<vmem>>) target_semaphore(%arg22 : memref<!tpu.dma_semaphore, #tpu.memory_space<semaphore_mem>>)
    %dma_start3A_356 = arith.constant 6 : i32
    %dma_start3A_357 = arith.constant 0 : i32
    %dma_start3A_358 = arith.constant 0 : i32
    %dma_start3A_359 = tpu.memref_slice %arg13[%dma_start3A_356, %dma_start3A_357, %dma_start3A_358] : memref<8x32x128xf32, #tpu.memory_space<vmem>> -> memref<1x32x128xf32, #tpu.memory_space<vmem>>
    %dma_start3A_360 = tpu.memref_squeeze %dma_start3A_359 : memref<1x32x128xf32, #tpu.memory_space<vmem>> -> memref<32x128xf32, #tpu.memory_space<vmem>>
    %dma_start3A_361 = arith.constant 0 : i32
    %dma_start3A_362 = tpu.memref_slice %arg5[%dma_start3A_361, %mul3A_336] : memref<32x1000000xf32, #tpu.memory_space<hbm>> -> memref<32x128xf32, #tpu.memory_space<hbm>>
    %dma_start3A_363 = arith.constant 0 : i32
    %dma_start3A_364 = arith.constant 0 : i32
    %dma_start3A_365 = tpu.memref_slice %arg13[%dma_start3A_356, %dma_start3A_363, %dma_start3A_364] : memref<8x32x128xf32, #tpu.memory_space<vmem>> -> memref<1x32x128xf32, #tpu.memory_space<vmem>>
    %dma_start3A_366 = tpu.memref_squeeze %dma_start3A_365 : memref<1x32x128xf32, #tpu.memory_space<vmem>> -> memref<32x128xf32, #tpu.memory_space<vmem>>
    %dma_start3A_367 = arith.constant 0 : i32
    %dma_start3A_368 = tpu.memref_slice %arg5[%dma_start3A_367, %mul3A_336] : memref<32x1000000xf32, #tpu.memory_space<hbm>> -> memref<32x128xf32, #tpu.memory_space<hbm>>
    tpu.enqueue_dma source(%dma_start3A_368 : memref<32x128xf32, #tpu.memory_space<hbm>>) target(%dma_start3A_366 : memref<32x128xf32, #tpu.memory_space<vmem>>) target_semaphore(%arg22 : memref<!tpu.dma_semaphore, #tpu.memory_space<semaphore_mem>>)
    %dma_start3A_369 = arith.constant 6 : i32
    %dma_start3A_370 = arith.constant 0 : i32
    %dma_start3A_371 = tpu.memref_slice %arg14[%dma_start3A_369, %dma_start3A_370] : memref<8x16xf32, #tpu.memory_space<vmem>> -> memref<1x16xf32, #tpu.memory_space<vmem>>
    %dma_start3A_372 = tpu.memref_squeeze %dma_start3A_371 : memref<1x16xf32, #tpu.memory_space<vmem>> -> memref<16xf32, #tpu.memory_space<vmem>>
    %dma_start3A_373 = tpu.memref_slice %arg6[%mul3A_342] : memref<1000000xf32, #tpu.memory_space<hbm>> -> memref<16xf32, #tpu.memory_space<hbm>>
    %dma_start3A_374 = arith.constant 0 : i32
    %dma_start3A_375 = tpu.memref_slice %arg14[%dma_start3A_369, %dma_start3A_374] : memref<8x16xf32, #tpu.memory_space<vmem>> -> memref<1x16xf32, #tpu.memory_space<vmem>>
    %dma_start3A_376 = tpu.memref_squeeze %dma_start3A_375 : memref<1x16xf32, #tpu.memory_space<vmem>> -> memref<16xf32, #tpu.memory_space<vmem>>
    %dma_start3A_377 = tpu.memref_slice %arg6[%mul3A_342] : memref<1000000xf32, #tpu.memory_space<hbm>> -> memref<16xf32, #tpu.memory_space<hbm>>
    tpu.enqueue_dma source(%dma_start3A_377 : memref<16xf32, #tpu.memory_space<hbm>>) target(%dma_start3A_376 : memref<16xf32, #tpu.memory_space<vmem>>) target_semaphore(%arg22 : memref<!tpu.dma_semaphore, #tpu.memory_space<semaphore_mem>>)
    %slice3A_378 = vector.extract_strided_slice %gather3A {offsets = [7], sizes = [1], strides = [1]} : vector<16xi32> to vector<1xi32>
    %squeeze3A_379 = vector.extract %slice3A_378[0] : i32 from vector<1xi32>
    %div3A_380 = arith.constant 128 : i32
    %div3A_381 = arith.divsi %squeeze3A_379, %div3A_380 : i32
    %mul3A_382 = arith.constant 128 : i32
    %mul3A_383 = arith.muli %div3A_381, %mul3A_382 : i32
    %slice3A_384 = vector.extract_strided_slice %gather3A_10 {offsets = [7], sizes = [1], strides = [1]} : vector<16xi32> to vector<1xi32>
    %squeeze3A_385 = vector.extract %slice3A_384[0] : i32 from vector<1xi32>
    %div3A_386 = arith.constant 128 : i32
    %div3A_387 = arith.divsi %squeeze3A_385, %div3A_386 : i32
    %mul3A_388 = arith.constant 128 : i32
    %mul3A_389 = arith.muli %div3A_387, %mul3A_388 : i32
    %slice3A_390 = vector.extract_strided_slice %gather3A_10 {offsets = [7], sizes = [1], strides = [1]} : vector<16xi32> to vector<1xi32>
    %squeeze3A_391 = vector.extract %slice3A_390[0] : i32 from vector<1xi32>
    %div3A_392 = arith.constant 16 : i32
    %div3A_393 = arith.divsi %squeeze3A_391, %div3A_392 : i32
    %mul3A_394 = arith.constant 16 : i32
    %mul3A_395 = arith.muli %div3A_393, %mul3A_394 : i32
    %dma_start3A_396 = arith.constant 7 : i32
    %dma_start3A_397 = arith.constant 0 : i32
    %dma_start3A_398 = arith.constant 0 : i32
    %dma_start3A_399 = tpu.memref_slice %arg12[%dma_start3A_396, %dma_start3A_397, %dma_start3A_398] : memref<8x32x128xf32, #tpu.memory_space<vmem>> -> memref<1x32x128xf32, #tpu.memory_space<vmem>>
    %dma_start3A_400 = tpu.memref_squeeze %dma_start3A_399 : memref<1x32x128xf32, #tpu.memory_space<vmem>> -> memref<32x128xf32, #tpu.memory_space<vmem>>
    %dma_start3A_401 = arith.constant 0 : i32
    %dma_start3A_402 = tpu.memref_slice %arg4[%dma_start3A_401, %mul3A_383] : memref<32x1000000xf32, #tpu.memory_space<hbm>> -> memref<32x128xf32, #tpu.memory_space<hbm>>
    %dma_start3A_403 = arith.constant 0 : i32
    %dma_start3A_404 = arith.constant 0 : i32
    %dma_start3A_405 = tpu.memref_slice %arg12[%dma_start3A_396, %dma_start3A_403, %dma_start3A_404] : memref<8x32x128xf32, #tpu.memory_space<vmem>> -> memref<1x32x128xf32, #tpu.memory_space<vmem>>
    %dma_start3A_406 = tpu.memref_squeeze %dma_start3A_405 : memref<1x32x128xf32, #tpu.memory_space<vmem>> -> memref<32x128xf32, #tpu.memory_space<vmem>>
    %dma_start3A_407 = arith.constant 0 : i32
    %dma_start3A_408 = tpu.memref_slice %arg4[%dma_start3A_407, %mul3A_383] : memref<32x1000000xf32, #tpu.memory_space<hbm>> -> memref<32x128xf32, #tpu.memory_space<hbm>>
    tpu.enqueue_dma source(%dma_start3A_408 : memref<32x128xf32, #tpu.memory_space<hbm>>) target(%dma_start3A_406 : memref<32x128xf32, #tpu.memory_space<vmem>>) target_semaphore(%arg23 : memref<!tpu.dma_semaphore, #tpu.memory_space<semaphore_mem>>)
    %dma_start3A_409 = arith.constant 7 : i32
    %dma_start3A_410 = arith.constant 0 : i32
    %dma_start3A_411 = arith.constant 0 : i32
    %dma_start3A_412 = tpu.memref_slice %arg13[%dma_start3A_409, %dma_start3A_410, %dma_start3A_411] : memref<8x32x128xf32, #tpu.memory_space<vmem>> -> memref<1x32x128xf32, #tpu.memory_space<vmem>>
    %dma_start3A_413 = tpu.memref_squeeze %dma_start3A_412 : memref<1x32x128xf32, #tpu.memory_space<vmem>> -> memref<32x128xf32, #tpu.memory_space<vmem>>
    %dma_start3A_414 = arith.constant 0 : i32
    %dma_start3A_415 = tpu.memref_slice %arg5[%dma_start3A_414, %mul3A_389] : memref<32x1000000xf32, #tpu.memory_space<hbm>> -> memref<32x128xf32, #tpu.memory_space<hbm>>
    %dma_start3A_416 = arith.constant 0 : i32
    %dma_start3A_417 = arith.constant 0 : i32
    %dma_start3A_418 = tpu.memref_slice %arg13[%dma_start3A_409, %dma_start3A_416, %dma_start3A_417] : memref<8x32x128xf32, #tpu.memory_space<vmem>> -> memref<1x32x128xf32, #tpu.memory_space<vmem>>
    %dma_start3A_419 = tpu.memref_squeeze %dma_start3A_418 : memref<1x32x128xf32, #tpu.memory_space<vmem>> -> memref<32x128xf32, #tpu.memory_space<vmem>>
    %dma_start3A_420 = arith.constant 0 : i32
    %dma_start3A_421 = tpu.memref_slice %arg5[%dma_start3A_420, %mul3A_389] : memref<32x1000000xf32, #tpu.memory_space<hbm>> -> memref<32x128xf32, #tpu.memory_space<hbm>>
    tpu.enqueue_dma source(%dma_start3A_421 : memref<32x128xf32, #tpu.memory_space<hbm>>) target(%dma_start3A_419 : memref<32x128xf32, #tpu.memory_space<vmem>>) target_semaphore(%arg23 : memref<!tpu.dma_semaphore, #tpu.memory_space<semaphore_mem>>)
    %dma_start3A_422 = arith.constant 7 : i32
    %dma_start3A_423 = arith.constant 0 : i32
    %dma_start3A_424 = tpu.memref_slice %arg14[%dma_start3A_422, %dma_start3A_423] : memref<8x16xf32, #tpu.memory_space<vmem>> -> memref<1x16xf32, #tpu.memory_space<vmem>>
    %dma_start3A_425 = tpu.memref_squeeze %dma_start3A_424 : memref<1x16xf32, #tpu.memory_space<vmem>> -> memref<16xf32, #tpu.memory_space<vmem>>
    %dma_start3A_426 = tpu.memref_slice %arg6[%mul3A_395] : memref<1000000xf32, #tpu.memory_space<hbm>> -> memref<16xf32, #tpu.memory_space<hbm>>
    %dma_start3A_427 = arith.constant 0 : i32
    %dma_start3A_428 = tpu.memref_slice %arg14[%dma_start3A_422, %dma_start3A_427] : memref<8x16xf32, #tpu.memory_space<vmem>> -> memref<1x16xf32, #tpu.memory_space<vmem>>
    %dma_start3A_429 = tpu.memref_squeeze %dma_start3A_428 : memref<1x16xf32, #tpu.memory_space<vmem>> -> memref<16xf32, #tpu.memory_space<vmem>>
    %dma_start3A_430 = tpu.memref_slice %arg6[%mul3A_395] : memref<1000000xf32, #tpu.memory_space<hbm>> -> memref<16xf32, #tpu.memory_space<hbm>>
    tpu.enqueue_dma source(%dma_start3A_430 : memref<16xf32, #tpu.memory_space<hbm>>) target(%dma_start3A_429 : memref<16xf32, #tpu.memory_space<vmem>>) target_semaphore(%arg23 : memref<!tpu.dma_semaphore, #tpu.memory_space<semaphore_mem>>)
    %scan3A = arith.constant 0 : i32
    %scan3A_431 = arith.constant 0 : i32
    %scan3A_432 = arith.constant 64 : i32
    %scan3A_433 = arith.addi %scan3A_431, %scan3A_432 : i32
    %scan3A_434 = arith.constant 1 : i32
    scf.for %scan3A_436 = %scan3A_431 to %scan3A_433 step %scan3A_434  : i32 {
      %mul3A_437 = arith.constant 8 : i32
      %mul3A_438 = arith.muli %scan3A_436, %mul3A_437 : i32
      %broadcast_in_dim3A_439 = vector.broadcast %mul3A_438 : i32 to vector<16xi32>
      %add3A_440 = arith.addi %broadcast_in_dim3A_439, %iota3A : vector<16xi32>
      %gather3A_441 = tpu.vector_load_idx %arg9[%add3A_440] : memref<544xi32, #tpu.memory_space<vmem>>[vector<16xi32>], vector<16xi32>,
      %gather3A_442 = tpu.vector_load_idx %arg10[%add3A_440] : memref<544xi32, #tpu.memory_space<vmem>>[vector<16xi32>], vector<16xi32>,
      %mul3A_443 = arith.constant 8 : i32
      %mul3A_444 = arith.muli %scan3A_436, %mul3A_443 : i32
      %add3A_445 = arith.constant 8 : i32
      %add3A_446 = arith.addi %mul3A_444, %add3A_445 : i32
      %broadcast_in_dim3A_447 = vector.broadcast %add3A_446 : i32 to vector<16xi32>
      %add3A_448 = arith.addi %broadcast_in_dim3A_447, %iota3A : vector<16xi32>
      %gather3A_449 = tpu.vector_load_idx %arg9[%add3A_448] : memref<544xi32, #tpu.memory_space<vmem>>[vector<16xi32>], vector<16xi32>,
      %gather3A_450 = tpu.vector_load_idx %arg10[%add3A_448] : memref<544xi32, #tpu.memory_space<vmem>>[vector<16xi32>], vector<16xi32>,
      %mul3A_451 = arith.constant 8 : i32
      %mul3A_452 = arith.muli %scan3A_436, %mul3A_451 : i32
      %add3A_453 = arith.constant 0 : i32
      %add3A_454 = arith.addi %mul3A_452, %add3A_453 : i32
      %dma_wait3A = arith.constant 0 : i32
      %dma_wait3A_455 = arith.constant 0 : i32
      %dma_wait3A_456 = arith.constant 0 : i32
      %dma_wait3A_457 = tpu.memref_slice %arg12[%dma_wait3A, %dma_wait3A_455, %dma_wait3A_456] : memref<8x32x128xf32, #tpu.memory_space<vmem>> -> memref<1x32x128xf32, #tpu.memory_space<vmem>>
      %dma_wait3A_458 = tpu.memref_squeeze %dma_wait3A_457 : memref<1x32x128xf32, #tpu.memory_space<vmem>> -> memref<32x128xf32, #tpu.memory_space<vmem>>
      %dma_wait3A_459 = arith.constant 0 : i32
      %dma_wait3A_460 = arith.constant 0 : i32
      %dma_wait3A_461 = tpu.memref_slice %arg4[%dma_wait3A_459, %dma_wait3A_460] : memref<32x1000000xf32, #tpu.memory_space<hbm>> -> memref<32x128xf32, #tpu.memory_space<hbm>>
      %dma_wait3A_462 = arith.constant 0 : i32
      %dma_wait3A_463 = arith.constant 0 : i32
      %dma_wait3A_464 = tpu.memref_slice %arg12[%dma_wait3A, %dma_wait3A_462, %dma_wait3A_463] : memref<8x32x128xf32, #tpu.memory_space<vmem>> -> memref<1x32x128xf32, #tpu.memory_space<vmem>>
      %dma_wait3A_465 = tpu.memref_squeeze %dma_wait3A_464 : memref<1x32x128xf32, #tpu.memory_space<vmem>> -> memref<32x128xf32, #tpu.memory_space<vmem>>
      %dma_wait3A_466 = arith.constant 0 : i32
      %dma_wait3A_467 = arith.constant 0 : i32
      %dma_wait3A_468 = tpu.memref_slice %arg4[%dma_wait3A_466, %dma_wait3A_467] : memref<32x1000000xf32, #tpu.memory_space<hbm>> -> memref<32x128xf32, #tpu.memory_space<hbm>>
      tpu.wait_dma2 semaphore(%arg16 : memref<!tpu.dma_semaphore, #tpu.memory_space<semaphore_mem>>) src(%dma_wait3A_468 : memref<32x128xf32, #tpu.memory_space<hbm>>) dst(%dma_wait3A_465 : memref<32x128xf32, #tpu.memory_space<vmem>>)
      %dma_wait3A_469 = arith.constant 0 : i32
      %dma_wait3A_470 = arith.constant 0 : i32
      %dma_wait3A_471 = arith.constant 0 : i32
      %dma_wait3A_472 = tpu.memref_slice %arg13[%dma_wait3A_469, %dma_wait3A_470, %dma_wait3A_471] : memref<8x32x128xf32, #tpu.memory_space<vmem>> -> memref<1x32x128xf32, #tpu.memory_space<vmem>>
      %dma_wait3A_473 = tpu.memref_squeeze %dma_wait3A_472 : memref<1x32x128xf32, #tpu.memory_space<vmem>> -> memref<32x128xf32, #tpu.memory_space<vmem>>
      %dma_wait3A_474 = arith.constant 0 : i32
      %dma_wait3A_475 = arith.constant 0 : i32
      %dma_wait3A_476 = tpu.memref_slice %arg5[%dma_wait3A_474, %dma_wait3A_475] : memref<32x1000000xf32, #tpu.memory_space<hbm>> -> memref<32x128xf32, #tpu.memory_space<hbm>>
      %dma_wait3A_477 = arith.constant 0 : i32
      %dma_wait3A_478 = arith.constant 0 : i32
      %dma_wait3A_479 = tpu.memref_slice %arg13[%dma_wait3A_469, %dma_wait3A_477, %dma_wait3A_478] : memref<8x32x128xf32, #tpu.memory_space<vmem>> -> memref<1x32x128xf32, #tpu.memory_space<vmem>>
      %dma_wait3A_480 = tpu.memref_squeeze %dma_wait3A_479 : memref<1x32x128xf32, #tpu.memory_space<vmem>> -> memref<32x128xf32, #tpu.memory_space<vmem>>
      %dma_wait3A_481 = arith.constant 0 : i32
      %dma_wait3A_482 = arith.constant 0 : i32
      %dma_wait3A_483 = tpu.memref_slice %arg5[%dma_wait3A_481, %dma_wait3A_482] : memref<32x1000000xf32, #tpu.memory_space<hbm>> -> memref<32x128xf32, #tpu.memory_space<hbm>>
      tpu.wait_dma2 semaphore(%arg16 : memref<!tpu.dma_semaphore, #tpu.memory_space<semaphore_mem>>) src(%dma_wait3A_483 : memref<32x128xf32, #tpu.memory_space<hbm>>) dst(%dma_wait3A_480 : memref<32x128xf32, #tpu.memory_space<vmem>>)
      %dma_wait3A_484 = arith.constant 0 : i32
      %dma_wait3A_485 = arith.constant 0 : i32
      %dma_wait3A_486 = tpu.memref_slice %arg14[%dma_wait3A_484, %dma_wait3A_485] : memref<8x16xf32, #tpu.memory_space<vmem>> -> memref<1x16xf32, #tpu.memory_space<vmem>>
      %dma_wait3A_487 = tpu.memref_squeeze %dma_wait3A_486 : memref<1x16xf32, #tpu.memory_space<vmem>> -> memref<16xf32, #tpu.memory_space<vmem>>
      %dma_wait3A_488 = arith.constant 0 : i32
      %dma_wait3A_489 = tpu.memref_slice %arg6[%dma_wait3A_488] : memref<1000000xf32, #tpu.memory_space<hbm>> -> memref<16xf32, #tpu.memory_space<hbm>>
      %dma_wait3A_490 = arith.constant 0 : i32
      %dma_wait3A_491 = tpu.memref_slice %arg14[%dma_wait3A_484, %dma_wait3A_490] : memref<8x16xf32, #tpu.memory_space<vmem>> -> memref<1x16xf32, #tpu.memory_space<vmem>>
      %dma_wait3A_492 = tpu.memref_squeeze %dma_wait3A_491 : memref<1x16xf32, #tpu.memory_space<vmem>> -> memref<16xf32, #tpu.memory_space<vmem>>
      %dma_wait3A_493 = arith.constant 0 : i32
      %dma_wait3A_494 = tpu.memref_slice %arg6[%dma_wait3A_493] : memref<1000000xf32, #tpu.memory_space<hbm>> -> memref<16xf32, #tpu.memory_space<hbm>>
      tpu.wait_dma2 semaphore(%arg16 : memref<!tpu.dma_semaphore, #tpu.memory_space<semaphore_mem>>) src(%dma_wait3A_494 : memref<16xf32, #tpu.memory_space<hbm>>) dst(%dma_wait3A_492 : memref<16xf32, #tpu.memory_space<vmem>>)
      %broadcast_in_dim3A_495 = arith.constant 0 : i32
      %broadcast_in_dim3A_496 = vector.broadcast %broadcast_in_dim3A_495 : i32 to vector<16xi32>
      %slice3A_497 = vector.extract_strided_slice %gather3A_441 {offsets = [0], sizes = [1], strides = [1]} : vector<16xi32> to vector<1xi32>
      %squeeze3A_498 = vector.extract %slice3A_497[0] : i32 from vector<1xi32>
      %and3A = arith.constant 127 : i32
      %and3A_499 = arith.andi %squeeze3A_498, %and3A : i32
      %broadcast_in_dim3A_500 = vector.broadcast %and3A_499 : i32 to vector<16xi32>
      %slice3A_501 = vector.extract_strided_slice %gather3A_442 {offsets = [0], sizes = [1], strides = [1]} : vector<16xi32> to vector<1xi32>
      %squeeze3A_502 = vector.extract %slice3A_501[0] : i32 from vector<1xi32>
      %and3A_503 = arith.constant 127 : i32
      %and3A_504 = arith.andi %squeeze3A_502, %and3A_503 : i32
      %broadcast_in_dim3A_505 = vector.broadcast %and3A_504 : i32 to vector<16xi32>
      %slice3A_506 = vector.extract_strided_slice %gather3A_442 {offsets = [0], sizes = [1], strides = [1]} : vector<16xi32> to vector<1xi32>
      %squeeze3A_507 = vector.extract %slice3A_506[0] : i32 from vector<1xi32>
      %and3A_508 = arith.constant 15 : i32
      %and3A_509 = arith.andi %squeeze3A_507, %and3A_508 : i32
      %broadcast_in_dim3A_510 = vector.broadcast %and3A_509 : i32 to vector<16xi32>
      %gather3A_511 = tpu.vector_load_idx %arg12[%broadcast_in_dim3A_496, %iota3A, %broadcast_in_dim3A_500] : memref<8x32x128xf32, #tpu.memory_space<vmem>>[vector<16xi32>, vector<16xi32>, vector<16xi32>], vector<16xf32>,
      %add3A_512 = arith.constant 16 : i32
      %add3A_513 = vector.broadcast %add3A_512 : i32 to vector<16xi32>
      %add3A_514 = arith.addi %iota3A, %add3A_513 : vector<16xi32>
      %gather3A_515 = tpu.vector_load_idx %arg12[%broadcast_in_dim3A_496, %add3A_514, %broadcast_in_dim3A_500] : memref<8x32x128xf32, #tpu.memory_space<vmem>>[vector<16xi32>, vector<16xi32>, vector<16xi32>], vector<16xf32>,
      %gather3A_516 = tpu.vector_load_idx %arg13[%broadcast_in_dim3A_496, %iota3A, %broadcast_in_dim3A_505] : memref<8x32x128xf32, #tpu.memory_space<vmem>>[vector<16xi32>, vector<16xi32>, vector<16xi32>], vector<16xf32>,
      %add3A_517 = arith.constant 16 : i32
      %add3A_518 = vector.broadcast %add3A_517 : i32 to vector<16xi32>
      %add3A_519 = arith.addi %iota3A, %add3A_518 : vector<16xi32>
      %gather3A_520 = tpu.vector_load_idx %arg13[%broadcast_in_dim3A_496, %add3A_519, %broadcast_in_dim3A_505] : memref<8x32x128xf32, #tpu.memory_space<vmem>>[vector<16xi32>, vector<16xi32>, vector<16xi32>], vector<16xf32>,
      %mul3A_521 = arith.mulf %gather3A_511, %gather3A_516 : vector<16xf32>
      %max3A = arith.constant 0.000000e+00 : f32
      %max3A_522 = vector.broadcast %max3A : f32 to vector<16xf32>
      %max3A_523 = arith.maximumf %mul3A_521, %max3A_522 : vector<16xf32>
      %mul3A_524 = arith.mulf %max3A_523, %get3A_3 : vector<16xf32>
      %mul3A_525 = arith.mulf %gather3A_515, %gather3A_520 : vector<16xf32>
      %max3A_526 = arith.constant 0.000000e+00 : f32
      %max3A_527 = vector.broadcast %max3A_526 : f32 to vector<16xf32>
      %max3A_528 = arith.maximumf %mul3A_525, %max3A_527 : vector<16xf32>
      %mul3A_529 = arith.mulf %max3A_528, %get3A_5 : vector<16xf32>
      %add3A_530 = arith.addf %mul3A_524, %mul3A_529 : vector<16xf32>
      %reduce_sum3A = arith.constant true
      %reduce_sum3A_531 = vector.broadcast %reduce_sum3A : i1 to vector<16xi1>
      %reduce_sum3A_532 = tpu.scan <sum>, %add3A_530 masked %reduce_sum3A_531 : vector<16xf32>, vector<16xi1> -> vector<16xf32>
      %reduce_sum3A_533 = vector.extract %reduce_sum3A_532[15] : f32 from vector<16xf32>
      %gather3A_534 = tpu.vector_load_idx %arg14[%broadcast_in_dim3A_496, %broadcast_in_dim3A_510] : memref<8x16xf32, #tpu.memory_space<vmem>>[vector<16xi32>, vector<16xi32>], vector<16xf32>,
      %slice3A_535 = vector.extract_strided_slice %gather3A_534 {offsets = [0], sizes = [1], strides = [1]} : vector<16xf32> to vector<1xf32>
      %squeeze3A_536 = vector.extract %slice3A_535[0] : f32 from vector<1xf32>
      %add3A_537 = arith.addf %reduce_sum3A_533, %squeeze3A_536 : f32
      %broadcast_in_dim3A_538 = vector.broadcast %add3A_454 : i32 to vector<16xi32>
      %broadcast_in_dim3A_539 = vector.broadcast %add3A_537 : f32 to vector<16xf32>
      tpu.vector_store_idx %arg15[%broadcast_in_dim3A_538], %broadcast_in_dim3A_539 masked %eq3A_7 : memref<512xf32, #tpu.memory_space<vmem>>[vector<16xi32>], vector<16xf32>, vector<16xi1>
      %add3A_540 = arith.constant 8 : i32
      %add3A_541 = arith.addi %add3A_454, %add3A_540 : i32
      %lt3A = arith.constant 512 : i32
      %lt3A_542 = arith.cmpi slt, %add3A_541, %lt3A : i32
      %convert_element_type3A = arith.extui %lt3A_542 : i1 to i32
      %cond3A = arith.constant 0 : i32
      %cond3A_543 = arith.cmpi ne, %convert_element_type3A, %cond3A : i32
      scf.if %cond3A_543 {
        %slice3A_1244 = vector.extract_strided_slice %gather3A_449 {offsets = [0], sizes = [1], strides = [1]} : vector<16xi32> to vector<1xi32>
        %squeeze3A_1245 = vector.extract %slice3A_1244[0] : i32 from vector<1xi32>
        %div3A_1246 = arith.constant 128 : i32
        %div3A_1247 = arith.divsi %squeeze3A_1245, %div3A_1246 : i32
        %mul3A_1248 = arith.constant 128 : i32
        %mul3A_1249 = arith.muli %div3A_1247, %mul3A_1248 : i32
        %slice3A_1250 = vector.extract_strided_slice %gather3A_450 {offsets = [0], sizes = [1], strides = [1]} : vector<16xi32> to vector<1xi32>
        %squeeze3A_1251 = vector.extract %slice3A_1250[0] : i32 from vector<1xi32>
        %div3A_1252 = arith.constant 128 : i32
        %div3A_1253 = arith.divsi %squeeze3A_1251, %div3A_1252 : i32
        %mul3A_1254 = arith.constant 128 : i32
        %mul3A_1255 = arith.muli %div3A_1253, %mul3A_1254 : i32
        %slice3A_1256 = vector.extract_strided_slice %gather3A_450 {offsets = [0], sizes = [1], strides = [1]} : vector<16xi32> to vector<1xi32>
        %squeeze3A_1257 = vector.extract %slice3A_1256[0] : i32 from vector<1xi32>
        %div3A_1258 = arith.constant 16 : i32
        %div3A_1259 = arith.divsi %squeeze3A_1257, %div3A_1258 : i32
        %mul3A_1260 = arith.constant 16 : i32
        %mul3A_1261 = arith.muli %div3A_1259, %mul3A_1260 : i32
        %dma_start3A_1262 = arith.constant 0 : i32
        %dma_start3A_1263 = arith.constant 0 : i32
        %dma_start3A_1264 = arith.constant 0 : i32
        %dma_start3A_1265 = tpu.memref_slice %arg12[%dma_start3A_1262, %dma_start3A_1263, %dma_start3A_1264] : memref<8x32x128xf32, #tpu.memory_space<vmem>> -> memref<1x32x128xf32, #tpu.memory_space<vmem>>
        %dma_start3A_1266 = tpu.memref_squeeze %dma_start3A_1265 : memref<1x32x128xf32, #tpu.memory_space<vmem>> -> memref<32x128xf32, #tpu.memory_space<vmem>>
        %dma_start3A_1267 = arith.constant 0 : i32
        %dma_start3A_1268 = tpu.memref_slice %arg4[%dma_start3A_1267, %mul3A_1249] : memref<32x1000000xf32, #tpu.memory_space<hbm>> -> memref<32x128xf32, #tpu.memory_space<hbm>>
        %dma_start3A_1269 = arith.constant 0 : i32
        %dma_start3A_1270 = arith.constant 0 : i32
        %dma_start3A_1271 = tpu.memref_slice %arg12[%dma_start3A_1262, %dma_start3A_1269, %dma_start3A_1270] : memref<8x32x128xf32, #tpu.memory_space<vmem>> -> memref<1x32x128xf32, #tpu.memory_space<vmem>>
        %dma_start3A_1272 = tpu.memref_squeeze %dma_start3A_1271 : memref<1x32x128xf32, #tpu.memory_space<vmem>> -> memref<32x128xf32, #tpu.memory_space<vmem>>
        %dma_start3A_1273 = arith.constant 0 : i32
        %dma_start3A_1274 = tpu.memref_slice %arg4[%dma_start3A_1273, %mul3A_1249] : memref<32x1000000xf32, #tpu.memory_space<hbm>> -> memref<32x128xf32, #tpu.memory_space<hbm>>
        tpu.enqueue_dma source(%dma_start3A_1274 : memref<32x128xf32, #tpu.memory_space<hbm>>) target(%dma_start3A_1272 : memref<32x128xf32, #tpu.memory_space<vmem>>) target_semaphore(%arg16 : memref<!tpu.dma_semaphore, #tpu.memory_space<semaphore_mem>>)
        %dma_start3A_1275 = arith.constant 0 : i32
        %dma_start3A_1276 = arith.constant 0 : i32
        %dma_start3A_1277 = arith.constant 0 : i32
        %dma_start3A_1278 = tpu.memref_slice %arg13[%dma_start3A_1275, %dma_start3A_1276, %dma_start3A_1277] : memref<8x32x128xf32, #tpu.memory_space<vmem>> -> memref<1x32x128xf32, #tpu.memory_space<vmem>>
        %dma_start3A_1279 = tpu.memref_squeeze %dma_start3A_1278 : memref<1x32x128xf32, #tpu.memory_space<vmem>> -> memref<32x128xf32, #tpu.memory_space<vmem>>
        %dma_start3A_1280 = arith.constant 0 : i32
        %dma_start3A_1281 = tpu.memref_slice %arg5[%dma_start3A_1280, %mul3A_1255] : memref<32x1000000xf32, #tpu.memory_space<hbm>> -> memref<32x128xf32, #tpu.memory_space<hbm>>
        %dma_start3A_1282 = arith.constant 0 : i32
        %dma_start3A_1283 = arith.constant 0 : i32
        %dma_start3A_1284 = tpu.memref_slice %arg13[%dma_start3A_1275, %dma_start3A_1282, %dma_start3A_1283] : memref<8x32x128xf32, #tpu.memory_space<vmem>> -> memref<1x32x128xf32, #tpu.memory_space<vmem>>
        %dma_start3A_1285 = tpu.memref_squeeze %dma_start3A_1284 : memref<1x32x128xf32, #tpu.memory_space<vmem>> -> memref<32x128xf32, #tpu.memory_space<vmem>>
        %dma_start3A_1286 = arith.constant 0 : i32
        %dma_start3A_1287 = tpu.memref_slice %arg5[%dma_start3A_1286, %mul3A_1255] : memref<32x1000000xf32, #tpu.memory_space<hbm>> -> memref<32x128xf32, #tpu.memory_space<hbm>>
        tpu.enqueue_dma source(%dma_start3A_1287 : memref<32x128xf32, #tpu.memory_space<hbm>>) target(%dma_start3A_1285 : memref<32x128xf32, #tpu.memory_space<vmem>>) target_semaphore(%arg16 : memref<!tpu.dma_semaphore, #tpu.memory_space<semaphore_mem>>)
        %dma_start3A_1288 = arith.constant 0 : i32
        %dma_start3A_1289 = arith.constant 0 : i32
        %dma_start3A_1290 = tpu.memref_slice %arg14[%dma_start3A_1288, %dma_start3A_1289] : memref<8x16xf32, #tpu.memory_space<vmem>> -> memref<1x16xf32, #tpu.memory_space<vmem>>
        %dma_start3A_1291 = tpu.memref_squeeze %dma_start3A_1290 : memref<1x16xf32, #tpu.memory_space<vmem>> -> memref<16xf32, #tpu.memory_space<vmem>>
        %dma_start3A_1292 = tpu.memref_slice %arg6[%mul3A_1261] : memref<1000000xf32, #tpu.memory_space<hbm>> -> memref<16xf32, #tpu.memory_space<hbm>>
        %dma_start3A_1293 = arith.constant 0 : i32
        %dma_start3A_1294 = tpu.memref_slice %arg14[%dma_start3A_1288, %dma_start3A_1293] : memref<8x16xf32, #tpu.memory_space<vmem>> -> memref<1x16xf32, #tpu.memory_space<vmem>>
        %dma_start3A_1295 = tpu.memref_squeeze %dma_start3A_1294 : memref<1x16xf32, #tpu.memory_space<vmem>> -> memref<16xf32, #tpu.memory_space<vmem>>
        %dma_start3A_1296 = tpu.memref_slice %arg6[%mul3A_1261] : memref<1000000xf32, #tpu.memory_space<hbm>> -> memref<16xf32, #tpu.memory_space<hbm>>
        tpu.enqueue_dma source(%dma_start3A_1296 : memref<16xf32, #tpu.memory_space<hbm>>) target(%dma_start3A_1295 : memref<16xf32, #tpu.memory_space<vmem>>) target_semaphore(%arg16 : memref<!tpu.dma_semaphore, #tpu.memory_space<semaphore_mem>>)
      } else {
      }
      %mul3A_544 = arith.constant 8 : i32
      %mul3A_545 = arith.muli %scan3A_436, %mul3A_544 : i32
      %add3A_546 = arith.constant 1 : i32
      %add3A_547 = arith.addi %mul3A_545, %add3A_546 : i32
      %dma_wait3A_548 = arith.constant 1 : i32
      %dma_wait3A_549 = arith.constant 0 : i32
      %dma_wait3A_550 = arith.constant 0 : i32
      %dma_wait3A_551 = tpu.memref_slice %arg12[%dma_wait3A_548, %dma_wait3A_549, %dma_wait3A_550] : memref<8x32x128xf32, #tpu.memory_space<vmem>> -> memref<1x32x128xf32, #tpu.memory_space<vmem>>
      %dma_wait3A_552 = tpu.memref_squeeze %dma_wait3A_551 : memref<1x32x128xf32, #tpu.memory_space<vmem>> -> memref<32x128xf32, #tpu.memory_space<vmem>>
      %dma_wait3A_553 = arith.constant 0 : i32
      %dma_wait3A_554 = arith.constant 0 : i32
      %dma_wait3A_555 = tpu.memref_slice %arg4[%dma_wait3A_553, %dma_wait3A_554] : memref<32x1000000xf32, #tpu.memory_space<hbm>> -> memref<32x128xf32, #tpu.memory_space<hbm>>
      %dma_wait3A_556 = arith.constant 0 : i32
      %dma_wait3A_557 = arith.constant 0 : i32
      %dma_wait3A_558 = tpu.memref_slice %arg12[%dma_wait3A_548, %dma_wait3A_556, %dma_wait3A_557] : memref<8x32x128xf32, #tpu.memory_space<vmem>> -> memref<1x32x128xf32, #tpu.memory_space<vmem>>
      %dma_wait3A_559 = tpu.memref_squeeze %dma_wait3A_558 : memref<1x32x128xf32, #tpu.memory_space<vmem>> -> memref<32x128xf32, #tpu.memory_space<vmem>>
      %dma_wait3A_560 = arith.constant 0 : i32
      %dma_wait3A_561 = arith.constant 0 : i32
      %dma_wait3A_562 = tpu.memref_slice %arg4[%dma_wait3A_560, %dma_wait3A_561] : memref<32x1000000xf32, #tpu.memory_space<hbm>> -> memref<32x128xf32, #tpu.memory_space<hbm>>
      tpu.wait_dma2 semaphore(%arg17 : memref<!tpu.dma_semaphore, #tpu.memory_space<semaphore_mem>>) src(%dma_wait3A_562 : memref<32x128xf32, #tpu.memory_space<hbm>>) dst(%dma_wait3A_559 : memref<32x128xf32, #tpu.memory_space<vmem>>)
      %dma_wait3A_563 = arith.constant 1 : i32
      %dma_wait3A_564 = arith.constant 0 : i32
      %dma_wait3A_565 = arith.constant 0 : i32
      %dma_wait3A_566 = tpu.memref_slice %arg13[%dma_wait3A_563, %dma_wait3A_564, %dma_wait3A_565] : memref<8x32x128xf32, #tpu.memory_space<vmem>> -> memref<1x32x128xf32, #tpu.memory_space<vmem>>
      %dma_wait3A_567 = tpu.memref_squeeze %dma_wait3A_566 : memref<1x32x128xf32, #tpu.memory_space<vmem>> -> memref<32x128xf32, #tpu.memory_space<vmem>>
      %dma_wait3A_568 = arith.constant 0 : i32
      %dma_wait3A_569 = arith.constant 0 : i32
      %dma_wait3A_570 = tpu.memref_slice %arg5[%dma_wait3A_568, %dma_wait3A_569] : memref<32x1000000xf32, #tpu.memory_space<hbm>> -> memref<32x128xf32, #tpu.memory_space<hbm>>
      %dma_wait3A_571 = arith.constant 0 : i32
      %dma_wait3A_572 = arith.constant 0 : i32
      %dma_wait3A_573 = tpu.memref_slice %arg13[%dma_wait3A_563, %dma_wait3A_571, %dma_wait3A_572] : memref<8x32x128xf32, #tpu.memory_space<vmem>> -> memref<1x32x128xf32, #tpu.memory_space<vmem>>
      %dma_wait3A_574 = tpu.memref_squeeze %dma_wait3A_573 : memref<1x32x128xf32, #tpu.memory_space<vmem>> -> memref<32x128xf32, #tpu.memory_space<vmem>>
      %dma_wait3A_575 = arith.constant 0 : i32
      %dma_wait3A_576 = arith.constant 0 : i32
      %dma_wait3A_577 = tpu.memref_slice %arg5[%dma_wait3A_575, %dma_wait3A_576] : memref<32x1000000xf32, #tpu.memory_space<hbm>> -> memref<32x128xf32, #tpu.memory_space<hbm>>
      tpu.wait_dma2 semaphore(%arg17 : memref<!tpu.dma_semaphore, #tpu.memory_space<semaphore_mem>>) src(%dma_wait3A_577 : memref<32x128xf32, #tpu.memory_space<hbm>>) dst(%dma_wait3A_574 : memref<32x128xf32, #tpu.memory_space<vmem>>)
      %dma_wait3A_578 = arith.constant 1 : i32
      %dma_wait3A_579 = arith.constant 0 : i32
      %dma_wait3A_580 = tpu.memref_slice %arg14[%dma_wait3A_578, %dma_wait3A_579] : memref<8x16xf32, #tpu.memory_space<vmem>> -> memref<1x16xf32, #tpu.memory_space<vmem>>
      %dma_wait3A_581 = tpu.memref_squeeze %dma_wait3A_580 : memref<1x16xf32, #tpu.memory_space<vmem>> -> memref<16xf32, #tpu.memory_space<vmem>>
      %dma_wait3A_582 = arith.constant 0 : i32
      %dma_wait3A_583 = tpu.memref_slice %arg6[%dma_wait3A_582] : memref<1000000xf32, #tpu.memory_space<hbm>> -> memref<16xf32, #tpu.memory_space<hbm>>
      %dma_wait3A_584 = arith.constant 0 : i32
      %dma_wait3A_585 = tpu.memref_slice %arg14[%dma_wait3A_578, %dma_wait3A_584] : memref<8x16xf32, #tpu.memory_space<vmem>> -> memref<1x16xf32, #tpu.memory_space<vmem>>
      %dma_wait3A_586 = tpu.memref_squeeze %dma_wait3A_585 : memref<1x16xf32, #tpu.memory_space<vmem>> -> memref<16xf32, #tpu.memory_space<vmem>>
      %dma_wait3A_587 = arith.constant 0 : i32
      %dma_wait3A_588 = tpu.memref_slice %arg6[%dma_wait3A_587] : memref<1000000xf32, #tpu.memory_space<hbm>> -> memref<16xf32, #tpu.memory_space<hbm>>
      tpu.wait_dma2 semaphore(%arg17 : memref<!tpu.dma_semaphore, #tpu.memory_space<semaphore_mem>>) src(%dma_wait3A_588 : memref<16xf32, #tpu.memory_space<hbm>>) dst(%dma_wait3A_586 : memref<16xf32, #tpu.memory_space<vmem>>)
      %broadcast_in_dim3A_589 = arith.constant 1 : i32
      %broadcast_in_dim3A_590 = vector.broadcast %broadcast_in_dim3A_589 : i32 to vector<16xi32>
      %slice3A_591 = vector.extract_strided_slice %gather3A_441 {offsets = [1], sizes = [1], strides = [1]} : vector<16xi32> to vector<1xi32>
      %squeeze3A_592 = vector.extract %slice3A_591[0] : i32 from vector<1xi32>
      %and3A_593 = arith.constant 127 : i32
      %and3A_594 = arith.andi %squeeze3A_592, %and3A_593 : i32
      %broadcast_in_dim3A_595 = vector.broadcast %and3A_594 : i32 to vector<16xi32>
      %slice3A_596 = vector.extract_strided_slice %gather3A_442 {offsets = [1], sizes = [1], strides = [1]} : vector<16xi32> to vector<1xi32>
      %squeeze3A_597 = vector.extract %slice3A_596[0] : i32 from vector<1xi32>
      %and3A_598 = arith.constant 127 : i32
      %and3A_599 = arith.andi %squeeze3A_597, %and3A_598 : i32
      %broadcast_in_dim3A_600 = vector.broadcast %and3A_599 : i32 to vector<16xi32>
      %slice3A_601 = vector.extract_strided_slice %gather3A_442 {offsets = [1], sizes = [1], strides = [1]} : vector<16xi32> to vector<1xi32>
      %squeeze3A_602 = vector.extract %slice3A_601[0] : i32 from vector<1xi32>
      %and3A_603 = arith.constant 15 : i32
      %and3A_604 = arith.andi %squeeze3A_602, %and3A_603 : i32
      %broadcast_in_dim3A_605 = vector.broadcast %and3A_604 : i32 to vector<16xi32>
      %gather3A_606 = tpu.vector_load_idx %arg12[%broadcast_in_dim3A_590, %iota3A, %broadcast_in_dim3A_595] : memref<8x32x128xf32, #tpu.memory_space<vmem>>[vector<16xi32>, vector<16xi32>, vector<16xi32>], vector<16xf32>,
      %add3A_607 = arith.constant 16 : i32
      %add3A_608 = vector.broadcast %add3A_607 : i32 to vector<16xi32>
      %add3A_609 = arith.addi %iota3A, %add3A_608 : vector<16xi32>
      %gather3A_610 = tpu.vector_load_idx %arg12[%broadcast_in_dim3A_590, %add3A_609, %broadcast_in_dim3A_595] : memref<8x32x128xf32, #tpu.memory_space<vmem>>[vector<16xi32>, vector<16xi32>, vector<16xi32>], vector<16xf32>,
      %gather3A_611 = tpu.vector_load_idx %arg13[%broadcast_in_dim3A_590, %iota3A, %broadcast_in_dim3A_600] : memref<8x32x128xf32, #tpu.memory_space<vmem>>[vector<16xi32>, vector<16xi32>, vector<16xi32>], vector<16xf32>,
      %add3A_612 = arith.constant 16 : i32
      %add3A_613 = vector.broadcast %add3A_612 : i32 to vector<16xi32>
      %add3A_614 = arith.addi %iota3A, %add3A_613 : vector<16xi32>
      %gather3A_615 = tpu.vector_load_idx %arg13[%broadcast_in_dim3A_590, %add3A_614, %broadcast_in_dim3A_600] : memref<8x32x128xf32, #tpu.memory_space<vmem>>[vector<16xi32>, vector<16xi32>, vector<16xi32>], vector<16xf32>,
      %mul3A_616 = arith.mulf %gather3A_606, %gather3A_611 : vector<16xf32>
      %max3A_617 = arith.constant 0.000000e+00 : f32
      %max3A_618 = vector.broadcast %max3A_617 : f32 to vector<16xf32>
      %max3A_619 = arith.maximumf %mul3A_616, %max3A_618 : vector<16xf32>
      %mul3A_620 = arith.mulf %max3A_619, %get3A_3 : vector<16xf32>
      %mul3A_621 = arith.mulf %gather3A_610, %gather3A_615 : vector<16xf32>
      %max3A_622 = arith.constant 0.000000e+00 : f32
      %max3A_623 = vector.broadcast %max3A_622 : f32 to vector<16xf32>
      %max3A_624 = arith.maximumf %mul3A_621, %max3A_623 : vector<16xf32>
      %mul3A_625 = arith.mulf %max3A_624, %get3A_5 : vector<16xf32>
      %add3A_626 = arith.addf %mul3A_620, %mul3A_625 : vector<16xf32>
      %reduce_sum3A_627 = arith.constant true
      %reduce_sum3A_628 = vector.broadcast %reduce_sum3A_627 : i1 to vector<16xi1>
      %reduce_sum3A_629 = tpu.scan <sum>, %add3A_626 masked %reduce_sum3A_628 : vector<16xf32>, vector<16xi1> -> vector<16xf32>
      %reduce_sum3A_630 = vector.extract %reduce_sum3A_629[15] : f32 from vector<16xf32>
      %gather3A_631 = tpu.vector_load_idx %arg14[%broadcast_in_dim3A_590, %broadcast_in_dim3A_605] : memref<8x16xf32, #tpu.memory_space<vmem>>[vector<16xi32>, vector<16xi32>], vector<16xf32>,
      %slice3A_632 = vector.extract_strided_slice %gather3A_631 {offsets = [0], sizes = [1], strides = [1]} : vector<16xf32> to vector<1xf32>
      %squeeze3A_633 = vector.extract %slice3A_632[0] : f32 from vector<1xf32>
      %add3A_634 = arith.addf %reduce_sum3A_630, %squeeze3A_633 : f32
      %broadcast_in_dim3A_635 = vector.broadcast %add3A_547 : i32 to vector<16xi32>
      %broadcast_in_dim3A_636 = vector.broadcast %add3A_634 : f32 to vector<16xf32>
      tpu.vector_store_idx %arg15[%broadcast_in_dim3A_635], %broadcast_in_dim3A_636 masked %eq3A_7 : memref<512xf32, #tpu.memory_space<vmem>>[vector<16xi32>], vector<16xf32>, vector<16xi1>
      %add3A_637 = arith.constant 8 : i32
      %add3A_638 = arith.addi %add3A_547, %add3A_637 : i32
      %lt3A_639 = arith.constant 512 : i32
      %lt3A_640 = arith.cmpi slt, %add3A_638, %lt3A_639 : i32
      %convert_element_type3A_641 = arith.extui %lt3A_640 : i1 to i32
      %cond3A_642 = arith.constant 0 : i32
      %cond3A_643 = arith.cmpi ne, %convert_element_type3A_641, %cond3A_642 : i32
      scf.if %cond3A_643 {
        %slice3A_1244 = vector.extract_strided_slice %gather3A_449 {offsets = [1], sizes = [1], strides = [1]} : vector<16xi32> to vector<1xi32>
        %squeeze3A_1245 = vector.extract %slice3A_1244[0] : i32 from vector<1xi32>
        %div3A_1246 = arith.constant 128 : i32
        %div3A_1247 = arith.divsi %squeeze3A_1245, %div3A_1246 : i32
        %mul3A_1248 = arith.constant 128 : i32
        %mul3A_1249 = arith.muli %div3A_1247, %mul3A_1248 : i32
        %slice3A_1250 = vector.extract_strided_slice %gather3A_450 {offsets = [1], sizes = [1], strides = [1]} : vector<16xi32> to vector<1xi32>
        %squeeze3A_1251 = vector.extract %slice3A_1250[0] : i32 from vector<1xi32>
        %div3A_1252 = arith.constant 128 : i32
        %div3A_1253 = arith.divsi %squeeze3A_1251, %div3A_1252 : i32
        %mul3A_1254 = arith.constant 128 : i32
        %mul3A_1255 = arith.muli %div3A_1253, %mul3A_1254 : i32
        %slice3A_1256 = vector.extract_strided_slice %gather3A_450 {offsets = [1], sizes = [1], strides = [1]} : vector<16xi32> to vector<1xi32>
        %squeeze3A_1257 = vector.extract %slice3A_1256[0] : i32 from vector<1xi32>
        %div3A_1258 = arith.constant 16 : i32
        %div3A_1259 = arith.divsi %squeeze3A_1257, %div3A_1258 : i32
        %mul3A_1260 = arith.constant 16 : i32
        %mul3A_1261 = arith.muli %div3A_1259, %mul3A_1260 : i32
        %dma_start3A_1262 = arith.constant 1 : i32
        %dma_start3A_1263 = arith.constant 0 : i32
        %dma_start3A_1264 = arith.constant 0 : i32
        %dma_start3A_1265 = tpu.memref_slice %arg12[%dma_start3A_1262, %dma_start3A_1263, %dma_start3A_1264] : memref<8x32x128xf32, #tpu.memory_space<vmem>> -> memref<1x32x128xf32, #tpu.memory_space<vmem>>
        %dma_start3A_1266 = tpu.memref_squeeze %dma_start3A_1265 : memref<1x32x128xf32, #tpu.memory_space<vmem>> -> memref<32x128xf32, #tpu.memory_space<vmem>>
        %dma_start3A_1267 = arith.constant 0 : i32
        %dma_start3A_1268 = tpu.memref_slice %arg4[%dma_start3A_1267, %mul3A_1249] : memref<32x1000000xf32, #tpu.memory_space<hbm>> -> memref<32x128xf32, #tpu.memory_space<hbm>>
        %dma_start3A_1269 = arith.constant 0 : i32
        %dma_start3A_1270 = arith.constant 0 : i32
        %dma_start3A_1271 = tpu.memref_slice %arg12[%dma_start3A_1262, %dma_start3A_1269, %dma_start3A_1270] : memref<8x32x128xf32, #tpu.memory_space<vmem>> -> memref<1x32x128xf32, #tpu.memory_space<vmem>>
        %dma_start3A_1272 = tpu.memref_squeeze %dma_start3A_1271 : memref<1x32x128xf32, #tpu.memory_space<vmem>> -> memref<32x128xf32, #tpu.memory_space<vmem>>
        %dma_start3A_1273 = arith.constant 0 : i32
        %dma_start3A_1274 = tpu.memref_slice %arg4[%dma_start3A_1273, %mul3A_1249] : memref<32x1000000xf32, #tpu.memory_space<hbm>> -> memref<32x128xf32, #tpu.memory_space<hbm>>
        tpu.enqueue_dma source(%dma_start3A_1274 : memref<32x128xf32, #tpu.memory_space<hbm>>) target(%dma_start3A_1272 : memref<32x128xf32, #tpu.memory_space<vmem>>) target_semaphore(%arg17 : memref<!tpu.dma_semaphore, #tpu.memory_space<semaphore_mem>>)
        %dma_start3A_1275 = arith.constant 1 : i32
        %dma_start3A_1276 = arith.constant 0 : i32
        %dma_start3A_1277 = arith.constant 0 : i32
        %dma_start3A_1278 = tpu.memref_slice %arg13[%dma_start3A_1275, %dma_start3A_1276, %dma_start3A_1277] : memref<8x32x128xf32, #tpu.memory_space<vmem>> -> memref<1x32x128xf32, #tpu.memory_space<vmem>>
        %dma_start3A_1279 = tpu.memref_squeeze %dma_start3A_1278 : memref<1x32x128xf32, #tpu.memory_space<vmem>> -> memref<32x128xf32, #tpu.memory_space<vmem>>
        %dma_start3A_1280 = arith.constant 0 : i32
        %dma_start3A_1281 = tpu.memref_slice %arg5[%dma_start3A_1280, %mul3A_1255] : memref<32x1000000xf32, #tpu.memory_space<hbm>> -> memref<32x128xf32, #tpu.memory_space<hbm>>
        %dma_start3A_1282 = arith.constant 0 : i32
        %dma_start3A_1283 = arith.constant 0 : i32
        %dma_start3A_1284 = tpu.memref_slice %arg13[%dma_start3A_1275, %dma_start3A_1282, %dma_start3A_1283] : memref<8x32x128xf32, #tpu.memory_space<vmem>> -> memref<1x32x128xf32, #tpu.memory_space<vmem>>
        %dma_start3A_1285 = tpu.memref_squeeze %dma_start3A_1284 : memref<1x32x128xf32, #tpu.memory_space<vmem>> -> memref<32x128xf32, #tpu.memory_space<vmem>>
        %dma_start3A_1286 = arith.constant 0 : i32
        %dma_start3A_1287 = tpu.memref_slice %arg5[%dma_start3A_1286, %mul3A_1255] : memref<32x1000000xf32, #tpu.memory_space<hbm>> -> memref<32x128xf32, #tpu.memory_space<hbm>>
        tpu.enqueue_dma source(%dma_start3A_1287 : memref<32x128xf32, #tpu.memory_space<hbm>>) target(%dma_start3A_1285 : memref<32x128xf32, #tpu.memory_space<vmem>>) target_semaphore(%arg17 : memref<!tpu.dma_semaphore, #tpu.memory_space<semaphore_mem>>)
        %dma_start3A_1288 = arith.constant 1 : i32
        %dma_start3A_1289 = arith.constant 0 : i32
        %dma_start3A_1290 = tpu.memref_slice %arg14[%dma_start3A_1288, %dma_start3A_1289] : memref<8x16xf32, #tpu.memory_space<vmem>> -> memref<1x16xf32, #tpu.memory_space<vmem>>
        %dma_start3A_1291 = tpu.memref_squeeze %dma_start3A_1290 : memref<1x16xf32, #tpu.memory_space<vmem>> -> memref<16xf32, #tpu.memory_space<vmem>>
        %dma_start3A_1292 = tpu.memref_slice %arg6[%mul3A_1261] : memref<1000000xf32, #tpu.memory_space<hbm>> -> memref<16xf32, #tpu.memory_space<hbm>>
        %dma_start3A_1293 = arith.constant 0 : i32
        %dma_start3A_1294 = tpu.memref_slice %arg14[%dma_start3A_1288, %dma_start3A_1293] : memref<8x16xf32, #tpu.memory_space<vmem>> -> memref<1x16xf32, #tpu.memory_space<vmem>>
        %dma_start3A_1295 = tpu.memref_squeeze %dma_start3A_1294 : memref<1x16xf32, #tpu.memory_space<vmem>> -> memref<16xf32, #tpu.memory_space<vmem>>
        %dma_start3A_1296 = tpu.memref_slice %arg6[%mul3A_1261] : memref<1000000xf32, #tpu.memory_space<hbm>> -> memref<16xf32, #tpu.memory_space<hbm>>
        tpu.enqueue_dma source(%dma_start3A_1296 : memref<16xf32, #tpu.memory_space<hbm>>) target(%dma_start3A_1295 : memref<16xf32, #tpu.memory_space<vmem>>) target_semaphore(%arg17 : memref<!tpu.dma_semaphore, #tpu.memory_space<semaphore_mem>>)
      } else {
      }
      %mul3A_644 = arith.constant 8 : i32
      %mul3A_645 = arith.muli %scan3A_436, %mul3A_644 : i32
      %add3A_646 = arith.constant 2 : i32
      %add3A_647 = arith.addi %mul3A_645, %add3A_646 : i32
      %dma_wait3A_648 = arith.constant 2 : i32
      %dma_wait3A_649 = arith.constant 0 : i32
      %dma_wait3A_650 = arith.constant 0 : i32
      %dma_wait3A_651 = tpu.memref_slice %arg12[%dma_wait3A_648, %dma_wait3A_649, %dma_wait3A_650] : memref<8x32x128xf32, #tpu.memory_space<vmem>> -> memref<1x32x128xf32, #tpu.memory_space<vmem>>
      %dma_wait3A_652 = tpu.memref_squeeze %dma_wait3A_651 : memref<1x32x128xf32, #tpu.memory_space<vmem>> -> memref<32x128xf32, #tpu.memory_space<vmem>>
      %dma_wait3A_653 = arith.constant 0 : i32
      %dma_wait3A_654 = arith.constant 0 : i32
      %dma_wait3A_655 = tpu.memref_slice %arg4[%dma_wait3A_653, %dma_wait3A_654] : memref<32x1000000xf32, #tpu.memory_space<hbm>> -> memref<32x128xf32, #tpu.memory_space<hbm>>
      %dma_wait3A_656 = arith.constant 0 : i32
      %dma_wait3A_657 = arith.constant 0 : i32
      %dma_wait3A_658 = tpu.memref_slice %arg12[%dma_wait3A_648, %dma_wait3A_656, %dma_wait3A_657] : memref<8x32x128xf32, #tpu.memory_space<vmem>> -> memref<1x32x128xf32, #tpu.memory_space<vmem>>
      %dma_wait3A_659 = tpu.memref_squeeze %dma_wait3A_658 : memref<1x32x128xf32, #tpu.memory_space<vmem>> -> memref<32x128xf32, #tpu.memory_space<vmem>>
      %dma_wait3A_660 = arith.constant 0 : i32
      %dma_wait3A_661 = arith.constant 0 : i32
      %dma_wait3A_662 = tpu.memref_slice %arg4[%dma_wait3A_660, %dma_wait3A_661] : memref<32x1000000xf32, #tpu.memory_space<hbm>> -> memref<32x128xf32, #tpu.memory_space<hbm>>
      tpu.wait_dma2 semaphore(%arg18 : memref<!tpu.dma_semaphore, #tpu.memory_space<semaphore_mem>>) src(%dma_wait3A_662 : memref<32x128xf32, #tpu.memory_space<hbm>>) dst(%dma_wait3A_659 : memref<32x128xf32, #tpu.memory_space<vmem>>)
      %dma_wait3A_663 = arith.constant 2 : i32
      %dma_wait3A_664 = arith.constant 0 : i32
      %dma_wait3A_665 = arith.constant 0 : i32
      %dma_wait3A_666 = tpu.memref_slice %arg13[%dma_wait3A_663, %dma_wait3A_664, %dma_wait3A_665] : memref<8x32x128xf32, #tpu.memory_space<vmem>> -> memref<1x32x128xf32, #tpu.memory_space<vmem>>
      %dma_wait3A_667 = tpu.memref_squeeze %dma_wait3A_666 : memref<1x32x128xf32, #tpu.memory_space<vmem>> -> memref<32x128xf32, #tpu.memory_space<vmem>>
      %dma_wait3A_668 = arith.constant 0 : i32
      %dma_wait3A_669 = arith.constant 0 : i32
      %dma_wait3A_670 = tpu.memref_slice %arg5[%dma_wait3A_668, %dma_wait3A_669] : memref<32x1000000xf32, #tpu.memory_space<hbm>> -> memref<32x128xf32, #tpu.memory_space<hbm>>
      %dma_wait3A_671 = arith.constant 0 : i32
      %dma_wait3A_672 = arith.constant 0 : i32
      %dma_wait3A_673 = tpu.memref_slice %arg13[%dma_wait3A_663, %dma_wait3A_671, %dma_wait3A_672] : memref<8x32x128xf32, #tpu.memory_space<vmem>> -> memref<1x32x128xf32, #tpu.memory_space<vmem>>
      %dma_wait3A_674 = tpu.memref_squeeze %dma_wait3A_673 : memref<1x32x128xf32, #tpu.memory_space<vmem>> -> memref<32x128xf32, #tpu.memory_space<vmem>>
      %dma_wait3A_675 = arith.constant 0 : i32
      %dma_wait3A_676 = arith.constant 0 : i32
      %dma_wait3A_677 = tpu.memref_slice %arg5[%dma_wait3A_675, %dma_wait3A_676] : memref<32x1000000xf32, #tpu.memory_space<hbm>> -> memref<32x128xf32, #tpu.memory_space<hbm>>
      tpu.wait_dma2 semaphore(%arg18 : memref<!tpu.dma_semaphore, #tpu.memory_space<semaphore_mem>>) src(%dma_wait3A_677 : memref<32x128xf32, #tpu.memory_space<hbm>>) dst(%dma_wait3A_674 : memref<32x128xf32, #tpu.memory_space<vmem>>)
      %dma_wait3A_678 = arith.constant 2 : i32
      %dma_wait3A_679 = arith.constant 0 : i32
      %dma_wait3A_680 = tpu.memref_slice %arg14[%dma_wait3A_678, %dma_wait3A_679] : memref<8x16xf32, #tpu.memory_space<vmem>> -> memref<1x16xf32, #tpu.memory_space<vmem>>
      %dma_wait3A_681 = tpu.memref_squeeze %dma_wait3A_680 : memref<1x16xf32, #tpu.memory_space<vmem>> -> memref<16xf32, #tpu.memory_space<vmem>>
      %dma_wait3A_682 = arith.constant 0 : i32
      %dma_wait3A_683 = tpu.memref_slice %arg6[%dma_wait3A_682] : memref<1000000xf32, #tpu.memory_space<hbm>> -> memref<16xf32, #tpu.memory_space<hbm>>
      %dma_wait3A_684 = arith.constant 0 : i32
      %dma_wait3A_685 = tpu.memref_slice %arg14[%dma_wait3A_678, %dma_wait3A_684] : memref<8x16xf32, #tpu.memory_space<vmem>> -> memref<1x16xf32, #tpu.memory_space<vmem>>
      %dma_wait3A_686 = tpu.memref_squeeze %dma_wait3A_685 : memref<1x16xf32, #tpu.memory_space<vmem>> -> memref<16xf32, #tpu.memory_space<vmem>>
      %dma_wait3A_687 = arith.constant 0 : i32
      %dma_wait3A_688 = tpu.memref_slice %arg6[%dma_wait3A_687] : memref<1000000xf32, #tpu.memory_space<hbm>> -> memref<16xf32, #tpu.memory_space<hbm>>
      tpu.wait_dma2 semaphore(%arg18 : memref<!tpu.dma_semaphore, #tpu.memory_space<semaphore_mem>>) src(%dma_wait3A_688 : memref<16xf32, #tpu.memory_space<hbm>>) dst(%dma_wait3A_686 : memref<16xf32, #tpu.memory_space<vmem>>)
      %broadcast_in_dim3A_689 = arith.constant 2 : i32
      %broadcast_in_dim3A_690 = vector.broadcast %broadcast_in_dim3A_689 : i32 to vector<16xi32>
      %slice3A_691 = vector.extract_strided_slice %gather3A_441 {offsets = [2], sizes = [1], strides = [1]} : vector<16xi32> to vector<1xi32>
      %squeeze3A_692 = vector.extract %slice3A_691[0] : i32 from vector<1xi32>
      %and3A_693 = arith.constant 127 : i32
      %and3A_694 = arith.andi %squeeze3A_692, %and3A_693 : i32
      %broadcast_in_dim3A_695 = vector.broadcast %and3A_694 : i32 to vector<16xi32>
      %slice3A_696 = vector.extract_strided_slice %gather3A_442 {offsets = [2], sizes = [1], strides = [1]} : vector<16xi32> to vector<1xi32>
      %squeeze3A_697 = vector.extract %slice3A_696[0] : i32 from vector<1xi32>
      %and3A_698 = arith.constant 127 : i32
      %and3A_699 = arith.andi %squeeze3A_697, %and3A_698 : i32
      %broadcast_in_dim3A_700 = vector.broadcast %and3A_699 : i32 to vector<16xi32>
      %slice3A_701 = vector.extract_strided_slice %gather3A_442 {offsets = [2], sizes = [1], strides = [1]} : vector<16xi32> to vector<1xi32>
      %squeeze3A_702 = vector.extract %slice3A_701[0] : i32 from vector<1xi32>
      %and3A_703 = arith.constant 15 : i32
      %and3A_704 = arith.andi %squeeze3A_702, %and3A_703 : i32
      %broadcast_in_dim3A_705 = vector.broadcast %and3A_704 : i32 to vector<16xi32>
      %gather3A_706 = tpu.vector_load_idx %arg12[%broadcast_in_dim3A_690, %iota3A, %broadcast_in_dim3A_695] : memref<8x32x128xf32, #tpu.memory_space<vmem>>[vector<16xi32>, vector<16xi32>, vector<16xi32>], vector<16xf32>,
      %add3A_707 = arith.constant 16 : i32
      %add3A_708 = vector.broadcast %add3A_707 : i32 to vector<16xi32>
      %add3A_709 = arith.addi %iota3A, %add3A_708 : vector<16xi32>
      %gather3A_710 = tpu.vector_load_idx %arg12[%broadcast_in_dim3A_690, %add3A_709, %broadcast_in_dim3A_695] : memref<8x32x128xf32, #tpu.memory_space<vmem>>[vector<16xi32>, vector<16xi32>, vector<16xi32>], vector<16xf32>,
      %gather3A_711 = tpu.vector_load_idx %arg13[%broadcast_in_dim3A_690, %iota3A, %broadcast_in_dim3A_700] : memref<8x32x128xf32, #tpu.memory_space<vmem>>[vector<16xi32>, vector<16xi32>, vector<16xi32>], vector<16xf32>,
      %add3A_712 = arith.constant 16 : i32
      %add3A_713 = vector.broadcast %add3A_712 : i32 to vector<16xi32>
      %add3A_714 = arith.addi %iota3A, %add3A_713 : vector<16xi32>
      %gather3A_715 = tpu.vector_load_idx %arg13[%broadcast_in_dim3A_690, %add3A_714, %broadcast_in_dim3A_700] : memref<8x32x128xf32, #tpu.memory_space<vmem>>[vector<16xi32>, vector<16xi32>, vector<16xi32>], vector<16xf32>,
      %mul3A_716 = arith.mulf %gather3A_706, %gather3A_711 : vector<16xf32>
      %max3A_717 = arith.constant 0.000000e+00 : f32
      %max3A_718 = vector.broadcast %max3A_717 : f32 to vector<16xf32>
      %max3A_719 = arith.maximumf %mul3A_716, %max3A_718 : vector<16xf32>
      %mul3A_720 = arith.mulf %max3A_719, %get3A_3 : vector<16xf32>
      %mul3A_721 = arith.mulf %gather3A_710, %gather3A_715 : vector<16xf32>
      %max3A_722 = arith.constant 0.000000e+00 : f32
      %max3A_723 = vector.broadcast %max3A_722 : f32 to vector<16xf32>
      %max3A_724 = arith.maximumf %mul3A_721, %max3A_723 : vector<16xf32>
      %mul3A_725 = arith.mulf %max3A_724, %get3A_5 : vector<16xf32>
      %add3A_726 = arith.addf %mul3A_720, %mul3A_725 : vector<16xf32>
      %reduce_sum3A_727 = arith.constant true
      %reduce_sum3A_728 = vector.broadcast %reduce_sum3A_727 : i1 to vector<16xi1>
      %reduce_sum3A_729 = tpu.scan <sum>, %add3A_726 masked %reduce_sum3A_728 : vector<16xf32>, vector<16xi1> -> vector<16xf32>
      %reduce_sum3A_730 = vector.extract %reduce_sum3A_729[15] : f32 from vector<16xf32>
      %gather3A_731 = tpu.vector_load_idx %arg14[%broadcast_in_dim3A_690, %broadcast_in_dim3A_705] : memref<8x16xf32, #tpu.memory_space<vmem>>[vector<16xi32>, vector<16xi32>], vector<16xf32>,
      %slice3A_732 = vector.extract_strided_slice %gather3A_731 {offsets = [0], sizes = [1], strides = [1]} : vector<16xf32> to vector<1xf32>
      %squeeze3A_733 = vector.extract %slice3A_732[0] : f32 from vector<1xf32>
      %add3A_734 = arith.addf %reduce_sum3A_730, %squeeze3A_733 : f32
      %broadcast_in_dim3A_735 = vector.broadcast %add3A_647 : i32 to vector<16xi32>
      %broadcast_in_dim3A_736 = vector.broadcast %add3A_734 : f32 to vector<16xf32>
      tpu.vector_store_idx %arg15[%broadcast_in_dim3A_735], %broadcast_in_dim3A_736 masked %eq3A_7 : memref<512xf32, #tpu.memory_space<vmem>>[vector<16xi32>], vector<16xf32>, vector<16xi1>
      %add3A_737 = arith.constant 8 : i32
      %add3A_738 = arith.addi %add3A_647, %add3A_737 : i32
      %lt3A_739 = arith.constant 512 : i32
      %lt3A_740 = arith.cmpi slt, %add3A_738, %lt3A_739 : i32
      %convert_element_type3A_741 = arith.extui %lt3A_740 : i1 to i32
      %cond3A_742 = arith.constant 0 : i32
      %cond3A_743 = arith.cmpi ne, %convert_element_type3A_741, %cond3A_742 : i32
      scf.if %cond3A_743 {
        %slice3A_1244 = vector.extract_strided_slice %gather3A_449 {offsets = [2], sizes = [1], strides = [1]} : vector<16xi32> to vector<1xi32>
        %squeeze3A_1245 = vector.extract %slice3A_1244[0] : i32 from vector<1xi32>
        %div3A_1246 = arith.constant 128 : i32
        %div3A_1247 = arith.divsi %squeeze3A_1245, %div3A_1246 : i32
        %mul3A_1248 = arith.constant 128 : i32
        %mul3A_1249 = arith.muli %div3A_1247, %mul3A_1248 : i32
        %slice3A_1250 = vector.extract_strided_slice %gather3A_450 {offsets = [2], sizes = [1], strides = [1]} : vector<16xi32> to vector<1xi32>
        %squeeze3A_1251 = vector.extract %slice3A_1250[0] : i32 from vector<1xi32>
        %div3A_1252 = arith.constant 128 : i32
        %div3A_1253 = arith.divsi %squeeze3A_1251, %div3A_1252 : i32
        %mul3A_1254 = arith.constant 128 : i32
        %mul3A_1255 = arith.muli %div3A_1253, %mul3A_1254 : i32
        %slice3A_1256 = vector.extract_strided_slice %gather3A_450 {offsets = [2], sizes = [1], strides = [1]} : vector<16xi32> to vector<1xi32>
        %squeeze3A_1257 = vector.extract %slice3A_1256[0] : i32 from vector<1xi32>
        %div3A_1258 = arith.constant 16 : i32
        %div3A_1259 = arith.divsi %squeeze3A_1257, %div3A_1258 : i32
        %mul3A_1260 = arith.constant 16 : i32
        %mul3A_1261 = arith.muli %div3A_1259, %mul3A_1260 : i32
        %dma_start3A_1262 = arith.constant 2 : i32
        %dma_start3A_1263 = arith.constant 0 : i32
        %dma_start3A_1264 = arith.constant 0 : i32
        %dma_start3A_1265 = tpu.memref_slice %arg12[%dma_start3A_1262, %dma_start3A_1263, %dma_start3A_1264] : memref<8x32x128xf32, #tpu.memory_space<vmem>> -> memref<1x32x128xf32, #tpu.memory_space<vmem>>
        %dma_start3A_1266 = tpu.memref_squeeze %dma_start3A_1265 : memref<1x32x128xf32, #tpu.memory_space<vmem>> -> memref<32x128xf32, #tpu.memory_space<vmem>>
        %dma_start3A_1267 = arith.constant 0 : i32
        %dma_start3A_1268 = tpu.memref_slice %arg4[%dma_start3A_1267, %mul3A_1249] : memref<32x1000000xf32, #tpu.memory_space<hbm>> -> memref<32x128xf32, #tpu.memory_space<hbm>>
        %dma_start3A_1269 = arith.constant 0 : i32
        %dma_start3A_1270 = arith.constant 0 : i32
        %dma_start3A_1271 = tpu.memref_slice %arg12[%dma_start3A_1262, %dma_start3A_1269, %dma_start3A_1270] : memref<8x32x128xf32, #tpu.memory_space<vmem>> -> memref<1x32x128xf32, #tpu.memory_space<vmem>>
        %dma_start3A_1272 = tpu.memref_squeeze %dma_start3A_1271 : memref<1x32x128xf32, #tpu.memory_space<vmem>> -> memref<32x128xf32, #tpu.memory_space<vmem>>
        %dma_start3A_1273 = arith.constant 0 : i32
        %dma_start3A_1274 = tpu.memref_slice %arg4[%dma_start3A_1273, %mul3A_1249] : memref<32x1000000xf32, #tpu.memory_space<hbm>> -> memref<32x128xf32, #tpu.memory_space<hbm>>
        tpu.enqueue_dma source(%dma_start3A_1274 : memref<32x128xf32, #tpu.memory_space<hbm>>) target(%dma_start3A_1272 : memref<32x128xf32, #tpu.memory_space<vmem>>) target_semaphore(%arg18 : memref<!tpu.dma_semaphore, #tpu.memory_space<semaphore_mem>>)
        %dma_start3A_1275 = arith.constant 2 : i32
        %dma_start3A_1276 = arith.constant 0 : i32
        %dma_start3A_1277 = arith.constant 0 : i32
        %dma_start3A_1278 = tpu.memref_slice %arg13[%dma_start3A_1275, %dma_start3A_1276, %dma_start3A_1277] : memref<8x32x128xf32, #tpu.memory_space<vmem>> -> memref<1x32x128xf32, #tpu.memory_space<vmem>>
        %dma_start3A_1279 = tpu.memref_squeeze %dma_start3A_1278 : memref<1x32x128xf32, #tpu.memory_space<vmem>> -> memref<32x128xf32, #tpu.memory_space<vmem>>
        %dma_start3A_1280 = arith.constant 0 : i32
        %dma_start3A_1281 = tpu.memref_slice %arg5[%dma_start3A_1280, %mul3A_1255] : memref<32x1000000xf32, #tpu.memory_space<hbm>> -> memref<32x128xf32, #tpu.memory_space<hbm>>
        %dma_start3A_1282 = arith.constant 0 : i32
        %dma_start3A_1283 = arith.constant 0 : i32
        %dma_start3A_1284 = tpu.memref_slice %arg13[%dma_start3A_1275, %dma_start3A_1282, %dma_start3A_1283] : memref<8x32x128xf32, #tpu.memory_space<vmem>> -> memref<1x32x128xf32, #tpu.memory_space<vmem>>
        %dma_start3A_1285 = tpu.memref_squeeze %dma_start3A_1284 : memref<1x32x128xf32, #tpu.memory_space<vmem>> -> memref<32x128xf32, #tpu.memory_space<vmem>>
        %dma_start3A_1286 = arith.constant 0 : i32
        %dma_start3A_1287 = tpu.memref_slice %arg5[%dma_start3A_1286, %mul3A_1255] : memref<32x1000000xf32, #tpu.memory_space<hbm>> -> memref<32x128xf32, #tpu.memory_space<hbm>>
        tpu.enqueue_dma source(%dma_start3A_1287 : memref<32x128xf32, #tpu.memory_space<hbm>>) target(%dma_start3A_1285 : memref<32x128xf32, #tpu.memory_space<vmem>>) target_semaphore(%arg18 : memref<!tpu.dma_semaphore, #tpu.memory_space<semaphore_mem>>)
        %dma_start3A_1288 = arith.constant 2 : i32
        %dma_start3A_1289 = arith.constant 0 : i32
        %dma_start3A_1290 = tpu.memref_slice %arg14[%dma_start3A_1288, %dma_start3A_1289] : memref<8x16xf32, #tpu.memory_space<vmem>> -> memref<1x16xf32, #tpu.memory_space<vmem>>
        %dma_start3A_1291 = tpu.memref_squeeze %dma_start3A_1290 : memref<1x16xf32, #tpu.memory_space<vmem>> -> memref<16xf32, #tpu.memory_space<vmem>>
        %dma_start3A_1292 = tpu.memref_slice %arg6[%mul3A_1261] : memref<1000000xf32, #tpu.memory_space<hbm>> -> memref<16xf32, #tpu.memory_space<hbm>>
        %dma_start3A_1293 = arith.constant 0 : i32
        %dma_start3A_1294 = tpu.memref_slice %arg14[%dma_start3A_1288, %dma_start3A_1293] : memref<8x16xf32, #tpu.memory_space<vmem>> -> memref<1x16xf32, #tpu.memory_space<vmem>>
        %dma_start3A_1295 = tpu.memref_squeeze %dma_start3A_1294 : memref<1x16xf32, #tpu.memory_space<vmem>> -> memref<16xf32, #tpu.memory_space<vmem>>
        %dma_start3A_1296 = tpu.memref_slice %arg6[%mul3A_1261] : memref<1000000xf32, #tpu.memory_space<hbm>> -> memref<16xf32, #tpu.memory_space<hbm>>
        tpu.enqueue_dma source(%dma_start3A_1296 : memref<16xf32, #tpu.memory_space<hbm>>) target(%dma_start3A_1295 : memref<16xf32, #tpu.memory_space<vmem>>) target_semaphore(%arg18 : memref<!tpu.dma_semaphore, #tpu.memory_space<semaphore_mem>>)
      } else {
      }
      %mul3A_744 = arith.constant 8 : i32
      %mul3A_745 = arith.muli %scan3A_436, %mul3A_744 : i32
      %add3A_746 = arith.constant 3 : i32
      %add3A_747 = arith.addi %mul3A_745, %add3A_746 : i32
      %dma_wait3A_748 = arith.constant 3 : i32
      %dma_wait3A_749 = arith.constant 0 : i32
      %dma_wait3A_750 = arith.constant 0 : i32
      %dma_wait3A_751 = tpu.memref_slice %arg12[%dma_wait3A_748, %dma_wait3A_749, %dma_wait3A_750] : memref<8x32x128xf32, #tpu.memory_space<vmem>> -> memref<1x32x128xf32, #tpu.memory_space<vmem>>
      %dma_wait3A_752 = tpu.memref_squeeze %dma_wait3A_751 : memref<1x32x128xf32, #tpu.memory_space<vmem>> -> memref<32x128xf32, #tpu.memory_space<vmem>>
      %dma_wait3A_753 = arith.constant 0 : i32
      %dma_wait3A_754 = arith.constant 0 : i32
      %dma_wait3A_755 = tpu.memref_slice %arg4[%dma_wait3A_753, %dma_wait3A_754] : memref<32x1000000xf32, #tpu.memory_space<hbm>> -> memref<32x128xf32, #tpu.memory_space<hbm>>
      %dma_wait3A_756 = arith.constant 0 : i32
      %dma_wait3A_757 = arith.constant 0 : i32
      %dma_wait3A_758 = tpu.memref_slice %arg12[%dma_wait3A_748, %dma_wait3A_756, %dma_wait3A_757] : memref<8x32x128xf32, #tpu.memory_space<vmem>> -> memref<1x32x128xf32, #tpu.memory_space<vmem>>
      %dma_wait3A_759 = tpu.memref_squeeze %dma_wait3A_758 : memref<1x32x128xf32, #tpu.memory_space<vmem>> -> memref<32x128xf32, #tpu.memory_space<vmem>>
      %dma_wait3A_760 = arith.constant 0 : i32
      %dma_wait3A_761 = arith.constant 0 : i32
      %dma_wait3A_762 = tpu.memref_slice %arg4[%dma_wait3A_760, %dma_wait3A_761] : memref<32x1000000xf32, #tpu.memory_space<hbm>> -> memref<32x128xf32, #tpu.memory_space<hbm>>
      tpu.wait_dma2 semaphore(%arg19 : memref<!tpu.dma_semaphore, #tpu.memory_space<semaphore_mem>>) src(%dma_wait3A_762 : memref<32x128xf32, #tpu.memory_space<hbm>>) dst(%dma_wait3A_759 : memref<32x128xf32, #tpu.memory_space<vmem>>)
      %dma_wait3A_763 = arith.constant 3 : i32
      %dma_wait3A_764 = arith.constant 0 : i32
      %dma_wait3A_765 = arith.constant 0 : i32
      %dma_wait3A_766 = tpu.memref_slice %arg13[%dma_wait3A_763, %dma_wait3A_764, %dma_wait3A_765] : memref<8x32x128xf32, #tpu.memory_space<vmem>> -> memref<1x32x128xf32, #tpu.memory_space<vmem>>
      %dma_wait3A_767 = tpu.memref_squeeze %dma_wait3A_766 : memref<1x32x128xf32, #tpu.memory_space<vmem>> -> memref<32x128xf32, #tpu.memory_space<vmem>>
      %dma_wait3A_768 = arith.constant 0 : i32
      %dma_wait3A_769 = arith.constant 0 : i32
      %dma_wait3A_770 = tpu.memref_slice %arg5[%dma_wait3A_768, %dma_wait3A_769] : memref<32x1000000xf32, #tpu.memory_space<hbm>> -> memref<32x128xf32, #tpu.memory_space<hbm>>
      %dma_wait3A_771 = arith.constant 0 : i32
      %dma_wait3A_772 = arith.constant 0 : i32
      %dma_wait3A_773 = tpu.memref_slice %arg13[%dma_wait3A_763, %dma_wait3A_771, %dma_wait3A_772] : memref<8x32x128xf32, #tpu.memory_space<vmem>> -> memref<1x32x128xf32, #tpu.memory_space<vmem>>
      %dma_wait3A_774 = tpu.memref_squeeze %dma_wait3A_773 : memref<1x32x128xf32, #tpu.memory_space<vmem>> -> memref<32x128xf32, #tpu.memory_space<vmem>>
      %dma_wait3A_775 = arith.constant 0 : i32
      %dma_wait3A_776 = arith.constant 0 : i32
      %dma_wait3A_777 = tpu.memref_slice %arg5[%dma_wait3A_775, %dma_wait3A_776] : memref<32x1000000xf32, #tpu.memory_space<hbm>> -> memref<32x128xf32, #tpu.memory_space<hbm>>
      tpu.wait_dma2 semaphore(%arg19 : memref<!tpu.dma_semaphore, #tpu.memory_space<semaphore_mem>>) src(%dma_wait3A_777 : memref<32x128xf32, #tpu.memory_space<hbm>>) dst(%dma_wait3A_774 : memref<32x128xf32, #tpu.memory_space<vmem>>)
      %dma_wait3A_778 = arith.constant 3 : i32
      %dma_wait3A_779 = arith.constant 0 : i32
      %dma_wait3A_780 = tpu.memref_slice %arg14[%dma_wait3A_778, %dma_wait3A_779] : memref<8x16xf32, #tpu.memory_space<vmem>> -> memref<1x16xf32, #tpu.memory_space<vmem>>
      %dma_wait3A_781 = tpu.memref_squeeze %dma_wait3A_780 : memref<1x16xf32, #tpu.memory_space<vmem>> -> memref<16xf32, #tpu.memory_space<vmem>>
      %dma_wait3A_782 = arith.constant 0 : i32
      %dma_wait3A_783 = tpu.memref_slice %arg6[%dma_wait3A_782] : memref<1000000xf32, #tpu.memory_space<hbm>> -> memref<16xf32, #tpu.memory_space<hbm>>
      %dma_wait3A_784 = arith.constant 0 : i32
      %dma_wait3A_785 = tpu.memref_slice %arg14[%dma_wait3A_778, %dma_wait3A_784] : memref<8x16xf32, #tpu.memory_space<vmem>> -> memref<1x16xf32, #tpu.memory_space<vmem>>
      %dma_wait3A_786 = tpu.memref_squeeze %dma_wait3A_785 : memref<1x16xf32, #tpu.memory_space<vmem>> -> memref<16xf32, #tpu.memory_space<vmem>>
      %dma_wait3A_787 = arith.constant 0 : i32
      %dma_wait3A_788 = tpu.memref_slice %arg6[%dma_wait3A_787] : memref<1000000xf32, #tpu.memory_space<hbm>> -> memref<16xf32, #tpu.memory_space<hbm>>
      tpu.wait_dma2 semaphore(%arg19 : memref<!tpu.dma_semaphore, #tpu.memory_space<semaphore_mem>>) src(%dma_wait3A_788 : memref<16xf32, #tpu.memory_space<hbm>>) dst(%dma_wait3A_786 : memref<16xf32, #tpu.memory_space<vmem>>)
      %broadcast_in_dim3A_789 = arith.constant 3 : i32
      %broadcast_in_dim3A_790 = vector.broadcast %broadcast_in_dim3A_789 : i32 to vector<16xi32>
      %slice3A_791 = vector.extract_strided_slice %gather3A_441 {offsets = [3], sizes = [1], strides = [1]} : vector<16xi32> to vector<1xi32>
      %squeeze3A_792 = vector.extract %slice3A_791[0] : i32 from vector<1xi32>
      %and3A_793 = arith.constant 127 : i32
      %and3A_794 = arith.andi %squeeze3A_792, %and3A_793 : i32
      %broadcast_in_dim3A_795 = vector.broadcast %and3A_794 : i32 to vector<16xi32>
      %slice3A_796 = vector.extract_strided_slice %gather3A_442 {offsets = [3], sizes = [1], strides = [1]} : vector<16xi32> to vector<1xi32>
      %squeeze3A_797 = vector.extract %slice3A_796[0] : i32 from vector<1xi32>
      %and3A_798 = arith.constant 127 : i32
      %and3A_799 = arith.andi %squeeze3A_797, %and3A_798 : i32
      %broadcast_in_dim3A_800 = vector.broadcast %and3A_799 : i32 to vector<16xi32>
      %slice3A_801 = vector.extract_strided_slice %gather3A_442 {offsets = [3], sizes = [1], strides = [1]} : vector<16xi32> to vector<1xi32>
      %squeeze3A_802 = vector.extract %slice3A_801[0] : i32 from vector<1xi32>
      %and3A_803 = arith.constant 15 : i32
      %and3A_804 = arith.andi %squeeze3A_802, %and3A_803 : i32
      %broadcast_in_dim3A_805 = vector.broadcast %and3A_804 : i32 to vector<16xi32>
      %gather3A_806 = tpu.vector_load_idx %arg12[%broadcast_in_dim3A_790, %iota3A, %broadcast_in_dim3A_795] : memref<8x32x128xf32, #tpu.memory_space<vmem>>[vector<16xi32>, vector<16xi32>, vector<16xi32>], vector<16xf32>,
      %add3A_807 = arith.constant 16 : i32
      %add3A_808 = vector.broadcast %add3A_807 : i32 to vector<16xi32>
      %add3A_809 = arith.addi %iota3A, %add3A_808 : vector<16xi32>
      %gather3A_810 = tpu.vector_load_idx %arg12[%broadcast_in_dim3A_790, %add3A_809, %broadcast_in_dim3A_795] : memref<8x32x128xf32, #tpu.memory_space<vmem>>[vector<16xi32>, vector<16xi32>, vector<16xi32>], vector<16xf32>,
      %gather3A_811 = tpu.vector_load_idx %arg13[%broadcast_in_dim3A_790, %iota3A, %broadcast_in_dim3A_800] : memref<8x32x128xf32, #tpu.memory_space<vmem>>[vector<16xi32>, vector<16xi32>, vector<16xi32>], vector<16xf32>,
      %add3A_812 = arith.constant 16 : i32
      %add3A_813 = vector.broadcast %add3A_812 : i32 to vector<16xi32>
      %add3A_814 = arith.addi %iota3A, %add3A_813 : vector<16xi32>
      %gather3A_815 = tpu.vector_load_idx %arg13[%broadcast_in_dim3A_790, %add3A_814, %broadcast_in_dim3A_800] : memref<8x32x128xf32, #tpu.memory_space<vmem>>[vector<16xi32>, vector<16xi32>, vector<16xi32>], vector<16xf32>,
      %mul3A_816 = arith.mulf %gather3A_806, %gather3A_811 : vector<16xf32>
      %max3A_817 = arith.constant 0.000000e+00 : f32
      %max3A_818 = vector.broadcast %max3A_817 : f32 to vector<16xf32>
      %max3A_819 = arith.maximumf %mul3A_816, %max3A_818 : vector<16xf32>
      %mul3A_820 = arith.mulf %max3A_819, %get3A_3 : vector<16xf32>
      %mul3A_821 = arith.mulf %gather3A_810, %gather3A_815 : vector<16xf32>
      %max3A_822 = arith.constant 0.000000e+00 : f32
      %max3A_823 = vector.broadcast %max3A_822 : f32 to vector<16xf32>
      %max3A_824 = arith.maximumf %mul3A_821, %max3A_823 : vector<16xf32>
      %mul3A_825 = arith.mulf %max3A_824, %get3A_5 : vector<16xf32>
      %add3A_826 = arith.addf %mul3A_820, %mul3A_825 : vector<16xf32>
      %reduce_sum3A_827 = arith.constant true
      %reduce_sum3A_828 = vector.broadcast %reduce_sum3A_827 : i1 to vector<16xi1>
      %reduce_sum3A_829 = tpu.scan <sum>, %add3A_826 masked %reduce_sum3A_828 : vector<16xf32>, vector<16xi1> -> vector<16xf32>
      %reduce_sum3A_830 = vector.extract %reduce_sum3A_829[15] : f32 from vector<16xf32>
      %gather3A_831 = tpu.vector_load_idx %arg14[%broadcast_in_dim3A_790, %broadcast_in_dim3A_805] : memref<8x16xf32, #tpu.memory_space<vmem>>[vector<16xi32>, vector<16xi32>], vector<16xf32>,
      %slice3A_832 = vector.extract_strided_slice %gather3A_831 {offsets = [0], sizes = [1], strides = [1]} : vector<16xf32> to vector<1xf32>
      %squeeze3A_833 = vector.extract %slice3A_832[0] : f32 from vector<1xf32>
      %add3A_834 = arith.addf %reduce_sum3A_830, %squeeze3A_833 : f32
      %broadcast_in_dim3A_835 = vector.broadcast %add3A_747 : i32 to vector<16xi32>
      %broadcast_in_dim3A_836 = vector.broadcast %add3A_834 : f32 to vector<16xf32>
      tpu.vector_store_idx %arg15[%broadcast_in_dim3A_835], %broadcast_in_dim3A_836 masked %eq3A_7 : memref<512xf32, #tpu.memory_space<vmem>>[vector<16xi32>], vector<16xf32>, vector<16xi1>
      %add3A_837 = arith.constant 8 : i32
      %add3A_838 = arith.addi %add3A_747, %add3A_837 : i32
      %lt3A_839 = arith.constant 512 : i32
      %lt3A_840 = arith.cmpi slt, %add3A_838, %lt3A_839 : i32
      %convert_element_type3A_841 = arith.extui %lt3A_840 : i1 to i32
      %cond3A_842 = arith.constant 0 : i32
      %cond3A_843 = arith.cmpi ne, %convert_element_type3A_841, %cond3A_842 : i32
      scf.if %cond3A_843 {
        %slice3A_1244 = vector.extract_strided_slice %gather3A_449 {offsets = [3], sizes = [1], strides = [1]} : vector<16xi32> to vector<1xi32>
        %squeeze3A_1245 = vector.extract %slice3A_1244[0] : i32 from vector<1xi32>
        %div3A_1246 = arith.constant 128 : i32
        %div3A_1247 = arith.divsi %squeeze3A_1245, %div3A_1246 : i32
        %mul3A_1248 = arith.constant 128 : i32
        %mul3A_1249 = arith.muli %div3A_1247, %mul3A_1248 : i32
        %slice3A_1250 = vector.extract_strided_slice %gather3A_450 {offsets = [3], sizes = [1], strides = [1]} : vector<16xi32> to vector<1xi32>
        %squeeze3A_1251 = vector.extract %slice3A_1250[0] : i32 from vector<1xi32>
        %div3A_1252 = arith.constant 128 : i32
        %div3A_1253 = arith.divsi %squeeze3A_1251, %div3A_1252 : i32
        %mul3A_1254 = arith.constant 128 : i32
        %mul3A_1255 = arith.muli %div3A_1253, %mul3A_1254 : i32
        %slice3A_1256 = vector.extract_strided_slice %gather3A_450 {offsets = [3], sizes = [1], strides = [1]} : vector<16xi32> to vector<1xi32>
        %squeeze3A_1257 = vector.extract %slice3A_1256[0] : i32 from vector<1xi32>
        %div3A_1258 = arith.constant 16 : i32
        %div3A_1259 = arith.divsi %squeeze3A_1257, %div3A_1258 : i32
        %mul3A_1260 = arith.constant 16 : i32
        %mul3A_1261 = arith.muli %div3A_1259, %mul3A_1260 : i32
        %dma_start3A_1262 = arith.constant 3 : i32
        %dma_start3A_1263 = arith.constant 0 : i32
        %dma_start3A_1264 = arith.constant 0 : i32
        %dma_start3A_1265 = tpu.memref_slice %arg12[%dma_start3A_1262, %dma_start3A_1263, %dma_start3A_1264] : memref<8x32x128xf32, #tpu.memory_space<vmem>> -> memref<1x32x128xf32, #tpu.memory_space<vmem>>
        %dma_start3A_1266 = tpu.memref_squeeze %dma_start3A_1265 : memref<1x32x128xf32, #tpu.memory_space<vmem>> -> memref<32x128xf32, #tpu.memory_space<vmem>>
        %dma_start3A_1267 = arith.constant 0 : i32
        %dma_start3A_1268 = tpu.memref_slice %arg4[%dma_start3A_1267, %mul3A_1249] : memref<32x1000000xf32, #tpu.memory_space<hbm>> -> memref<32x128xf32, #tpu.memory_space<hbm>>
        %dma_start3A_1269 = arith.constant 0 : i32
        %dma_start3A_1270 = arith.constant 0 : i32
        %dma_start3A_1271 = tpu.memref_slice %arg12[%dma_start3A_1262, %dma_start3A_1269, %dma_start3A_1270] : memref<8x32x128xf32, #tpu.memory_space<vmem>> -> memref<1x32x128xf32, #tpu.memory_space<vmem>>
        %dma_start3A_1272 = tpu.memref_squeeze %dma_start3A_1271 : memref<1x32x128xf32, #tpu.memory_space<vmem>> -> memref<32x128xf32, #tpu.memory_space<vmem>>
        %dma_start3A_1273 = arith.constant 0 : i32
        %dma_start3A_1274 = tpu.memref_slice %arg4[%dma_start3A_1273, %mul3A_1249] : memref<32x1000000xf32, #tpu.memory_space<hbm>> -> memref<32x128xf32, #tpu.memory_space<hbm>>
        tpu.enqueue_dma source(%dma_start3A_1274 : memref<32x128xf32, #tpu.memory_space<hbm>>) target(%dma_start3A_1272 : memref<32x128xf32, #tpu.memory_space<vmem>>) target_semaphore(%arg19 : memref<!tpu.dma_semaphore, #tpu.memory_space<semaphore_mem>>)
        %dma_start3A_1275 = arith.constant 3 : i32
        %dma_start3A_1276 = arith.constant 0 : i32
        %dma_start3A_1277 = arith.constant 0 : i32
        %dma_start3A_1278 = tpu.memref_slice %arg13[%dma_start3A_1275, %dma_start3A_1276, %dma_start3A_1277] : memref<8x32x128xf32, #tpu.memory_space<vmem>> -> memref<1x32x128xf32, #tpu.memory_space<vmem>>
        %dma_start3A_1279 = tpu.memref_squeeze %dma_start3A_1278 : memref<1x32x128xf32, #tpu.memory_space<vmem>> -> memref<32x128xf32, #tpu.memory_space<vmem>>
        %dma_start3A_1280 = arith.constant 0 : i32
        %dma_start3A_1281 = tpu.memref_slice %arg5[%dma_start3A_1280, %mul3A_1255] : memref<32x1000000xf32, #tpu.memory_space<hbm>> -> memref<32x128xf32, #tpu.memory_space<hbm>>
        %dma_start3A_1282 = arith.constant 0 : i32
        %dma_start3A_1283 = arith.constant 0 : i32
        %dma_start3A_1284 = tpu.memref_slice %arg13[%dma_start3A_1275, %dma_start3A_1282, %dma_start3A_1283] : memref<8x32x128xf32, #tpu.memory_space<vmem>> -> memref<1x32x128xf32, #tpu.memory_space<vmem>>
        %dma_start3A_1285 = tpu.memref_squeeze %dma_start3A_1284 : memref<1x32x128xf32, #tpu.memory_space<vmem>> -> memref<32x128xf32, #tpu.memory_space<vmem>>
        %dma_start3A_1286 = arith.constant 0 : i32
        %dma_start3A_1287 = tpu.memref_slice %arg5[%dma_start3A_1286, %mul3A_1255] : memref<32x1000000xf32, #tpu.memory_space<hbm>> -> memref<32x128xf32, #tpu.memory_space<hbm>>
        tpu.enqueue_dma source(%dma_start3A_1287 : memref<32x128xf32, #tpu.memory_space<hbm>>) target(%dma_start3A_1285 : memref<32x128xf32, #tpu.memory_space<vmem>>) target_semaphore(%arg19 : memref<!tpu.dma_semaphore, #tpu.memory_space<semaphore_mem>>)
        %dma_start3A_1288 = arith.constant 3 : i32
        %dma_start3A_1289 = arith.constant 0 : i32
        %dma_start3A_1290 = tpu.memref_slice %arg14[%dma_start3A_1288, %dma_start3A_1289] : memref<8x16xf32, #tpu.memory_space<vmem>> -> memref<1x16xf32, #tpu.memory_space<vmem>>
        %dma_start3A_1291 = tpu.memref_squeeze %dma_start3A_1290 : memref<1x16xf32, #tpu.memory_space<vmem>> -> memref<16xf32, #tpu.memory_space<vmem>>
        %dma_start3A_1292 = tpu.memref_slice %arg6[%mul3A_1261] : memref<1000000xf32, #tpu.memory_space<hbm>> -> memref<16xf32, #tpu.memory_space<hbm>>
        %dma_start3A_1293 = arith.constant 0 : i32
        %dma_start3A_1294 = tpu.memref_slice %arg14[%dma_start3A_1288, %dma_start3A_1293] : memref<8x16xf32, #tpu.memory_space<vmem>> -> memref<1x16xf32, #tpu.memory_space<vmem>>
        %dma_start3A_1295 = tpu.memref_squeeze %dma_start3A_1294 : memref<1x16xf32, #tpu.memory_space<vmem>> -> memref<16xf32, #tpu.memory_space<vmem>>
        %dma_start3A_1296 = tpu.memref_slice %arg6[%mul3A_1261] : memref<1000000xf32, #tpu.memory_space<hbm>> -> memref<16xf32, #tpu.memory_space<hbm>>
        tpu.enqueue_dma source(%dma_start3A_1296 : memref<16xf32, #tpu.memory_space<hbm>>) target(%dma_start3A_1295 : memref<16xf32, #tpu.memory_space<vmem>>) target_semaphore(%arg19 : memref<!tpu.dma_semaphore, #tpu.memory_space<semaphore_mem>>)
      } else {
      }
      %mul3A_844 = arith.constant 8 : i32
      %mul3A_845 = arith.muli %scan3A_436, %mul3A_844 : i32
      %add3A_846 = arith.constant 4 : i32
      %add3A_847 = arith.addi %mul3A_845, %add3A_846 : i32
      %dma_wait3A_848 = arith.constant 4 : i32
      %dma_wait3A_849 = arith.constant 0 : i32
      %dma_wait3A_850 = arith.constant 0 : i32
      %dma_wait3A_851 = tpu.memref_slice %arg12[%dma_wait3A_848, %dma_wait3A_849, %dma_wait3A_850] : memref<8x32x128xf32, #tpu.memory_space<vmem>> -> memref<1x32x128xf32, #tpu.memory_space<vmem>>
      %dma_wait3A_852 = tpu.memref_squeeze %dma_wait3A_851 : memref<1x32x128xf32, #tpu.memory_space<vmem>> -> memref<32x128xf32, #tpu.memory_space<vmem>>
      %dma_wait3A_853 = arith.constant 0 : i32
      %dma_wait3A_854 = arith.constant 0 : i32
      %dma_wait3A_855 = tpu.memref_slice %arg4[%dma_wait3A_853, %dma_wait3A_854] : memref<32x1000000xf32, #tpu.memory_space<hbm>> -> memref<32x128xf32, #tpu.memory_space<hbm>>
      %dma_wait3A_856 = arith.constant 0 : i32
      %dma_wait3A_857 = arith.constant 0 : i32
      %dma_wait3A_858 = tpu.memref_slice %arg12[%dma_wait3A_848, %dma_wait3A_856, %dma_wait3A_857] : memref<8x32x128xf32, #tpu.memory_space<vmem>> -> memref<1x32x128xf32, #tpu.memory_space<vmem>>
      %dma_wait3A_859 = tpu.memref_squeeze %dma_wait3A_858 : memref<1x32x128xf32, #tpu.memory_space<vmem>> -> memref<32x128xf32, #tpu.memory_space<vmem>>
      %dma_wait3A_860 = arith.constant 0 : i32
      %dma_wait3A_861 = arith.constant 0 : i32
      %dma_wait3A_862 = tpu.memref_slice %arg4[%dma_wait3A_860, %dma_wait3A_861] : memref<32x1000000xf32, #tpu.memory_space<hbm>> -> memref<32x128xf32, #tpu.memory_space<hbm>>
      tpu.wait_dma2 semaphore(%arg20 : memref<!tpu.dma_semaphore, #tpu.memory_space<semaphore_mem>>) src(%dma_wait3A_862 : memref<32x128xf32, #tpu.memory_space<hbm>>) dst(%dma_wait3A_859 : memref<32x128xf32, #tpu.memory_space<vmem>>)
      %dma_wait3A_863 = arith.constant 4 : i32
      %dma_wait3A_864 = arith.constant 0 : i32
      %dma_wait3A_865 = arith.constant 0 : i32
      %dma_wait3A_866 = tpu.memref_slice %arg13[%dma_wait3A_863, %dma_wait3A_864, %dma_wait3A_865] : memref<8x32x128xf32, #tpu.memory_space<vmem>> -> memref<1x32x128xf32, #tpu.memory_space<vmem>>
      %dma_wait3A_867 = tpu.memref_squeeze %dma_wait3A_866 : memref<1x32x128xf32, #tpu.memory_space<vmem>> -> memref<32x128xf32, #tpu.memory_space<vmem>>
      %dma_wait3A_868 = arith.constant 0 : i32
      %dma_wait3A_869 = arith.constant 0 : i32
      %dma_wait3A_870 = tpu.memref_slice %arg5[%dma_wait3A_868, %dma_wait3A_869] : memref<32x1000000xf32, #tpu.memory_space<hbm>> -> memref<32x128xf32, #tpu.memory_space<hbm>>
      %dma_wait3A_871 = arith.constant 0 : i32
      %dma_wait3A_872 = arith.constant 0 : i32
      %dma_wait3A_873 = tpu.memref_slice %arg13[%dma_wait3A_863, %dma_wait3A_871, %dma_wait3A_872] : memref<8x32x128xf32, #tpu.memory_space<vmem>> -> memref<1x32x128xf32, #tpu.memory_space<vmem>>
      %dma_wait3A_874 = tpu.memref_squeeze %dma_wait3A_873 : memref<1x32x128xf32, #tpu.memory_space<vmem>> -> memref<32x128xf32, #tpu.memory_space<vmem>>
      %dma_wait3A_875 = arith.constant 0 : i32
      %dma_wait3A_876 = arith.constant 0 : i32
      %dma_wait3A_877 = tpu.memref_slice %arg5[%dma_wait3A_875, %dma_wait3A_876] : memref<32x1000000xf32, #tpu.memory_space<hbm>> -> memref<32x128xf32, #tpu.memory_space<hbm>>
      tpu.wait_dma2 semaphore(%arg20 : memref<!tpu.dma_semaphore, #tpu.memory_space<semaphore_mem>>) src(%dma_wait3A_877 : memref<32x128xf32, #tpu.memory_space<hbm>>) dst(%dma_wait3A_874 : memref<32x128xf32, #tpu.memory_space<vmem>>)
      %dma_wait3A_878 = arith.constant 4 : i32
      %dma_wait3A_879 = arith.constant 0 : i32
      %dma_wait3A_880 = tpu.memref_slice %arg14[%dma_wait3A_878, %dma_wait3A_879] : memref<8x16xf32, #tpu.memory_space<vmem>> -> memref<1x16xf32, #tpu.memory_space<vmem>>
      %dma_wait3A_881 = tpu.memref_squeeze %dma_wait3A_880 : memref<1x16xf32, #tpu.memory_space<vmem>> -> memref<16xf32, #tpu.memory_space<vmem>>
      %dma_wait3A_882 = arith.constant 0 : i32
      %dma_wait3A_883 = tpu.memref_slice %arg6[%dma_wait3A_882] : memref<1000000xf32, #tpu.memory_space<hbm>> -> memref<16xf32, #tpu.memory_space<hbm>>
      %dma_wait3A_884 = arith.constant 0 : i32
      %dma_wait3A_885 = tpu.memref_slice %arg14[%dma_wait3A_878, %dma_wait3A_884] : memref<8x16xf32, #tpu.memory_space<vmem>> -> memref<1x16xf32, #tpu.memory_space<vmem>>
      %dma_wait3A_886 = tpu.memref_squeeze %dma_wait3A_885 : memref<1x16xf32, #tpu.memory_space<vmem>> -> memref<16xf32, #tpu.memory_space<vmem>>
      %dma_wait3A_887 = arith.constant 0 : i32
      %dma_wait3A_888 = tpu.memref_slice %arg6[%dma_wait3A_887] : memref<1000000xf32, #tpu.memory_space<hbm>> -> memref<16xf32, #tpu.memory_space<hbm>>
      tpu.wait_dma2 semaphore(%arg20 : memref<!tpu.dma_semaphore, #tpu.memory_space<semaphore_mem>>) src(%dma_wait3A_888 : memref<16xf32, #tpu.memory_space<hbm>>) dst(%dma_wait3A_886 : memref<16xf32, #tpu.memory_space<vmem>>)
      %broadcast_in_dim3A_889 = arith.constant 4 : i32
      %broadcast_in_dim3A_890 = vector.broadcast %broadcast_in_dim3A_889 : i32 to vector<16xi32>
      %slice3A_891 = vector.extract_strided_slice %gather3A_441 {offsets = [4], sizes = [1], strides = [1]} : vector<16xi32> to vector<1xi32>
      %squeeze3A_892 = vector.extract %slice3A_891[0] : i32 from vector<1xi32>
      %and3A_893 = arith.constant 127 : i32
      %and3A_894 = arith.andi %squeeze3A_892, %and3A_893 : i32
      %broadcast_in_dim3A_895 = vector.broadcast %and3A_894 : i32 to vector<16xi32>
      %slice3A_896 = vector.extract_strided_slice %gather3A_442 {offsets = [4], sizes = [1], strides = [1]} : vector<16xi32> to vector<1xi32>
      %squeeze3A_897 = vector.extract %slice3A_896[0] : i32 from vector<1xi32>
      %and3A_898 = arith.constant 127 : i32
      %and3A_899 = arith.andi %squeeze3A_897, %and3A_898 : i32
      %broadcast_in_dim3A_900 = vector.broadcast %and3A_899 : i32 to vector<16xi32>
      %slice3A_901 = vector.extract_strided_slice %gather3A_442 {offsets = [4], sizes = [1], strides = [1]} : vector<16xi32> to vector<1xi32>
      %squeeze3A_902 = vector.extract %slice3A_901[0] : i32 from vector<1xi32>
      %and3A_903 = arith.constant 15 : i32
      %and3A_904 = arith.andi %squeeze3A_902, %and3A_903 : i32
      %broadcast_in_dim3A_905 = vector.broadcast %and3A_904 : i32 to vector<16xi32>
      %gather3A_906 = tpu.vector_load_idx %arg12[%broadcast_in_dim3A_890, %iota3A, %broadcast_in_dim3A_895] : memref<8x32x128xf32, #tpu.memory_space<vmem>>[vector<16xi32>, vector<16xi32>, vector<16xi32>], vector<16xf32>,
      %add3A_907 = arith.constant 16 : i32
      %add3A_908 = vector.broadcast %add3A_907 : i32 to vector<16xi32>
      %add3A_909 = arith.addi %iota3A, %add3A_908 : vector<16xi32>
      %gather3A_910 = tpu.vector_load_idx %arg12[%broadcast_in_dim3A_890, %add3A_909, %broadcast_in_dim3A_895] : memref<8x32x128xf32, #tpu.memory_space<vmem>>[vector<16xi32>, vector<16xi32>, vector<16xi32>], vector<16xf32>,
      %gather3A_911 = tpu.vector_load_idx %arg13[%broadcast_in_dim3A_890, %iota3A, %broadcast_in_dim3A_900] : memref<8x32x128xf32, #tpu.memory_space<vmem>>[vector<16xi32>, vector<16xi32>, vector<16xi32>], vector<16xf32>,
      %add3A_912 = arith.constant 16 : i32
      %add3A_913 = vector.broadcast %add3A_912 : i32 to vector<16xi32>
      %add3A_914 = arith.addi %iota3A, %add3A_913 : vector<16xi32>
      %gather3A_915 = tpu.vector_load_idx %arg13[%broadcast_in_dim3A_890, %add3A_914, %broadcast_in_dim3A_900] : memref<8x32x128xf32, #tpu.memory_space<vmem>>[vector<16xi32>, vector<16xi32>, vector<16xi32>], vector<16xf32>,
      %mul3A_916 = arith.mulf %gather3A_906, %gather3A_911 : vector<16xf32>
      %max3A_917 = arith.constant 0.000000e+00 : f32
      %max3A_918 = vector.broadcast %max3A_917 : f32 to vector<16xf32>
      %max3A_919 = arith.maximumf %mul3A_916, %max3A_918 : vector<16xf32>
      %mul3A_920 = arith.mulf %max3A_919, %get3A_3 : vector<16xf32>
      %mul3A_921 = arith.mulf %gather3A_910, %gather3A_915 : vector<16xf32>
      %max3A_922 = arith.constant 0.000000e+00 : f32
      %max3A_923 = vector.broadcast %max3A_922 : f32 to vector<16xf32>
      %max3A_924 = arith.maximumf %mul3A_921, %max3A_923 : vector<16xf32>
      %mul3A_925 = arith.mulf %max3A_924, %get3A_5 : vector<16xf32>
      %add3A_926 = arith.addf %mul3A_920, %mul3A_925 : vector<16xf32>
      %reduce_sum3A_927 = arith.constant true
      %reduce_sum3A_928 = vector.broadcast %reduce_sum3A_927 : i1 to vector<16xi1>
      %reduce_sum3A_929 = tpu.scan <sum>, %add3A_926 masked %reduce_sum3A_928 : vector<16xf32>, vector<16xi1> -> vector<16xf32>
      %reduce_sum3A_930 = vector.extract %reduce_sum3A_929[15] : f32 from vector<16xf32>
      %gather3A_931 = tpu.vector_load_idx %arg14[%broadcast_in_dim3A_890, %broadcast_in_dim3A_905] : memref<8x16xf32, #tpu.memory_space<vmem>>[vector<16xi32>, vector<16xi32>], vector<16xf32>,
      %slice3A_932 = vector.extract_strided_slice %gather3A_931 {offsets = [0], sizes = [1], strides = [1]} : vector<16xf32> to vector<1xf32>
      %squeeze3A_933 = vector.extract %slice3A_932[0] : f32 from vector<1xf32>
      %add3A_934 = arith.addf %reduce_sum3A_930, %squeeze3A_933 : f32
      %broadcast_in_dim3A_935 = vector.broadcast %add3A_847 : i32 to vector<16xi32>
      %broadcast_in_dim3A_936 = vector.broadcast %add3A_934 : f32 to vector<16xf32>
      tpu.vector_store_idx %arg15[%broadcast_in_dim3A_935], %broadcast_in_dim3A_936 masked %eq3A_7 : memref<512xf32, #tpu.memory_space<vmem>>[vector<16xi32>], vector<16xf32>, vector<16xi1>
      %add3A_937 = arith.constant 8 : i32
      %add3A_938 = arith.addi %add3A_847, %add3A_937 : i32
      %lt3A_939 = arith.constant 512 : i32
      %lt3A_940 = arith.cmpi slt, %add3A_938, %lt3A_939 : i32
      %convert_element_type3A_941 = arith.extui %lt3A_940 : i1 to i32
      %cond3A_942 = arith.constant 0 : i32
      %cond3A_943 = arith.cmpi ne, %convert_element_type3A_941, %cond3A_942 : i32
      scf.if %cond3A_943 {
        %slice3A_1244 = vector.extract_strided_slice %gather3A_449 {offsets = [4], sizes = [1], strides = [1]} : vector<16xi32> to vector<1xi32>
        %squeeze3A_1245 = vector.extract %slice3A_1244[0] : i32 from vector<1xi32>
        %div3A_1246 = arith.constant 128 : i32
        %div3A_1247 = arith.divsi %squeeze3A_1245, %div3A_1246 : i32
        %mul3A_1248 = arith.constant 128 : i32
        %mul3A_1249 = arith.muli %div3A_1247, %mul3A_1248 : i32
        %slice3A_1250 = vector.extract_strided_slice %gather3A_450 {offsets = [4], sizes = [1], strides = [1]} : vector<16xi32> to vector<1xi32>
        %squeeze3A_1251 = vector.extract %slice3A_1250[0] : i32 from vector<1xi32>
        %div3A_1252 = arith.constant 128 : i32
        %div3A_1253 = arith.divsi %squeeze3A_1251, %div3A_1252 : i32
        %mul3A_1254 = arith.constant 128 : i32
        %mul3A_1255 = arith.muli %div3A_1253, %mul3A_1254 : i32
        %slice3A_1256 = vector.extract_strided_slice %gather3A_450 {offsets = [4], sizes = [1], strides = [1]} : vector<16xi32> to vector<1xi32>
        %squeeze3A_1257 = vector.extract %slice3A_1256[0] : i32 from vector<1xi32>
        %div3A_1258 = arith.constant 16 : i32
        %div3A_1259 = arith.divsi %squeeze3A_1257, %div3A_1258 : i32
        %mul3A_1260 = arith.constant 16 : i32
        %mul3A_1261 = arith.muli %div3A_1259, %mul3A_1260 : i32
        %dma_start3A_1262 = arith.constant 4 : i32
        %dma_start3A_1263 = arith.constant 0 : i32
        %dma_start3A_1264 = arith.constant 0 : i32
        %dma_start3A_1265 = tpu.memref_slice %arg12[%dma_start3A_1262, %dma_start3A_1263, %dma_start3A_1264] : memref<8x32x128xf32, #tpu.memory_space<vmem>> -> memref<1x32x128xf32, #tpu.memory_space<vmem>>
        %dma_start3A_1266 = tpu.memref_squeeze %dma_start3A_1265 : memref<1x32x128xf32, #tpu.memory_space<vmem>> -> memref<32x128xf32, #tpu.memory_space<vmem>>
        %dma_start3A_1267 = arith.constant 0 : i32
        %dma_start3A_1268 = tpu.memref_slice %arg4[%dma_start3A_1267, %mul3A_1249] : memref<32x1000000xf32, #tpu.memory_space<hbm>> -> memref<32x128xf32, #tpu.memory_space<hbm>>
        %dma_start3A_1269 = arith.constant 0 : i32
        %dma_start3A_1270 = arith.constant 0 : i32
        %dma_start3A_1271 = tpu.memref_slice %arg12[%dma_start3A_1262, %dma_start3A_1269, %dma_start3A_1270] : memref<8x32x128xf32, #tpu.memory_space<vmem>> -> memref<1x32x128xf32, #tpu.memory_space<vmem>>
        %dma_start3A_1272 = tpu.memref_squeeze %dma_start3A_1271 : memref<1x32x128xf32, #tpu.memory_space<vmem>> -> memref<32x128xf32, #tpu.memory_space<vmem>>
        %dma_start3A_1273 = arith.constant 0 : i32
        %dma_start3A_1274 = tpu.memref_slice %arg4[%dma_start3A_1273, %mul3A_1249] : memref<32x1000000xf32, #tpu.memory_space<hbm>> -> memref<32x128xf32, #tpu.memory_space<hbm>>
        tpu.enqueue_dma source(%dma_start3A_1274 : memref<32x128xf32, #tpu.memory_space<hbm>>) target(%dma_start3A_1272 : memref<32x128xf32, #tpu.memory_space<vmem>>) target_semaphore(%arg20 : memref<!tpu.dma_semaphore, #tpu.memory_space<semaphore_mem>>)
        %dma_start3A_1275 = arith.constant 4 : i32
        %dma_start3A_1276 = arith.constant 0 : i32
        %dma_start3A_1277 = arith.constant 0 : i32
        %dma_start3A_1278 = tpu.memref_slice %arg13[%dma_start3A_1275, %dma_start3A_1276, %dma_start3A_1277] : memref<8x32x128xf32, #tpu.memory_space<vmem>> -> memref<1x32x128xf32, #tpu.memory_space<vmem>>
        %dma_start3A_1279 = tpu.memref_squeeze %dma_start3A_1278 : memref<1x32x128xf32, #tpu.memory_space<vmem>> -> memref<32x128xf32, #tpu.memory_space<vmem>>
        %dma_start3A_1280 = arith.constant 0 : i32
        %dma_start3A_1281 = tpu.memref_slice %arg5[%dma_start3A_1280, %mul3A_1255] : memref<32x1000000xf32, #tpu.memory_space<hbm>> -> memref<32x128xf32, #tpu.memory_space<hbm>>
        %dma_start3A_1282 = arith.constant 0 : i32
        %dma_start3A_1283 = arith.constant 0 : i32
        %dma_start3A_1284 = tpu.memref_slice %arg13[%dma_start3A_1275, %dma_start3A_1282, %dma_start3A_1283] : memref<8x32x128xf32, #tpu.memory_space<vmem>> -> memref<1x32x128xf32, #tpu.memory_space<vmem>>
        %dma_start3A_1285 = tpu.memref_squeeze %dma_start3A_1284 : memref<1x32x128xf32, #tpu.memory_space<vmem>> -> memref<32x128xf32, #tpu.memory_space<vmem>>
        %dma_start3A_1286 = arith.constant 0 : i32
        %dma_start3A_1287 = tpu.memref_slice %arg5[%dma_start3A_1286, %mul3A_1255] : memref<32x1000000xf32, #tpu.memory_space<hbm>> -> memref<32x128xf32, #tpu.memory_space<hbm>>
        tpu.enqueue_dma source(%dma_start3A_1287 : memref<32x128xf32, #tpu.memory_space<hbm>>) target(%dma_start3A_1285 : memref<32x128xf32, #tpu.memory_space<vmem>>) target_semaphore(%arg20 : memref<!tpu.dma_semaphore, #tpu.memory_space<semaphore_mem>>)
        %dma_start3A_1288 = arith.constant 4 : i32
        %dma_start3A_1289 = arith.constant 0 : i32
        %dma_start3A_1290 = tpu.memref_slice %arg14[%dma_start3A_1288, %dma_start3A_1289] : memref<8x16xf32, #tpu.memory_space<vmem>> -> memref<1x16xf32, #tpu.memory_space<vmem>>
        %dma_start3A_1291 = tpu.memref_squeeze %dma_start3A_1290 : memref<1x16xf32, #tpu.memory_space<vmem>> -> memref<16xf32, #tpu.memory_space<vmem>>
        %dma_start3A_1292 = tpu.memref_slice %arg6[%mul3A_1261] : memref<1000000xf32, #tpu.memory_space<hbm>> -> memref<16xf32, #tpu.memory_space<hbm>>
        %dma_start3A_1293 = arith.constant 0 : i32
        %dma_start3A_1294 = tpu.memref_slice %arg14[%dma_start3A_1288, %dma_start3A_1293] : memref<8x16xf32, #tpu.memory_space<vmem>> -> memref<1x16xf32, #tpu.memory_space<vmem>>
        %dma_start3A_1295 = tpu.memref_squeeze %dma_start3A_1294 : memref<1x16xf32, #tpu.memory_space<vmem>> -> memref<16xf32, #tpu.memory_space<vmem>>
        %dma_start3A_1296 = tpu.memref_slice %arg6[%mul3A_1261] : memref<1000000xf32, #tpu.memory_space<hbm>> -> memref<16xf32, #tpu.memory_space<hbm>>
        tpu.enqueue_dma source(%dma_start3A_1296 : memref<16xf32, #tpu.memory_space<hbm>>) target(%dma_start3A_1295 : memref<16xf32, #tpu.memory_space<vmem>>) target_semaphore(%arg20 : memref<!tpu.dma_semaphore, #tpu.memory_space<semaphore_mem>>)
      } else {
      }
      %mul3A_944 = arith.constant 8 : i32
      %mul3A_945 = arith.muli %scan3A_436, %mul3A_944 : i32
      %add3A_946 = arith.constant 5 : i32
      %add3A_947 = arith.addi %mul3A_945, %add3A_946 : i32
      %dma_wait3A_948 = arith.constant 5 : i32
      %dma_wait3A_949 = arith.constant 0 : i32
      %dma_wait3A_950 = arith.constant 0 : i32
      %dma_wait3A_951 = tpu.memref_slice %arg12[%dma_wait3A_948, %dma_wait3A_949, %dma_wait3A_950] : memref<8x32x128xf32, #tpu.memory_space<vmem>> -> memref<1x32x128xf32, #tpu.memory_space<vmem>>
      %dma_wait3A_952 = tpu.memref_squeeze %dma_wait3A_951 : memref<1x32x128xf32, #tpu.memory_space<vmem>> -> memref<32x128xf32, #tpu.memory_space<vmem>>
      %dma_wait3A_953 = arith.constant 0 : i32
      %dma_wait3A_954 = arith.constant 0 : i32
      %dma_wait3A_955 = tpu.memref_slice %arg4[%dma_wait3A_953, %dma_wait3A_954] : memref<32x1000000xf32, #tpu.memory_space<hbm>> -> memref<32x128xf32, #tpu.memory_space<hbm>>
      %dma_wait3A_956 = arith.constant 0 : i32
      %dma_wait3A_957 = arith.constant 0 : i32
      %dma_wait3A_958 = tpu.memref_slice %arg12[%dma_wait3A_948, %dma_wait3A_956, %dma_wait3A_957] : memref<8x32x128xf32, #tpu.memory_space<vmem>> -> memref<1x32x128xf32, #tpu.memory_space<vmem>>
      %dma_wait3A_959 = tpu.memref_squeeze %dma_wait3A_958 : memref<1x32x128xf32, #tpu.memory_space<vmem>> -> memref<32x128xf32, #tpu.memory_space<vmem>>
      %dma_wait3A_960 = arith.constant 0 : i32
      %dma_wait3A_961 = arith.constant 0 : i32
      %dma_wait3A_962 = tpu.memref_slice %arg4[%dma_wait3A_960, %dma_wait3A_961] : memref<32x1000000xf32, #tpu.memory_space<hbm>> -> memref<32x128xf32, #tpu.memory_space<hbm>>
      tpu.wait_dma2 semaphore(%arg21 : memref<!tpu.dma_semaphore, #tpu.memory_space<semaphore_mem>>) src(%dma_wait3A_962 : memref<32x128xf32, #tpu.memory_space<hbm>>) dst(%dma_wait3A_959 : memref<32x128xf32, #tpu.memory_space<vmem>>)
      %dma_wait3A_963 = arith.constant 5 : i32
      %dma_wait3A_964 = arith.constant 0 : i32
      %dma_wait3A_965 = arith.constant 0 : i32
      %dma_wait3A_966 = tpu.memref_slice %arg13[%dma_wait3A_963, %dma_wait3A_964, %dma_wait3A_965] : memref<8x32x128xf32, #tpu.memory_space<vmem>> -> memref<1x32x128xf32, #tpu.memory_space<vmem>>
      %dma_wait3A_967 = tpu.memref_squeeze %dma_wait3A_966 : memref<1x32x128xf32, #tpu.memory_space<vmem>> -> memref<32x128xf32, #tpu.memory_space<vmem>>
      %dma_wait3A_968 = arith.constant 0 : i32
      %dma_wait3A_969 = arith.constant 0 : i32
      %dma_wait3A_970 = tpu.memref_slice %arg5[%dma_wait3A_968, %dma_wait3A_969] : memref<32x1000000xf32, #tpu.memory_space<hbm>> -> memref<32x128xf32, #tpu.memory_space<hbm>>
      %dma_wait3A_971 = arith.constant 0 : i32
      %dma_wait3A_972 = arith.constant 0 : i32
      %dma_wait3A_973 = tpu.memref_slice %arg13[%dma_wait3A_963, %dma_wait3A_971, %dma_wait3A_972] : memref<8x32x128xf32, #tpu.memory_space<vmem>> -> memref<1x32x128xf32, #tpu.memory_space<vmem>>
      %dma_wait3A_974 = tpu.memref_squeeze %dma_wait3A_973 : memref<1x32x128xf32, #tpu.memory_space<vmem>> -> memref<32x128xf32, #tpu.memory_space<vmem>>
      %dma_wait3A_975 = arith.constant 0 : i32
      %dma_wait3A_976 = arith.constant 0 : i32
      %dma_wait3A_977 = tpu.memref_slice %arg5[%dma_wait3A_975, %dma_wait3A_976] : memref<32x1000000xf32, #tpu.memory_space<hbm>> -> memref<32x128xf32, #tpu.memory_space<hbm>>
      tpu.wait_dma2 semaphore(%arg21 : memref<!tpu.dma_semaphore, #tpu.memory_space<semaphore_mem>>) src(%dma_wait3A_977 : memref<32x128xf32, #tpu.memory_space<hbm>>) dst(%dma_wait3A_974 : memref<32x128xf32, #tpu.memory_space<vmem>>)
      %dma_wait3A_978 = arith.constant 5 : i32
      %dma_wait3A_979 = arith.constant 0 : i32
      %dma_wait3A_980 = tpu.memref_slice %arg14[%dma_wait3A_978, %dma_wait3A_979] : memref<8x16xf32, #tpu.memory_space<vmem>> -> memref<1x16xf32, #tpu.memory_space<vmem>>
      %dma_wait3A_981 = tpu.memref_squeeze %dma_wait3A_980 : memref<1x16xf32, #tpu.memory_space<vmem>> -> memref<16xf32, #tpu.memory_space<vmem>>
      %dma_wait3A_982 = arith.constant 0 : i32
      %dma_wait3A_983 = tpu.memref_slice %arg6[%dma_wait3A_982] : memref<1000000xf32, #tpu.memory_space<hbm>> -> memref<16xf32, #tpu.memory_space<hbm>>
      %dma_wait3A_984 = arith.constant 0 : i32
      %dma_wait3A_985 = tpu.memref_slice %arg14[%dma_wait3A_978, %dma_wait3A_984] : memref<8x16xf32, #tpu.memory_space<vmem>> -> memref<1x16xf32, #tpu.memory_space<vmem>>
      %dma_wait3A_986 = tpu.memref_squeeze %dma_wait3A_985 : memref<1x16xf32, #tpu.memory_space<vmem>> -> memref<16xf32, #tpu.memory_space<vmem>>
      %dma_wait3A_987 = arith.constant 0 : i32
      %dma_wait3A_988 = tpu.memref_slice %arg6[%dma_wait3A_987] : memref<1000000xf32, #tpu.memory_space<hbm>> -> memref<16xf32, #tpu.memory_space<hbm>>
      tpu.wait_dma2 semaphore(%arg21 : memref<!tpu.dma_semaphore, #tpu.memory_space<semaphore_mem>>) src(%dma_wait3A_988 : memref<16xf32, #tpu.memory_space<hbm>>) dst(%dma_wait3A_986 : memref<16xf32, #tpu.memory_space<vmem>>)
      %broadcast_in_dim3A_989 = arith.constant 5 : i32
      %broadcast_in_dim3A_990 = vector.broadcast %broadcast_in_dim3A_989 : i32 to vector<16xi32>
      %slice3A_991 = vector.extract_strided_slice %gather3A_441 {offsets = [5], sizes = [1], strides = [1]} : vector<16xi32> to vector<1xi32>
      %squeeze3A_992 = vector.extract %slice3A_991[0] : i32 from vector<1xi32>
      %and3A_993 = arith.constant 127 : i32
      %and3A_994 = arith.andi %squeeze3A_992, %and3A_993 : i32
      %broadcast_in_dim3A_995 = vector.broadcast %and3A_994 : i32 to vector<16xi32>
      %slice3A_996 = vector.extract_strided_slice %gather3A_442 {offsets = [5], sizes = [1], strides = [1]} : vector<16xi32> to vector<1xi32>
      %squeeze3A_997 = vector.extract %slice3A_996[0] : i32 from vector<1xi32>
      %and3A_998 = arith.constant 127 : i32
      %and3A_999 = arith.andi %squeeze3A_997, %and3A_998 : i32
      %broadcast_in_dim3A_1000 = vector.broadcast %and3A_999 : i32 to vector<16xi32>
      %slice3A_1001 = vector.extract_strided_slice %gather3A_442 {offsets = [5], sizes = [1], strides = [1]} : vector<16xi32> to vector<1xi32>
      %squeeze3A_1002 = vector.extract %slice3A_1001[0] : i32 from vector<1xi32>
      %and3A_1003 = arith.constant 15 : i32
      %and3A_1004 = arith.andi %squeeze3A_1002, %and3A_1003 : i32
      %broadcast_in_dim3A_1005 = vector.broadcast %and3A_1004 : i32 to vector<16xi32>
      %gather3A_1006 = tpu.vector_load_idx %arg12[%broadcast_in_dim3A_990, %iota3A, %broadcast_in_dim3A_995] : memref<8x32x128xf32, #tpu.memory_space<vmem>>[vector<16xi32>, vector<16xi32>, vector<16xi32>], vector<16xf32>,
      %add3A_1007 = arith.constant 16 : i32
      %add3A_1008 = vector.broadcast %add3A_1007 : i32 to vector<16xi32>
      %add3A_1009 = arith.addi %iota3A, %add3A_1008 : vector<16xi32>
      %gather3A_1010 = tpu.vector_load_idx %arg12[%broadcast_in_dim3A_990, %add3A_1009, %broadcast_in_dim3A_995] : memref<8x32x128xf32, #tpu.memory_space<vmem>>[vector<16xi32>, vector<16xi32>, vector<16xi32>], vector<16xf32>,
      %gather3A_1011 = tpu.vector_load_idx %arg13[%broadcast_in_dim3A_990, %iota3A, %broadcast_in_dim3A_1000] : memref<8x32x128xf32, #tpu.memory_space<vmem>>[vector<16xi32>, vector<16xi32>, vector<16xi32>], vector<16xf32>,
      %add3A_1012 = arith.constant 16 : i32
      %add3A_1013 = vector.broadcast %add3A_1012 : i32 to vector<16xi32>
      %add3A_1014 = arith.addi %iota3A, %add3A_1013 : vector<16xi32>
      %gather3A_1015 = tpu.vector_load_idx %arg13[%broadcast_in_dim3A_990, %add3A_1014, %broadcast_in_dim3A_1000] : memref<8x32x128xf32, #tpu.memory_space<vmem>>[vector<16xi32>, vector<16xi32>, vector<16xi32>], vector<16xf32>,
      %mul3A_1016 = arith.mulf %gather3A_1006, %gather3A_1011 : vector<16xf32>
      %max3A_1017 = arith.constant 0.000000e+00 : f32
      %max3A_1018 = vector.broadcast %max3A_1017 : f32 to vector<16xf32>
      %max3A_1019 = arith.maximumf %mul3A_1016, %max3A_1018 : vector<16xf32>
      %mul3A_1020 = arith.mulf %max3A_1019, %get3A_3 : vector<16xf32>
      %mul3A_1021 = arith.mulf %gather3A_1010, %gather3A_1015 : vector<16xf32>
      %max3A_1022 = arith.constant 0.000000e+00 : f32
      %max3A_1023 = vector.broadcast %max3A_1022 : f32 to vector<16xf32>
      %max3A_1024 = arith.maximumf %mul3A_1021, %max3A_1023 : vector<16xf32>
      %mul3A_1025 = arith.mulf %max3A_1024, %get3A_5 : vector<16xf32>
      %add3A_1026 = arith.addf %mul3A_1020, %mul3A_1025 : vector<16xf32>
      %reduce_sum3A_1027 = arith.constant true
      %reduce_sum3A_1028 = vector.broadcast %reduce_sum3A_1027 : i1 to vector<16xi1>
      %reduce_sum3A_1029 = tpu.scan <sum>, %add3A_1026 masked %reduce_sum3A_1028 : vector<16xf32>, vector<16xi1> -> vector<16xf32>
      %reduce_sum3A_1030 = vector.extract %reduce_sum3A_1029[15] : f32 from vector<16xf32>
      %gather3A_1031 = tpu.vector_load_idx %arg14[%broadcast_in_dim3A_990, %broadcast_in_dim3A_1005] : memref<8x16xf32, #tpu.memory_space<vmem>>[vector<16xi32>, vector<16xi32>], vector<16xf32>,
      %slice3A_1032 = vector.extract_strided_slice %gather3A_1031 {offsets = [0], sizes = [1], strides = [1]} : vector<16xf32> to vector<1xf32>
      %squeeze3A_1033 = vector.extract %slice3A_1032[0] : f32 from vector<1xf32>
      %add3A_1034 = arith.addf %reduce_sum3A_1030, %squeeze3A_1033 : f32
      %broadcast_in_dim3A_1035 = vector.broadcast %add3A_947 : i32 to vector<16xi32>
      %broadcast_in_dim3A_1036 = vector.broadcast %add3A_1034 : f32 to vector<16xf32>
      tpu.vector_store_idx %arg15[%broadcast_in_dim3A_1035], %broadcast_in_dim3A_1036 masked %eq3A_7 : memref<512xf32, #tpu.memory_space<vmem>>[vector<16xi32>], vector<16xf32>, vector<16xi1>
      %add3A_1037 = arith.constant 8 : i32
      %add3A_1038 = arith.addi %add3A_947, %add3A_1037 : i32
      %lt3A_1039 = arith.constant 512 : i32
      %lt3A_1040 = arith.cmpi slt, %add3A_1038, %lt3A_1039 : i32
      %convert_element_type3A_1041 = arith.extui %lt3A_1040 : i1 to i32
      %cond3A_1042 = arith.constant 0 : i32
      %cond3A_1043 = arith.cmpi ne, %convert_element_type3A_1041, %cond3A_1042 : i32
      scf.if %cond3A_1043 {
        %slice3A_1244 = vector.extract_strided_slice %gather3A_449 {offsets = [5], sizes = [1], strides = [1]} : vector<16xi32> to vector<1xi32>
        %squeeze3A_1245 = vector.extract %slice3A_1244[0] : i32 from vector<1xi32>
        %div3A_1246 = arith.constant 128 : i32
        %div3A_1247 = arith.divsi %squeeze3A_1245, %div3A_1246 : i32
        %mul3A_1248 = arith.constant 128 : i32
        %mul3A_1249 = arith.muli %div3A_1247, %mul3A_1248 : i32
        %slice3A_1250 = vector.extract_strided_slice %gather3A_450 {offsets = [5], sizes = [1], strides = [1]} : vector<16xi32> to vector<1xi32>
        %squeeze3A_1251 = vector.extract %slice3A_1250[0] : i32 from vector<1xi32>
        %div3A_1252 = arith.constant 128 : i32
        %div3A_1253 = arith.divsi %squeeze3A_1251, %div3A_1252 : i32
        %mul3A_1254 = arith.constant 128 : i32
        %mul3A_1255 = arith.muli %div3A_1253, %mul3A_1254 : i32
        %slice3A_1256 = vector.extract_strided_slice %gather3A_450 {offsets = [5], sizes = [1], strides = [1]} : vector<16xi32> to vector<1xi32>
        %squeeze3A_1257 = vector.extract %slice3A_1256[0] : i32 from vector<1xi32>
        %div3A_1258 = arith.constant 16 : i32
        %div3A_1259 = arith.divsi %squeeze3A_1257, %div3A_1258 : i32
        %mul3A_1260 = arith.constant 16 : i32
        %mul3A_1261 = arith.muli %div3A_1259, %mul3A_1260 : i32
        %dma_start3A_1262 = arith.constant 5 : i32
        %dma_start3A_1263 = arith.constant 0 : i32
        %dma_start3A_1264 = arith.constant 0 : i32
        %dma_start3A_1265 = tpu.memref_slice %arg12[%dma_start3A_1262, %dma_start3A_1263, %dma_start3A_1264] : memref<8x32x128xf32, #tpu.memory_space<vmem>> -> memref<1x32x128xf32, #tpu.memory_space<vmem>>
        %dma_start3A_1266 = tpu.memref_squeeze %dma_start3A_1265 : memref<1x32x128xf32, #tpu.memory_space<vmem>> -> memref<32x128xf32, #tpu.memory_space<vmem>>
        %dma_start3A_1267 = arith.constant 0 : i32
        %dma_start3A_1268 = tpu.memref_slice %arg4[%dma_start3A_1267, %mul3A_1249] : memref<32x1000000xf32, #tpu.memory_space<hbm>> -> memref<32x128xf32, #tpu.memory_space<hbm>>
        %dma_start3A_1269 = arith.constant 0 : i32
        %dma_start3A_1270 = arith.constant 0 : i32
        %dma_start3A_1271 = tpu.memref_slice %arg12[%dma_start3A_1262, %dma_start3A_1269, %dma_start3A_1270] : memref<8x32x128xf32, #tpu.memory_space<vmem>> -> memref<1x32x128xf32, #tpu.memory_space<vmem>>
        %dma_start3A_1272 = tpu.memref_squeeze %dma_start3A_1271 : memref<1x32x128xf32, #tpu.memory_space<vmem>> -> memref<32x128xf32, #tpu.memory_space<vmem>>
        %dma_start3A_1273 = arith.constant 0 : i32
        %dma_start3A_1274 = tpu.memref_slice %arg4[%dma_start3A_1273, %mul3A_1249] : memref<32x1000000xf32, #tpu.memory_space<hbm>> -> memref<32x128xf32, #tpu.memory_space<hbm>>
        tpu.enqueue_dma source(%dma_start3A_1274 : memref<32x128xf32, #tpu.memory_space<hbm>>) target(%dma_start3A_1272 : memref<32x128xf32, #tpu.memory_space<vmem>>) target_semaphore(%arg21 : memref<!tpu.dma_semaphore, #tpu.memory_space<semaphore_mem>>)
        %dma_start3A_1275 = arith.constant 5 : i32
        %dma_start3A_1276 = arith.constant 0 : i32
        %dma_start3A_1277 = arith.constant 0 : i32
        %dma_start3A_1278 = tpu.memref_slice %arg13[%dma_start3A_1275, %dma_start3A_1276, %dma_start3A_1277] : memref<8x32x128xf32, #tpu.memory_space<vmem>> -> memref<1x32x128xf32, #tpu.memory_space<vmem>>
        %dma_start3A_1279 = tpu.memref_squeeze %dma_start3A_1278 : memref<1x32x128xf32, #tpu.memory_space<vmem>> -> memref<32x128xf32, #tpu.memory_space<vmem>>
        %dma_start3A_1280 = arith.constant 0 : i32
        %dma_start3A_1281 = tpu.memref_slice %arg5[%dma_start3A_1280, %mul3A_1255] : memref<32x1000000xf32, #tpu.memory_space<hbm>> -> memref<32x128xf32, #tpu.memory_space<hbm>>
        %dma_start3A_1282 = arith.constant 0 : i32
        %dma_start3A_1283 = arith.constant 0 : i32
        %dma_start3A_1284 = tpu.memref_slice %arg13[%dma_start3A_1275, %dma_start3A_1282, %dma_start3A_1283] : memref<8x32x128xf32, #tpu.memory_space<vmem>> -> memref<1x32x128xf32, #tpu.memory_space<vmem>>
        %dma_start3A_1285 = tpu.memref_squeeze %dma_start3A_1284 : memref<1x32x128xf32, #tpu.memory_space<vmem>> -> memref<32x128xf32, #tpu.memory_space<vmem>>
        %dma_start3A_1286 = arith.constant 0 : i32
        %dma_start3A_1287 = tpu.memref_slice %arg5[%dma_start3A_1286, %mul3A_1255] : memref<32x1000000xf32, #tpu.memory_space<hbm>> -> memref<32x128xf32, #tpu.memory_space<hbm>>
        tpu.enqueue_dma source(%dma_start3A_1287 : memref<32x128xf32, #tpu.memory_space<hbm>>) target(%dma_start3A_1285 : memref<32x128xf32, #tpu.memory_space<vmem>>) target_semaphore(%arg21 : memref<!tpu.dma_semaphore, #tpu.memory_space<semaphore_mem>>)
        %dma_start3A_1288 = arith.constant 5 : i32
        %dma_start3A_1289 = arith.constant 0 : i32
        %dma_start3A_1290 = tpu.memref_slice %arg14[%dma_start3A_1288, %dma_start3A_1289] : memref<8x16xf32, #tpu.memory_space<vmem>> -> memref<1x16xf32, #tpu.memory_space<vmem>>
        %dma_start3A_1291 = tpu.memref_squeeze %dma_start3A_1290 : memref<1x16xf32, #tpu.memory_space<vmem>> -> memref<16xf32, #tpu.memory_space<vmem>>
        %dma_start3A_1292 = tpu.memref_slice %arg6[%mul3A_1261] : memref<1000000xf32, #tpu.memory_space<hbm>> -> memref<16xf32, #tpu.memory_space<hbm>>
        %dma_start3A_1293 = arith.constant 0 : i32
        %dma_start3A_1294 = tpu.memref_slice %arg14[%dma_start3A_1288, %dma_start3A_1293] : memref<8x16xf32, #tpu.memory_space<vmem>> -> memref<1x16xf32, #tpu.memory_space<vmem>>
        %dma_start3A_1295 = tpu.memref_squeeze %dma_start3A_1294 : memref<1x16xf32, #tpu.memory_space<vmem>> -> memref<16xf32, #tpu.memory_space<vmem>>
        %dma_start3A_1296 = tpu.memref_slice %arg6[%mul3A_1261] : memref<1000000xf32, #tpu.memory_space<hbm>> -> memref<16xf32, #tpu.memory_space<hbm>>
        tpu.enqueue_dma source(%dma_start3A_1296 : memref<16xf32, #tpu.memory_space<hbm>>) target(%dma_start3A_1295 : memref<16xf32, #tpu.memory_space<vmem>>) target_semaphore(%arg21 : memref<!tpu.dma_semaphore, #tpu.memory_space<semaphore_mem>>)
      } else {
      }
      %mul3A_1044 = arith.constant 8 : i32
      %mul3A_1045 = arith.muli %scan3A_436, %mul3A_1044 : i32
      %add3A_1046 = arith.constant 6 : i32
      %add3A_1047 = arith.addi %mul3A_1045, %add3A_1046 : i32
      %dma_wait3A_1048 = arith.constant 6 : i32
      %dma_wait3A_1049 = arith.constant 0 : i32
      %dma_wait3A_1050 = arith.constant 0 : i32
      %dma_wait3A_1051 = tpu.memref_slice %arg12[%dma_wait3A_1048, %dma_wait3A_1049, %dma_wait3A_1050] : memref<8x32x128xf32, #tpu.memory_space<vmem>> -> memref<1x32x128xf32, #tpu.memory_space<vmem>>
      %dma_wait3A_1052 = tpu.memref_squeeze %dma_wait3A_1051 : memref<1x32x128xf32, #tpu.memory_space<vmem>> -> memref<32x128xf32, #tpu.memory_space<vmem>>
      %dma_wait3A_1053 = arith.constant 0 : i32
      %dma_wait3A_1054 = arith.constant 0 : i32
      %dma_wait3A_1055 = tpu.memref_slice %arg4[%dma_wait3A_1053, %dma_wait3A_1054] : memref<32x1000000xf32, #tpu.memory_space<hbm>> -> memref<32x128xf32, #tpu.memory_space<hbm>>
      %dma_wait3A_1056 = arith.constant 0 : i32
      %dma_wait3A_1057 = arith.constant 0 : i32
      %dma_wait3A_1058 = tpu.memref_slice %arg12[%dma_wait3A_1048, %dma_wait3A_1056, %dma_wait3A_1057] : memref<8x32x128xf32, #tpu.memory_space<vmem>> -> memref<1x32x128xf32, #tpu.memory_space<vmem>>
      %dma_wait3A_1059 = tpu.memref_squeeze %dma_wait3A_1058 : memref<1x32x128xf32, #tpu.memory_space<vmem>> -> memref<32x128xf32, #tpu.memory_space<vmem>>
      %dma_wait3A_1060 = arith.constant 0 : i32
      %dma_wait3A_1061 = arith.constant 0 : i32
      %dma_wait3A_1062 = tpu.memref_slice %arg4[%dma_wait3A_1060, %dma_wait3A_1061] : memref<32x1000000xf32, #tpu.memory_space<hbm>> -> memref<32x128xf32, #tpu.memory_space<hbm>>
      tpu.wait_dma2 semaphore(%arg22 : memref<!tpu.dma_semaphore, #tpu.memory_space<semaphore_mem>>) src(%dma_wait3A_1062 : memref<32x128xf32, #tpu.memory_space<hbm>>) dst(%dma_wait3A_1059 : memref<32x128xf32, #tpu.memory_space<vmem>>)
      %dma_wait3A_1063 = arith.constant 6 : i32
      %dma_wait3A_1064 = arith.constant 0 : i32
      %dma_wait3A_1065 = arith.constant 0 : i32
      %dma_wait3A_1066 = tpu.memref_slice %arg13[%dma_wait3A_1063, %dma_wait3A_1064, %dma_wait3A_1065] : memref<8x32x128xf32, #tpu.memory_space<vmem>> -> memref<1x32x128xf32, #tpu.memory_space<vmem>>
      %dma_wait3A_1067 = tpu.memref_squeeze %dma_wait3A_1066 : memref<1x32x128xf32, #tpu.memory_space<vmem>> -> memref<32x128xf32, #tpu.memory_space<vmem>>
      %dma_wait3A_1068 = arith.constant 0 : i32
      %dma_wait3A_1069 = arith.constant 0 : i32
      %dma_wait3A_1070 = tpu.memref_slice %arg5[%dma_wait3A_1068, %dma_wait3A_1069] : memref<32x1000000xf32, #tpu.memory_space<hbm>> -> memref<32x128xf32, #tpu.memory_space<hbm>>
      %dma_wait3A_1071 = arith.constant 0 : i32
      %dma_wait3A_1072 = arith.constant 0 : i32
      %dma_wait3A_1073 = tpu.memref_slice %arg13[%dma_wait3A_1063, %dma_wait3A_1071, %dma_wait3A_1072] : memref<8x32x128xf32, #tpu.memory_space<vmem>> -> memref<1x32x128xf32, #tpu.memory_space<vmem>>
      %dma_wait3A_1074 = tpu.memref_squeeze %dma_wait3A_1073 : memref<1x32x128xf32, #tpu.memory_space<vmem>> -> memref<32x128xf32, #tpu.memory_space<vmem>>
      %dma_wait3A_1075 = arith.constant 0 : i32
      %dma_wait3A_1076 = arith.constant 0 : i32
      %dma_wait3A_1077 = tpu.memref_slice %arg5[%dma_wait3A_1075, %dma_wait3A_1076] : memref<32x1000000xf32, #tpu.memory_space<hbm>> -> memref<32x128xf32, #tpu.memory_space<hbm>>
      tpu.wait_dma2 semaphore(%arg22 : memref<!tpu.dma_semaphore, #tpu.memory_space<semaphore_mem>>) src(%dma_wait3A_1077 : memref<32x128xf32, #tpu.memory_space<hbm>>) dst(%dma_wait3A_1074 : memref<32x128xf32, #tpu.memory_space<vmem>>)
      %dma_wait3A_1078 = arith.constant 6 : i32
      %dma_wait3A_1079 = arith.constant 0 : i32
      %dma_wait3A_1080 = tpu.memref_slice %arg14[%dma_wait3A_1078, %dma_wait3A_1079] : memref<8x16xf32, #tpu.memory_space<vmem>> -> memref<1x16xf32, #tpu.memory_space<vmem>>
      %dma_wait3A_1081 = tpu.memref_squeeze %dma_wait3A_1080 : memref<1x16xf32, #tpu.memory_space<vmem>> -> memref<16xf32, #tpu.memory_space<vmem>>
      %dma_wait3A_1082 = arith.constant 0 : i32
      %dma_wait3A_1083 = tpu.memref_slice %arg6[%dma_wait3A_1082] : memref<1000000xf32, #tpu.memory_space<hbm>> -> memref<16xf32, #tpu.memory_space<hbm>>
      %dma_wait3A_1084 = arith.constant 0 : i32
      %dma_wait3A_1085 = tpu.memref_slice %arg14[%dma_wait3A_1078, %dma_wait3A_1084] : memref<8x16xf32, #tpu.memory_space<vmem>> -> memref<1x16xf32, #tpu.memory_space<vmem>>
      %dma_wait3A_1086 = tpu.memref_squeeze %dma_wait3A_1085 : memref<1x16xf32, #tpu.memory_space<vmem>> -> memref<16xf32, #tpu.memory_space<vmem>>
      %dma_wait3A_1087 = arith.constant 0 : i32
      %dma_wait3A_1088 = tpu.memref_slice %arg6[%dma_wait3A_1087] : memref<1000000xf32, #tpu.memory_space<hbm>> -> memref<16xf32, #tpu.memory_space<hbm>>
      tpu.wait_dma2 semaphore(%arg22 : memref<!tpu.dma_semaphore, #tpu.memory_space<semaphore_mem>>) src(%dma_wait3A_1088 : memref<16xf32, #tpu.memory_space<hbm>>) dst(%dma_wait3A_1086 : memref<16xf32, #tpu.memory_space<vmem>>)
      %broadcast_in_dim3A_1089 = arith.constant 6 : i32
      %broadcast_in_dim3A_1090 = vector.broadcast %broadcast_in_dim3A_1089 : i32 to vector<16xi32>
      %slice3A_1091 = vector.extract_strided_slice %gather3A_441 {offsets = [6], sizes = [1], strides = [1]} : vector<16xi32> to vector<1xi32>
      %squeeze3A_1092 = vector.extract %slice3A_1091[0] : i32 from vector<1xi32>
      %and3A_1093 = arith.constant 127 : i32
      %and3A_1094 = arith.andi %squeeze3A_1092, %and3A_1093 : i32
      %broadcast_in_dim3A_1095 = vector.broadcast %and3A_1094 : i32 to vector<16xi32>
      %slice3A_1096 = vector.extract_strided_slice %gather3A_442 {offsets = [6], sizes = [1], strides = [1]} : vector<16xi32> to vector<1xi32>
      %squeeze3A_1097 = vector.extract %slice3A_1096[0] : i32 from vector<1xi32>
      %and3A_1098 = arith.constant 127 : i32
      %and3A_1099 = arith.andi %squeeze3A_1097, %and3A_1098 : i32
      %broadcast_in_dim3A_1100 = vector.broadcast %and3A_1099 : i32 to vector<16xi32>
      %slice3A_1101 = vector.extract_strided_slice %gather3A_442 {offsets = [6], sizes = [1], strides = [1]} : vector<16xi32> to vector<1xi32>
      %squeeze3A_1102 = vector.extract %slice3A_1101[0] : i32 from vector<1xi32>
      %and3A_1103 = arith.constant 15 : i32
      %and3A_1104 = arith.andi %squeeze3A_1102, %and3A_1103 : i32
      %broadcast_in_dim3A_1105 = vector.broadcast %and3A_1104 : i32 to vector<16xi32>
      %gather3A_1106 = tpu.vector_load_idx %arg12[%broadcast_in_dim3A_1090, %iota3A, %broadcast_in_dim3A_1095] : memref<8x32x128xf32, #tpu.memory_space<vmem>>[vector<16xi32>, vector<16xi32>, vector<16xi32>], vector<16xf32>,
      %add3A_1107 = arith.constant 16 : i32
      %add3A_1108 = vector.broadcast %add3A_1107 : i32 to vector<16xi32>
      %add3A_1109 = arith.addi %iota3A, %add3A_1108 : vector<16xi32>
      %gather3A_1110 = tpu.vector_load_idx %arg12[%broadcast_in_dim3A_1090, %add3A_1109, %broadcast_in_dim3A_1095] : memref<8x32x128xf32, #tpu.memory_space<vmem>>[vector<16xi32>, vector<16xi32>, vector<16xi32>], vector<16xf32>,
      %gather3A_1111 = tpu.vector_load_idx %arg13[%broadcast_in_dim3A_1090, %iota3A, %broadcast_in_dim3A_1100] : memref<8x32x128xf32, #tpu.memory_space<vmem>>[vector<16xi32>, vector<16xi32>, vector<16xi32>], vector<16xf32>,
      %add3A_1112 = arith.constant 16 : i32
      %add3A_1113 = vector.broadcast %add3A_1112 : i32 to vector<16xi32>
      %add3A_1114 = arith.addi %iota3A, %add3A_1113 : vector<16xi32>
      %gather3A_1115 = tpu.vector_load_idx %arg13[%broadcast_in_dim3A_1090, %add3A_1114, %broadcast_in_dim3A_1100] : memref<8x32x128xf32, #tpu.memory_space<vmem>>[vector<16xi32>, vector<16xi32>, vector<16xi32>], vector<16xf32>,
      %mul3A_1116 = arith.mulf %gather3A_1106, %gather3A_1111 : vector<16xf32>
      %max3A_1117 = arith.constant 0.000000e+00 : f32
      %max3A_1118 = vector.broadcast %max3A_1117 : f32 to vector<16xf32>
      %max3A_1119 = arith.maximumf %mul3A_1116, %max3A_1118 : vector<16xf32>
      %mul3A_1120 = arith.mulf %max3A_1119, %get3A_3 : vector<16xf32>
      %mul3A_1121 = arith.mulf %gather3A_1110, %gather3A_1115 : vector<16xf32>
      %max3A_1122 = arith.constant 0.000000e+00 : f32
      %max3A_1123 = vector.broadcast %max3A_1122 : f32 to vector<16xf32>
      %max3A_1124 = arith.maximumf %mul3A_1121, %max3A_1123 : vector<16xf32>
      %mul3A_1125 = arith.mulf %max3A_1124, %get3A_5 : vector<16xf32>
      %add3A_1126 = arith.addf %mul3A_1120, %mul3A_1125 : vector<16xf32>
      %reduce_sum3A_1127 = arith.constant true
      %reduce_sum3A_1128 = vector.broadcast %reduce_sum3A_1127 : i1 to vector<16xi1>
      %reduce_sum3A_1129 = tpu.scan <sum>, %add3A_1126 masked %reduce_sum3A_1128 : vector<16xf32>, vector<16xi1> -> vector<16xf32>
      %reduce_sum3A_1130 = vector.extract %reduce_sum3A_1129[15] : f32 from vector<16xf32>
      %gather3A_1131 = tpu.vector_load_idx %arg14[%broadcast_in_dim3A_1090, %broadcast_in_dim3A_1105] : memref<8x16xf32, #tpu.memory_space<vmem>>[vector<16xi32>, vector<16xi32>], vector<16xf32>,
      %slice3A_1132 = vector.extract_strided_slice %gather3A_1131 {offsets = [0], sizes = [1], strides = [1]} : vector<16xf32> to vector<1xf32>
      %squeeze3A_1133 = vector.extract %slice3A_1132[0] : f32 from vector<1xf32>
      %add3A_1134 = arith.addf %reduce_sum3A_1130, %squeeze3A_1133 : f32
      %broadcast_in_dim3A_1135 = vector.broadcast %add3A_1047 : i32 to vector<16xi32>
      %broadcast_in_dim3A_1136 = vector.broadcast %add3A_1134 : f32 to vector<16xf32>
      tpu.vector_store_idx %arg15[%broadcast_in_dim3A_1135], %broadcast_in_dim3A_1136 masked %eq3A_7 : memref<512xf32, #tpu.memory_space<vmem>>[vector<16xi32>], vector<16xf32>, vector<16xi1>
      %add3A_1137 = arith.constant 8 : i32
      %add3A_1138 = arith.addi %add3A_1047, %add3A_1137 : i32
      %lt3A_1139 = arith.constant 512 : i32
      %lt3A_1140 = arith.cmpi slt, %add3A_1138, %lt3A_1139 : i32
      %convert_element_type3A_1141 = arith.extui %lt3A_1140 : i1 to i32
      %cond3A_1142 = arith.constant 0 : i32
      %cond3A_1143 = arith.cmpi ne, %convert_element_type3A_1141, %cond3A_1142 : i32
      scf.if %cond3A_1143 {
        %slice3A_1244 = vector.extract_strided_slice %gather3A_449 {offsets = [6], sizes = [1], strides = [1]} : vector<16xi32> to vector<1xi32>
        %squeeze3A_1245 = vector.extract %slice3A_1244[0] : i32 from vector<1xi32>
        %div3A_1246 = arith.constant 128 : i32
        %div3A_1247 = arith.divsi %squeeze3A_1245, %div3A_1246 : i32
        %mul3A_1248 = arith.constant 128 : i32
        %mul3A_1249 = arith.muli %div3A_1247, %mul3A_1248 : i32
        %slice3A_1250 = vector.extract_strided_slice %gather3A_450 {offsets = [6], sizes = [1], strides = [1]} : vector<16xi32> to vector<1xi32>
        %squeeze3A_1251 = vector.extract %slice3A_1250[0] : i32 from vector<1xi32>
        %div3A_1252 = arith.constant 128 : i32
        %div3A_1253 = arith.divsi %squeeze3A_1251, %div3A_1252 : i32
        %mul3A_1254 = arith.constant 128 : i32
        %mul3A_1255 = arith.muli %div3A_1253, %mul3A_1254 : i32
        %slice3A_1256 = vector.extract_strided_slice %gather3A_450 {offsets = [6], sizes = [1], strides = [1]} : vector<16xi32> to vector<1xi32>
        %squeeze3A_1257 = vector.extract %slice3A_1256[0] : i32 from vector<1xi32>
        %div3A_1258 = arith.constant 16 : i32
        %div3A_1259 = arith.divsi %squeeze3A_1257, %div3A_1258 : i32
        %mul3A_1260 = arith.constant 16 : i32
        %mul3A_1261 = arith.muli %div3A_1259, %mul3A_1260 : i32
        %dma_start3A_1262 = arith.constant 6 : i32
        %dma_start3A_1263 = arith.constant 0 : i32
        %dma_start3A_1264 = arith.constant 0 : i32
        %dma_start3A_1265 = tpu.memref_slice %arg12[%dma_start3A_1262, %dma_start3A_1263, %dma_start3A_1264] : memref<8x32x128xf32, #tpu.memory_space<vmem>> -> memref<1x32x128xf32, #tpu.memory_space<vmem>>
        %dma_start3A_1266 = tpu.memref_squeeze %dma_start3A_1265 : memref<1x32x128xf32, #tpu.memory_space<vmem>> -> memref<32x128xf32, #tpu.memory_space<vmem>>
        %dma_start3A_1267 = arith.constant 0 : i32
        %dma_start3A_1268 = tpu.memref_slice %arg4[%dma_start3A_1267, %mul3A_1249] : memref<32x1000000xf32, #tpu.memory_space<hbm>> -> memref<32x128xf32, #tpu.memory_space<hbm>>
        %dma_start3A_1269 = arith.constant 0 : i32
        %dma_start3A_1270 = arith.constant 0 : i32
        %dma_start3A_1271 = tpu.memref_slice %arg12[%dma_start3A_1262, %dma_start3A_1269, %dma_start3A_1270] : memref<8x32x128xf32, #tpu.memory_space<vmem>> -> memref<1x32x128xf32, #tpu.memory_space<vmem>>
        %dma_start3A_1272 = tpu.memref_squeeze %dma_start3A_1271 : memref<1x32x128xf32, #tpu.memory_space<vmem>> -> memref<32x128xf32, #tpu.memory_space<vmem>>
        %dma_start3A_1273 = arith.constant 0 : i32
        %dma_start3A_1274 = tpu.memref_slice %arg4[%dma_start3A_1273, %mul3A_1249] : memref<32x1000000xf32, #tpu.memory_space<hbm>> -> memref<32x128xf32, #tpu.memory_space<hbm>>
        tpu.enqueue_dma source(%dma_start3A_1274 : memref<32x128xf32, #tpu.memory_space<hbm>>) target(%dma_start3A_1272 : memref<32x128xf32, #tpu.memory_space<vmem>>) target_semaphore(%arg22 : memref<!tpu.dma_semaphore, #tpu.memory_space<semaphore_mem>>)
        %dma_start3A_1275 = arith.constant 6 : i32
        %dma_start3A_1276 = arith.constant 0 : i32
        %dma_start3A_1277 = arith.constant 0 : i32
        %dma_start3A_1278 = tpu.memref_slice %arg13[%dma_start3A_1275, %dma_start3A_1276, %dma_start3A_1277] : memref<8x32x128xf32, #tpu.memory_space<vmem>> -> memref<1x32x128xf32, #tpu.memory_space<vmem>>
        %dma_start3A_1279 = tpu.memref_squeeze %dma_start3A_1278 : memref<1x32x128xf32, #tpu.memory_space<vmem>> -> memref<32x128xf32, #tpu.memory_space<vmem>>
        %dma_start3A_1280 = arith.constant 0 : i32
        %dma_start3A_1281 = tpu.memref_slice %arg5[%dma_start3A_1280, %mul3A_1255] : memref<32x1000000xf32, #tpu.memory_space<hbm>> -> memref<32x128xf32, #tpu.memory_space<hbm>>
        %dma_start3A_1282 = arith.constant 0 : i32
        %dma_start3A_1283 = arith.constant 0 : i32
        %dma_start3A_1284 = tpu.memref_slice %arg13[%dma_start3A_1275, %dma_start3A_1282, %dma_start3A_1283] : memref<8x32x128xf32, #tpu.memory_space<vmem>> -> memref<1x32x128xf32, #tpu.memory_space<vmem>>
        %dma_start3A_1285 = tpu.memref_squeeze %dma_start3A_1284 : memref<1x32x128xf32, #tpu.memory_space<vmem>> -> memref<32x128xf32, #tpu.memory_space<vmem>>
        %dma_start3A_1286 = arith.constant 0 : i32
        %dma_start3A_1287 = tpu.memref_slice %arg5[%dma_start3A_1286, %mul3A_1255] : memref<32x1000000xf32, #tpu.memory_space<hbm>> -> memref<32x128xf32, #tpu.memory_space<hbm>>
        tpu.enqueue_dma source(%dma_start3A_1287 : memref<32x128xf32, #tpu.memory_space<hbm>>) target(%dma_start3A_1285 : memref<32x128xf32, #tpu.memory_space<vmem>>) target_semaphore(%arg22 : memref<!tpu.dma_semaphore, #tpu.memory_space<semaphore_mem>>)
        %dma_start3A_1288 = arith.constant 6 : i32
        %dma_start3A_1289 = arith.constant 0 : i32
        %dma_start3A_1290 = tpu.memref_slice %arg14[%dma_start3A_1288, %dma_start3A_1289] : memref<8x16xf32, #tpu.memory_space<vmem>> -> memref<1x16xf32, #tpu.memory_space<vmem>>
        %dma_start3A_1291 = tpu.memref_squeeze %dma_start3A_1290 : memref<1x16xf32, #tpu.memory_space<vmem>> -> memref<16xf32, #tpu.memory_space<vmem>>
        %dma_start3A_1292 = tpu.memref_slice %arg6[%mul3A_1261] : memref<1000000xf32, #tpu.memory_space<hbm>> -> memref<16xf32, #tpu.memory_space<hbm>>
        %dma_start3A_1293 = arith.constant 0 : i32
        %dma_start3A_1294 = tpu.memref_slice %arg14[%dma_start3A_1288, %dma_start3A_1293] : memref<8x16xf32, #tpu.memory_space<vmem>> -> memref<1x16xf32, #tpu.memory_space<vmem>>
        %dma_start3A_1295 = tpu.memref_squeeze %dma_start3A_1294 : memref<1x16xf32, #tpu.memory_space<vmem>> -> memref<16xf32, #tpu.memory_space<vmem>>
        %dma_start3A_1296 = tpu.memref_slice %arg6[%mul3A_1261] : memref<1000000xf32, #tpu.memory_space<hbm>> -> memref<16xf32, #tpu.memory_space<hbm>>
        tpu.enqueue_dma source(%dma_start3A_1296 : memref<16xf32, #tpu.memory_space<hbm>>) target(%dma_start3A_1295 : memref<16xf32, #tpu.memory_space<vmem>>) target_semaphore(%arg22 : memref<!tpu.dma_semaphore, #tpu.memory_space<semaphore_mem>>)
      } else {
      }
      %mul3A_1144 = arith.constant 8 : i32
      %mul3A_1145 = arith.muli %scan3A_436, %mul3A_1144 : i32
      %add3A_1146 = arith.constant 7 : i32
      %add3A_1147 = arith.addi %mul3A_1145, %add3A_1146 : i32
      %dma_wait3A_1148 = arith.constant 7 : i32
      %dma_wait3A_1149 = arith.constant 0 : i32
      %dma_wait3A_1150 = arith.constant 0 : i32
      %dma_wait3A_1151 = tpu.memref_slice %arg12[%dma_wait3A_1148, %dma_wait3A_1149, %dma_wait3A_1150] : memref<8x32x128xf32, #tpu.memory_space<vmem>> -> memref<1x32x128xf32, #tpu.memory_space<vmem>>
      %dma_wait3A_1152 = tpu.memref_squeeze %dma_wait3A_1151 : memref<1x32x128xf32, #tpu.memory_space<vmem>> -> memref<32x128xf32, #tpu.memory_space<vmem>>
      %dma_wait3A_1153 = arith.constant 0 : i32
      %dma_wait3A_1154 = arith.constant 0 : i32
      %dma_wait3A_1155 = tpu.memref_slice %arg4[%dma_wait3A_1153, %dma_wait3A_1154] : memref<32x1000000xf32, #tpu.memory_space<hbm>> -> memref<32x128xf32, #tpu.memory_space<hbm>>
      %dma_wait3A_1156 = arith.constant 0 : i32
      %dma_wait3A_1157 = arith.constant 0 : i32
      %dma_wait3A_1158 = tpu.memref_slice %arg12[%dma_wait3A_1148, %dma_wait3A_1156, %dma_wait3A_1157] : memref<8x32x128xf32, #tpu.memory_space<vmem>> -> memref<1x32x128xf32, #tpu.memory_space<vmem>>
      %dma_wait3A_1159 = tpu.memref_squeeze %dma_wait3A_1158 : memref<1x32x128xf32, #tpu.memory_space<vmem>> -> memref<32x128xf32, #tpu.memory_space<vmem>>
      %dma_wait3A_1160 = arith.constant 0 : i32
      %dma_wait3A_1161 = arith.constant 0 : i32
      %dma_wait3A_1162 = tpu.memref_slice %arg4[%dma_wait3A_1160, %dma_wait3A_1161] : memref<32x1000000xf32, #tpu.memory_space<hbm>> -> memref<32x128xf32, #tpu.memory_space<hbm>>
      tpu.wait_dma2 semaphore(%arg23 : memref<!tpu.dma_semaphore, #tpu.memory_space<semaphore_mem>>) src(%dma_wait3A_1162 : memref<32x128xf32, #tpu.memory_space<hbm>>) dst(%dma_wait3A_1159 : memref<32x128xf32, #tpu.memory_space<vmem>>)
      %dma_wait3A_1163 = arith.constant 7 : i32
      %dma_wait3A_1164 = arith.constant 0 : i32
      %dma_wait3A_1165 = arith.constant 0 : i32
      %dma_wait3A_1166 = tpu.memref_slice %arg13[%dma_wait3A_1163, %dma_wait3A_1164, %dma_wait3A_1165] : memref<8x32x128xf32, #tpu.memory_space<vmem>> -> memref<1x32x128xf32, #tpu.memory_space<vmem>>
      %dma_wait3A_1167 = tpu.memref_squeeze %dma_wait3A_1166 : memref<1x32x128xf32, #tpu.memory_space<vmem>> -> memref<32x128xf32, #tpu.memory_space<vmem>>
      %dma_wait3A_1168 = arith.constant 0 : i32
      %dma_wait3A_1169 = arith.constant 0 : i32
      %dma_wait3A_1170 = tpu.memref_slice %arg5[%dma_wait3A_1168, %dma_wait3A_1169] : memref<32x1000000xf32, #tpu.memory_space<hbm>> -> memref<32x128xf32, #tpu.memory_space<hbm>>
      %dma_wait3A_1171 = arith.constant 0 : i32
      %dma_wait3A_1172 = arith.constant 0 : i32
      %dma_wait3A_1173 = tpu.memref_slice %arg13[%dma_wait3A_1163, %dma_wait3A_1171, %dma_wait3A_1172] : memref<8x32x128xf32, #tpu.memory_space<vmem>> -> memref<1x32x128xf32, #tpu.memory_space<vmem>>
      %dma_wait3A_1174 = tpu.memref_squeeze %dma_wait3A_1173 : memref<1x32x128xf32, #tpu.memory_space<vmem>> -> memref<32x128xf32, #tpu.memory_space<vmem>>
      %dma_wait3A_1175 = arith.constant 0 : i32
      %dma_wait3A_1176 = arith.constant 0 : i32
      %dma_wait3A_1177 = tpu.memref_slice %arg5[%dma_wait3A_1175, %dma_wait3A_1176] : memref<32x1000000xf32, #tpu.memory_space<hbm>> -> memref<32x128xf32, #tpu.memory_space<hbm>>
      tpu.wait_dma2 semaphore(%arg23 : memref<!tpu.dma_semaphore, #tpu.memory_space<semaphore_mem>>) src(%dma_wait3A_1177 : memref<32x128xf32, #tpu.memory_space<hbm>>) dst(%dma_wait3A_1174 : memref<32x128xf32, #tpu.memory_space<vmem>>)
      %dma_wait3A_1178 = arith.constant 7 : i32
      %dma_wait3A_1179 = arith.constant 0 : i32
      %dma_wait3A_1180 = tpu.memref_slice %arg14[%dma_wait3A_1178, %dma_wait3A_1179] : memref<8x16xf32, #tpu.memory_space<vmem>> -> memref<1x16xf32, #tpu.memory_space<vmem>>
      %dma_wait3A_1181 = tpu.memref_squeeze %dma_wait3A_1180 : memref<1x16xf32, #tpu.memory_space<vmem>> -> memref<16xf32, #tpu.memory_space<vmem>>
      %dma_wait3A_1182 = arith.constant 0 : i32
      %dma_wait3A_1183 = tpu.memref_slice %arg6[%dma_wait3A_1182] : memref<1000000xf32, #tpu.memory_space<hbm>> -> memref<16xf32, #tpu.memory_space<hbm>>
      %dma_wait3A_1184 = arith.constant 0 : i32
      %dma_wait3A_1185 = tpu.memref_slice %arg14[%dma_wait3A_1178, %dma_wait3A_1184] : memref<8x16xf32, #tpu.memory_space<vmem>> -> memref<1x16xf32, #tpu.memory_space<vmem>>
      %dma_wait3A_1186 = tpu.memref_squeeze %dma_wait3A_1185 : memref<1x16xf32, #tpu.memory_space<vmem>> -> memref<16xf32, #tpu.memory_space<vmem>>
      %dma_wait3A_1187 = arith.constant 0 : i32
      %dma_wait3A_1188 = tpu.memref_slice %arg6[%dma_wait3A_1187] : memref<1000000xf32, #tpu.memory_space<hbm>> -> memref<16xf32, #tpu.memory_space<hbm>>
      tpu.wait_dma2 semaphore(%arg23 : memref<!tpu.dma_semaphore, #tpu.memory_space<semaphore_mem>>) src(%dma_wait3A_1188 : memref<16xf32, #tpu.memory_space<hbm>>) dst(%dma_wait3A_1186 : memref<16xf32, #tpu.memory_space<vmem>>)
      %broadcast_in_dim3A_1189 = arith.constant 7 : i32
      %broadcast_in_dim3A_1190 = vector.broadcast %broadcast_in_dim3A_1189 : i32 to vector<16xi32>
      %slice3A_1191 = vector.extract_strided_slice %gather3A_441 {offsets = [7], sizes = [1], strides = [1]} : vector<16xi32> to vector<1xi32>
      %squeeze3A_1192 = vector.extract %slice3A_1191[0] : i32 from vector<1xi32>
      %and3A_1193 = arith.constant 127 : i32
      %and3A_1194 = arith.andi %squeeze3A_1192, %and3A_1193 : i32
      %broadcast_in_dim3A_1195 = vector.broadcast %and3A_1194 : i32 to vector<16xi32>
      %slice3A_1196 = vector.extract_strided_slice %gather3A_442 {offsets = [7], sizes = [1], strides = [1]} : vector<16xi32> to vector<1xi32>
      %squeeze3A_1197 = vector.extract %slice3A_1196[0] : i32 from vector<1xi32>
      %and3A_1198 = arith.constant 127 : i32
      %and3A_1199 = arith.andi %squeeze3A_1197, %and3A_1198 : i32
      %broadcast_in_dim3A_1200 = vector.broadcast %and3A_1199 : i32 to vector<16xi32>
      %slice3A_1201 = vector.extract_strided_slice %gather3A_442 {offsets = [7], sizes = [1], strides = [1]} : vector<16xi32> to vector<1xi32>
      %squeeze3A_1202 = vector.extract %slice3A_1201[0] : i32 from vector<1xi32>
      %and3A_1203 = arith.constant 15 : i32
      %and3A_1204 = arith.andi %squeeze3A_1202, %and3A_1203 : i32
      %broadcast_in_dim3A_1205 = vector.broadcast %and3A_1204 : i32 to vector<16xi32>
      %gather3A_1206 = tpu.vector_load_idx %arg12[%broadcast_in_dim3A_1190, %iota3A, %broadcast_in_dim3A_1195] : memref<8x32x128xf32, #tpu.memory_space<vmem>>[vector<16xi32>, vector<16xi32>, vector<16xi32>], vector<16xf32>,
      %add3A_1207 = arith.constant 16 : i32
      %add3A_1208 = vector.broadcast %add3A_1207 : i32 to vector<16xi32>
      %add3A_1209 = arith.addi %iota3A, %add3A_1208 : vector<16xi32>
      %gather3A_1210 = tpu.vector_load_idx %arg12[%broadcast_in_dim3A_1190, %add3A_1209, %broadcast_in_dim3A_1195] : memref<8x32x128xf32, #tpu.memory_space<vmem>>[vector<16xi32>, vector<16xi32>, vector<16xi32>], vector<16xf32>,
      %gather3A_1211 = tpu.vector_load_idx %arg13[%broadcast_in_dim3A_1190, %iota3A, %broadcast_in_dim3A_1200] : memref<8x32x128xf32, #tpu.memory_space<vmem>>[vector<16xi32>, vector<16xi32>, vector<16xi32>], vector<16xf32>,
      %add3A_1212 = arith.constant 16 : i32
      %add3A_1213 = vector.broadcast %add3A_1212 : i32 to vector<16xi32>
      %add3A_1214 = arith.addi %iota3A, %add3A_1213 : vector<16xi32>
      %gather3A_1215 = tpu.vector_load_idx %arg13[%broadcast_in_dim3A_1190, %add3A_1214, %broadcast_in_dim3A_1200] : memref<8x32x128xf32, #tpu.memory_space<vmem>>[vector<16xi32>, vector<16xi32>, vector<16xi32>], vector<16xf32>,
      %mul3A_1216 = arith.mulf %gather3A_1206, %gather3A_1211 : vector<16xf32>
      %max3A_1217 = arith.constant 0.000000e+00 : f32
      %max3A_1218 = vector.broadcast %max3A_1217 : f32 to vector<16xf32>
      %max3A_1219 = arith.maximumf %mul3A_1216, %max3A_1218 : vector<16xf32>
      %mul3A_1220 = arith.mulf %max3A_1219, %get3A_3 : vector<16xf32>
      %mul3A_1221 = arith.mulf %gather3A_1210, %gather3A_1215 : vector<16xf32>
      %max3A_1222 = arith.constant 0.000000e+00 : f32
      %max3A_1223 = vector.broadcast %max3A_1222 : f32 to vector<16xf32>
      %max3A_1224 = arith.maximumf %mul3A_1221, %max3A_1223 : vector<16xf32>
      %mul3A_1225 = arith.mulf %max3A_1224, %get3A_5 : vector<16xf32>
      %add3A_1226 = arith.addf %mul3A_1220, %mul3A_1225 : vector<16xf32>
      %reduce_sum3A_1227 = arith.constant true
      %reduce_sum3A_1228 = vector.broadcast %reduce_sum3A_1227 : i1 to vector<16xi1>
      %reduce_sum3A_1229 = tpu.scan <sum>, %add3A_1226 masked %reduce_sum3A_1228 : vector<16xf32>, vector<16xi1> -> vector<16xf32>
      %reduce_sum3A_1230 = vector.extract %reduce_sum3A_1229[15] : f32 from vector<16xf32>
      %gather3A_1231 = tpu.vector_load_idx %arg14[%broadcast_in_dim3A_1190, %broadcast_in_dim3A_1205] : memref<8x16xf32, #tpu.memory_space<vmem>>[vector<16xi32>, vector<16xi32>], vector<16xf32>,
      %slice3A_1232 = vector.extract_strided_slice %gather3A_1231 {offsets = [0], sizes = [1], strides = [1]} : vector<16xf32> to vector<1xf32>
      %squeeze3A_1233 = vector.extract %slice3A_1232[0] : f32 from vector<1xf32>
      %add3A_1234 = arith.addf %reduce_sum3A_1230, %squeeze3A_1233 : f32
      %broadcast_in_dim3A_1235 = vector.broadcast %add3A_1147 : i32 to vector<16xi32>
      %broadcast_in_dim3A_1236 = vector.broadcast %add3A_1234 : f32 to vector<16xf32>
      tpu.vector_store_idx %arg15[%broadcast_in_dim3A_1235], %broadcast_in_dim3A_1236 masked %eq3A_7 : memref<512xf32, #tpu.memory_space<vmem>>[vector<16xi32>], vector<16xf32>, vector<16xi1>
      %add3A_1237 = arith.constant 8 : i32
      %add3A_1238 = arith.addi %add3A_1147, %add3A_1237 : i32
      %lt3A_1239 = arith.constant 512 : i32
      %lt3A_1240 = arith.cmpi slt, %add3A_1238, %lt3A_1239 : i32
      %convert_element_type3A_1241 = arith.extui %lt3A_1240 : i1 to i32
      %cond3A_1242 = arith.constant 0 : i32
      %cond3A_1243 = arith.cmpi ne, %convert_element_type3A_1241, %cond3A_1242 : i32
      scf.if %cond3A_1243 {
        %slice3A_1244 = vector.extract_strided_slice %gather3A_449 {offsets = [7], sizes = [1], strides = [1]} : vector<16xi32> to vector<1xi32>
        %squeeze3A_1245 = vector.extract %slice3A_1244[0] : i32 from vector<1xi32>
        %div3A_1246 = arith.constant 128 : i32
        %div3A_1247 = arith.divsi %squeeze3A_1245, %div3A_1246 : i32
        %mul3A_1248 = arith.constant 128 : i32
        %mul3A_1249 = arith.muli %div3A_1247, %mul3A_1248 : i32
        %slice3A_1250 = vector.extract_strided_slice %gather3A_450 {offsets = [7], sizes = [1], strides = [1]} : vector<16xi32> to vector<1xi32>
        %squeeze3A_1251 = vector.extract %slice3A_1250[0] : i32 from vector<1xi32>
        %div3A_1252 = arith.constant 128 : i32
        %div3A_1253 = arith.divsi %squeeze3A_1251, %div3A_1252 : i32
        %mul3A_1254 = arith.constant 128 : i32
        %mul3A_1255 = arith.muli %div3A_1253, %mul3A_1254 : i32
        %slice3A_1256 = vector.extract_strided_slice %gather3A_450 {offsets = [7], sizes = [1], strides = [1]} : vector<16xi32> to vector<1xi32>
        %squeeze3A_1257 = vector.extract %slice3A_1256[0] : i32 from vector<1xi32>
        %div3A_1258 = arith.constant 16 : i32
        %div3A_1259 = arith.divsi %squeeze3A_1257, %div3A_1258 : i32
        %mul3A_1260 = arith.constant 16 : i32
        %mul3A_1261 = arith.muli %div3A_1259, %mul3A_1260 : i32
        %dma_start3A_1262 = arith.constant 7 : i32
        %dma_start3A_1263 = arith.constant 0 : i32
        %dma_start3A_1264 = arith.constant 0 : i32
        %dma_start3A_1265 = tpu.memref_slice %arg12[%dma_start3A_1262, %dma_start3A_1263, %dma_start3A_1264] : memref<8x32x128xf32, #tpu.memory_space<vmem>> -> memref<1x32x128xf32, #tpu.memory_space<vmem>>
        %dma_start3A_1266 = tpu.memref_squeeze %dma_start3A_1265 : memref<1x32x128xf32, #tpu.memory_space<vmem>> -> memref<32x128xf32, #tpu.memory_space<vmem>>
        %dma_start3A_1267 = arith.constant 0 : i32
        %dma_start3A_1268 = tpu.memref_slice %arg4[%dma_start3A_1267, %mul3A_1249] : memref<32x1000000xf32, #tpu.memory_space<hbm>> -> memref<32x128xf32, #tpu.memory_space<hbm>>
        %dma_start3A_1269 = arith.constant 0 : i32
        %dma_start3A_1270 = arith.constant 0 : i32
        %dma_start3A_1271 = tpu.memref_slice %arg12[%dma_start3A_1262, %dma_start3A_1269, %dma_start3A_1270] : memref<8x32x128xf32, #tpu.memory_space<vmem>> -> memref<1x32x128xf32, #tpu.memory_space<vmem>>
        %dma_start3A_1272 = tpu.memref_squeeze %dma_start3A_1271 : memref<1x32x128xf32, #tpu.memory_space<vmem>> -> memref<32x128xf32, #tpu.memory_space<vmem>>
        %dma_start3A_1273 = arith.constant 0 : i32
        %dma_start3A_1274 = tpu.memref_slice %arg4[%dma_start3A_1273, %mul3A_1249] : memref<32x1000000xf32, #tpu.memory_space<hbm>> -> memref<32x128xf32, #tpu.memory_space<hbm>>
        tpu.enqueue_dma source(%dma_start3A_1274 : memref<32x128xf32, #tpu.memory_space<hbm>>) target(%dma_start3A_1272 : memref<32x128xf32, #tpu.memory_space<vmem>>) target_semaphore(%arg23 : memref<!tpu.dma_semaphore, #tpu.memory_space<semaphore_mem>>)
        %dma_start3A_1275 = arith.constant 7 : i32
        %dma_start3A_1276 = arith.constant 0 : i32
        %dma_start3A_1277 = arith.constant 0 : i32
        %dma_start3A_1278 = tpu.memref_slice %arg13[%dma_start3A_1275, %dma_start3A_1276, %dma_start3A_1277] : memref<8x32x128xf32, #tpu.memory_space<vmem>> -> memref<1x32x128xf32, #tpu.memory_space<vmem>>
        %dma_start3A_1279 = tpu.memref_squeeze %dma_start3A_1278 : memref<1x32x128xf32, #tpu.memory_space<vmem>> -> memref<32x128xf32, #tpu.memory_space<vmem>>
        %dma_start3A_1280 = arith.constant 0 : i32
        %dma_start3A_1281 = tpu.memref_slice %arg5[%dma_start3A_1280, %mul3A_1255] : memref<32x1000000xf32, #tpu.memory_space<hbm>> -> memref<32x128xf32, #tpu.memory_space<hbm>>
        %dma_start3A_1282 = arith.constant 0 : i32
        %dma_start3A_1283 = arith.constant 0 : i32
        %dma_start3A_1284 = tpu.memref_slice %arg13[%dma_start3A_1275, %dma_start3A_1282, %dma_start3A_1283] : memref<8x32x128xf32, #tpu.memory_space<vmem>> -> memref<1x32x128xf32, #tpu.memory_space<vmem>>
        %dma_start3A_1285 = tpu.memref_squeeze %dma_start3A_1284 : memref<1x32x128xf32, #tpu.memory_space<vmem>> -> memref<32x128xf32, #tpu.memory_space<vmem>>
        %dma_start3A_1286 = arith.constant 0 : i32
        %dma_start3A_1287 = tpu.memref_slice %arg5[%dma_start3A_1286, %mul3A_1255] : memref<32x1000000xf32, #tpu.memory_space<hbm>> -> memref<32x128xf32, #tpu.memory_space<hbm>>
        tpu.enqueue_dma source(%dma_start3A_1287 : memref<32x128xf32, #tpu.memory_space<hbm>>) target(%dma_start3A_1285 : memref<32x128xf32, #tpu.memory_space<vmem>>) target_semaphore(%arg23 : memref<!tpu.dma_semaphore, #tpu.memory_space<semaphore_mem>>)
        %dma_start3A_1288 = arith.constant 7 : i32
        %dma_start3A_1289 = arith.constant 0 : i32
        %dma_start3A_1290 = tpu.memref_slice %arg14[%dma_start3A_1288, %dma_start3A_1289] : memref<8x16xf32, #tpu.memory_space<vmem>> -> memref<1x16xf32, #tpu.memory_space<vmem>>
        %dma_start3A_1291 = tpu.memref_squeeze %dma_start3A_1290 : memref<1x16xf32, #tpu.memory_space<vmem>> -> memref<16xf32, #tpu.memory_space<vmem>>
        %dma_start3A_1292 = tpu.memref_slice %arg6[%mul3A_1261] : memref<1000000xf32, #tpu.memory_space<hbm>> -> memref<16xf32, #tpu.memory_space<hbm>>
        %dma_start3A_1293 = arith.constant 0 : i32
        %dma_start3A_1294 = tpu.memref_slice %arg14[%dma_start3A_1288, %dma_start3A_1293] : memref<8x16xf32, #tpu.memory_space<vmem>> -> memref<1x16xf32, #tpu.memory_space<vmem>>
        %dma_start3A_1295 = tpu.memref_squeeze %dma_start3A_1294 : memref<1x16xf32, #tpu.memory_space<vmem>> -> memref<16xf32, #tpu.memory_space<vmem>>
        %dma_start3A_1296 = tpu.memref_slice %arg6[%mul3A_1261] : memref<1000000xf32, #tpu.memory_space<hbm>> -> memref<16xf32, #tpu.memory_space<hbm>>
        tpu.enqueue_dma source(%dma_start3A_1296 : memref<16xf32, #tpu.memory_space<hbm>>) target(%dma_start3A_1295 : memref<16xf32, #tpu.memory_space<vmem>>) target_semaphore(%arg23 : memref<!tpu.dma_semaphore, #tpu.memory_space<semaphore_mem>>)
      } else {
      }
    }
    %scan3A_435 = arith.constant 64 : i32
    "tpu.region"() ({
      %run_scoped3A = tpu.sem_alloc : memref<!tpu.dma_semaphore, #tpu.memory_space<semaphore_mem>>
      %dma_start3A_436 = tpu.memref_slice %arg8[%mul3A_2] : memref<16384xf32, #tpu.memory_space<hbm>> -> memref<512xf32, #tpu.memory_space<hbm>>
      %dma_start3A_437 = tpu.memref_slice %arg8[%mul3A_2] : memref<16384xf32, #tpu.memory_space<hbm>> -> memref<512xf32, #tpu.memory_space<hbm>>
      tpu.enqueue_dma source(%arg15 : memref<512xf32, #tpu.memory_space<vmem>>) target(%dma_start3A_437 : memref<512xf32, #tpu.memory_space<hbm>>) target_semaphore(%run_scoped3A : memref<!tpu.dma_semaphore, #tpu.memory_space<semaphore_mem>>)
      %dma_wait3A = tpu.memref_slice %arg8[%mul3A_2] : memref<16384xf32, #tpu.memory_space<hbm>> -> memref<512xf32, #tpu.memory_space<hbm>>
      %dma_wait3A_438 = tpu.memref_slice %arg8[%mul3A_2] : memref<16384xf32, #tpu.memory_space<hbm>> -> memref<512xf32, #tpu.memory_space<hbm>>
      tpu.wait_dma2 semaphore(%run_scoped3A : memref<!tpu.dma_semaphore, #tpu.memory_space<semaphore_mem>>) src(%arg15 : memref<512xf32, #tpu.memory_space<vmem>>) dst(%dma_wait3A_438 : memref<512xf32, #tpu.memory_space<hbm>>)
      tpu.yield
    }) : () -> ()
    return
  }
}

</mosaic_0001>

<sc_bundles>
// kernel: kernel.3.cloned.1.call-start
scs
__scs_entry_jumppad:
0x0: {  	(pc) =	sbr.rel $0x88, $3  }
0x1: {  	(tag) =	ssettag $0x0;
	lr =	simm.s32 $0x1  }
0x2: {  	[smem:$0x3F9B] =	sst lr;
	_ =	strace $0xD0000000  }
0x3: {  	_ = 	snop  }
0x4: {  	_ = 	snop  }
0x5: {  	_ = 	snop  }
0x6: {  	_ = 	snop  }
0x7: {  	_ = 	snop  }
__scs_overlays_trampoline_lowered:
0x8: {  	[smem:$0x3FAA] =	sst s0  }
0x9: {  	[smem:$0x3FAB] =	sst s1  }
0xa: {  	[smem:$0x3FAC] =	sst s2  }
0xb: {  	[smem:$0x3FAD] =	sst s3  }
0xc: {  	[smem:$0x3FAE] =	sst s4  }
0xd: {  	[smem:$0x3FAF] =	sst s5  }
0xe: {  	[smem:$0x3FB0] =	sst s6  }
0xf: {  	[smem:$0x3FB1] =	sst s7  }
0x10: {  	[smem:$0x3FB2] =	sst s8  }
0x11: {  	[smem:$0x3FB3] =	sst s9;
	s0 =	simm.s32 @!p0 $0x0  }
0x12: {  	s1 =	sld [smem:$0x3F99];
	s0 =	simm.s32 @p0 $0x1  }
0x13: {  	[smem:$0x3FB4] =	sst s0;
	s0 =	simm.s32 @!p1 $0x0  }
0x14: {  	s2 =	sld [smem:$0x3F98];
	s0 =	simm.s32 @p1 $0x1  }
0x15: {  	[smem:$0x3FB5] =	sst s0;
	s0 =	simm.s32 @!p2 $0x0  }
0x16: {  	s3 =	sld [smem:$0x3FDB];
	s0 =	simm.s32 @p2 $0x1  }
0x17: {  	s4 =	simm.s32 $0x1BF5;
	[smem:$0x3FB7] =	sst s0  }
0x18: {  	s0 =	sld [smem:$0x3F9A];
	_ =	swait.ge [sflag:s4], $0x0  }
0x19: {  	s7 =	sld [smem:$0x3F9B]  }
0x1a: {  	s8 =	sadd.s32 $0xFFFFE003, lr  }
0x1b: {  	s9 =	sadd.s32 $0xFFFFFEF7, lr;
	s5 =	simm.s32 $0xFFFFFFFF;
	p2 =	slt.u32 s8, $0xFFFFF086  }
0x1c: {  	p1 =	slt.u32 s9, $0xF7A;
	s5 =	simm.s32 @!p2 $0x0  }
0x1d: {  	s5 =	simm.s32 @p1 $0x1;
	p0 =	seq.s32 s7, s2  }
0x1e: {  	s7 =	smul.u32 @!p0 $0xF7A, s2;
	p2 =	seq.s32 @!p0 s5, $0x0  }
0x1f: {  	s9 =	smul.u32 $0xF7A, s1;
	s8 =	simm.s32 @!p0 $0x1BF5;
	p2 =	por !p2, p0  }
0x20: {  	[sflag:s8] =	ssyncset.s32 @!p0 $0xFFFFF086;
	s6 =	sadd.s32 @!p0 s3, s7;
	s7 =	simm.s32 @!p0 $0x108  }
0x21: {  	s3 =	sadd.s32 s3, s9;
	s6 =	sadd.s32 @!p0 $0x88, s6;
	s7 =	simm.s32 @p2 $0x1082  }
0x22: {  	[simem:s7], [sflag:s8] =	dma.local @!p0 [hbm:s6], $0xF7A  }
0x23: {  	s9 =	sor.u32 $0xD0000000, s2;
	s6 =	simm.s32 $0x108;
	_ =	swait.ge @!p0 [sflag:s8], $0x0  }
0x24: {  	s3 =	sadd.s32 $0x88, s3;
	s6 =	simm.s32 @!p1 $0x1082;
	[sflag:s4] =	ssyncset.s32 $0xFFFFF086  }
0x25: {  	[simem:s6], [sflag:s4] =	dma.local [hbm:s3], $0xF7A  }
0x26: {  	[smem:$0x3F9B] =	sst s1;
	(tag) =	ssettag s2;
	_ =	strace s9  }
0x27: {  	s1 =	sld [smem:$0x3FAB]  }
0x28: {  	s2 =	sld [smem:$0x3FAC]  }
0x29: {  	s4 =	sld [smem:$0x3FAE]  }
0x2a: {  	p0 =	seq.s32 s5, $0x0;
	s5 =	sld [smem:$0x3FAF]  }
0x2b: {  	s6 =	sld [smem:$0x3FB0]  }
0x2c: {  	s7 =	sld [smem:$0x3FB1]  }
0x2d: {  	s3 =	simm.s32 $0x108;
	s8 =	sld [smem:$0x3FB2]  }
0x2e: {  	s3 =	simm.s32 @!p0 $0x1082;
	s9 =	sld [smem:$0x3FB3]  }
0x2f: {  	lr =	sadd.s32 s0, s3;
	s0 =	sld [smem:$0x3FAA]  }
0x30: {  	s3 =	sld [smem:$0x3FAD]  }
0x31: {  	[smem:$0x3FB6] =	sst s10  }
0x32: {  	s10 =	sld [smem:$0x3FB4];
	_ =	sdelay $0x3  }
0x33: {  	p0 =	seq.s32 s10, $0x1;
	s10 =	sld [smem:$0x3FB6];
	_ =	sdelay $0x3  }
0x34: {  	[smem:$0x3FB6] =	sst s10  }
0x35: {  	s10 =	sld [smem:$0x3FB5];
	_ =	sdelay $0x3  }
0x36: {  	p1 =	seq.s32 s10, $0x1;
	s10 =	sld [smem:$0x3FB6];
	_ =	sdelay $0x3  }
0x37: {  	[smem:$0x3FB6] =	sst s10  }
0x38: {  	s10 =	sld [smem:$0x3FB7]  }
0x39: {  	_ = 	snop;
	(pc) =	sbr.ind lr, $3  }
0x3a: {  	_ = 	snop  }
0x3b: {  	_ = 	snop  }
0x3c: {  	p2 =	seq.s32 s10, $0x1;
	s10 =	sld [smem:$0x3FB6]  }
0x3d: {  	_ =	shalt  }
0x3e: {  	_ =	shalt  }
0x3f: {  	_ =	shalt  }
0x40: {  	_ =	shalt  }
0x41: {  	_ =	shalt  }
0x42: {  	_ =	shalt  }
0x43: {  	_ =	shalt  }
0x44: {  	_ =	shalt  }
0x45: {  	_ =	shalt  }
0x46: {  	_ =	shalt  }
0x47: {  	_ =	shalt  }
0x48: {  	_ =	shalt  }
0x49: {  	_ =	shalt  }
0x4a: {  	_ =	shalt  }
0x4b: {  	_ =	shalt  }
0x4c: {  	_ =	shalt  }
0x4d: {  	_ =	shalt  }
0x4e: {  	_ =	shalt  }
0x4f: {  	_ =	shalt  }
0x50: {  	_ =	shalt  }
0x51: {  	_ =	shalt  }
0x52: {  	_ =	shalt  }
0x53: {  	_ =	shalt  }
0x54: {  	_ =	shalt  }
0x55: {  	_ =	shalt  }
0x56: {  	_ =	shalt  }
0x57: {  	_ =	shalt  }
0x58: {  	_ =	shalt  }
0x59: {  	_ =	shalt  }
0x5a: {  	_ =	shalt  }
0x5b: {  	_ =	shalt  }
0x5c: {  	_ =	shalt  }
0x5d: {  	_ =	shalt  }
0x5e: {  	_ =	shalt  }
0x5f: {  	_ =	shalt  }
0x60: {  	_ =	shalt  }
0x61: {  	_ =	shalt  }
0x62: {  	_ =	shalt  }
0x63: {  	_ =	shalt  }
0x64: {  	_ =	shalt  }
0x65: {  	_ =	shalt  }
0x66: {  	_ =	shalt  }
0x67: {  	_ =	shalt  }
0x68: {  	_ =	shalt  }
0x69: {  	_ =	shalt  }
0x6a: {  	_ =	shalt  }
0x6b: {  	_ =	shalt  }
0x6c: {  	_ =	shalt  }
0x6d: {  	_ =	shalt  }
0x6e: {  	_ =	shalt  }
0x6f: {  	_ =	shalt  }
0x70: {  	_ =	shalt  }
0x71: {  	_ =	shalt  }
0x72: {  	_ =	shalt  }
0x73: {  	_ =	shalt  }
0x74: {  	_ =	shalt  }
0x75: {  	_ =	shalt  }
0x76: {  	_ =	shalt  }
0x77: {  	_ =	shalt  }
0x78: {  	_ =	shalt  }
0x79: {  	_ =	shalt  }
0x7a: {  	_ =	shalt  }
0x7b: {  	_ =	shalt  }
0x7c: {  	_ =	shalt  }
0x7d: {  	_ =	shalt  }
0x7e: {  	_ =	shalt  }
0x7f: {  	_ =	shalt  }
0x80: {  	_ =	shalt  }
0x81: {  	_ =	shalt  }
0x82: {  	_ =	shalt  }
0x83: {  	_ =	shalt  }
0x84: {  	_ =	shalt  }
0x85: {  	_ =	shalt  }
0x86: {  	_ =	shalt  }
0x87: {  	_ =	shalt  }
.Lfunc_end0:
.L_simem_size_0:
called_computation_lowered:
.L_overlay_start_0:
0x88: {  	s2 =	sld [smem:$0x3FD9]  }
0x89: {  	s3 =	sld [smem:$0x3FFE];
	_ =	sdelay $0x1  }
0x8a: {  	s1 =	srdreg.scid  }
0x8b: {  	s0 =	sand.u32 $0x1, s1  }
0x8c: {  	s17 =	sshll.u32 s0, $0xA;
	s2 =	sadd.s32 s3, s2  }
0x8d: {  	s2 =	sadd.s32 s2, s17  }
0x8e: {  	[smem:$0x3FC2] =	sst s2  }
0x8f: {  	_ = 	snop  }
0x90: {  	s2 =	sld [smem:$0x3FC9]  }
0x91: {  	s18 =	sld [smem:$0x3FC8]  }
0x92: {  	s4 =	sld [smem:$0x3FC7]  }
0x93: {  	s5 =	sld [smem:$0x3FC6]  }
0x94: {  	s6 =	sld [smem:$0x3FC4]  }
0x95: {  	s7 =	sld [smem:$0x3FD0];
	(tm) =	ssettm $0x1  }
0x96: {  	s8 =	sld [smem:$0x3FFB];
	_ =	sdelay $0x3  }
0x97: {  	_ =	strace s8  }
0x98: {  	s8 =	sld [smem:$0x3FFC];
	_ =	sdelay $0x3  }
0x99: {  	_ =	strace s8  }
0x9a: {  	s8 =	sld [smem:$0x3FFD];
	_ =	sdelay $0x3  }
0x9b: {  	_ =	strace s8  }
0x9c: {  	_ =	strace $0x8FFFFFFF  }
0x9d: {  	s19 =	sld [smem:$0x3FDB];
	_ =	sdelay $0x1  }
0x9e: {  	s9 =	simm.s32 $_scs_section_size  }
0x9f: {  	s10 =	simm.s32 $_size__tile_overlayer_lowered;
	s11 =	simm.s32 $_tile_overlayer_lowered  }
0xa0: {  	s22 =	simm.s32 $0x1BFF;
	s21 =	sshll.u32 s11, $0x1;
	s8 =	sadd.s32 s9, s19  }
0xa1: {  	s12 =	simm.s32 $0x0;
	s20 =	sshll.u32 s10, $0x1;
	s10 =	sadd.s32 s21, s8  }
0xa2: {  	[timem:s12], [sflag:s22] =	dma.local [hbm:s10], s20  }
0xa3: {  	_ =	swait.ge [sflag:s22], s20  }
0xa4: {  	s9 =	ssub.s32 $0x0, s20;
	[sflag:s22] =	ssyncset.done $0x0  }
0xa5: {  	[sflag:s22] =	ssyncadd.s32 s9;
	_ =	sdelay $0x1  }
0xa6: {  	s23 =	simm.s32 $0x1B8B  }
0xa7: {  	_ =	swait.ge [sflag:s23], $0x1  }
0xa8: {  	[sflag:s23] =	ssyncset.done $0x0  }
0xa9: {  	s25 =	simm.s32 $0x1B8E;
	s24 =	sld [smem:$0x3FFE];
	[sflag:s23] =	ssyncadd.s32 $0xFFFFFFFF  }
0xaa: {  	s26 =	simm.s32 $execute0_lowered;
	[smem:$0x3FD2] =	sst s25  }
0xab: {  	s10 =	sshll.u32 s26, $0x1;
	_ =	strace $0x80000046;
	[dreg:$0x1] =	wrdreg $0xFFFFFFFF  }
0xac: {  	s28 =	simm.s32 $_size_execute0_lowered;
	s8 =	sadd.s32 s8, s10;
	[dreg:$0x0] =	wrdreg $0x0  }
0xad: {  	s10 =	sshll.u32 s28, $0x1;
	[dreg:$0x2] =	wrdreg s8  }
0xae: {  	[dreg:$0x3] =	wrdreg s10  }
0xaf: {  	[dreg:$0x4] =	wrdreg $0xC0  }
0xb0: {  	_ =	task [dreg:s12], $0x5FFFF  }
0xb1: {  	[dreg:$0x1] =	wrdreg $0xFFFFFFFF  }
0xb2: {  	[dreg:$0x0] =	wrdreg $0x60  }
0xb3: {  	[dreg:$0x2] =	wrdreg s2  }
0xb4: {  	[dreg:$0x3] =	wrdreg s18  }
0xb5: {  	[dreg:$0x4] =	wrdreg s4  }
0xb6: {  	[dreg:$0x5] =	wrdreg s5  }
0xb7: {  	[dreg:$0x6] =	wrdreg s24  }
0xb8: {  	[dreg:$0x7] =	wrdreg s6  }
0xb9: {  	[dreg:$0x8] =	wrdreg s7  }
0xba: {  	[dreg:$0x9] =	wrdreg $0x9  }
0xbb: {  	_ =	task.clear_ibuf [dreg:s12], $0xAFFFF;
	_ =	strace $0x90000046  }
0xbc: {  	s29 =	simm.s32 $0x9;
	_ =	strace $0x80000048  }
0xbd: {  	_ =	swait.ge [sflag:s29], $0x1  }
0xbe: {  	[sflag:s29] =	ssyncadd.s32 $0xFFFFFFFF  }
0xbf: {  	_ =	strace $0x90000048  }
0xc0: {  	_ =	sfence  }
0xc1: {  	s30 =	sld [smem:$0x0];
	_ =	sdelay $0x2  }
0xc2: {  	s31 =	sshll.u32 s1, $0xD;
	s1 =	sshrl.u32 s1, $0x2  }
0xc3: {  	s3 =	sand.u32 $0x4000, s31;
	s1 =	sadd.s32 s1, s30  }
0xc4: {  	s0 =	sor.u32 s3, s0;
	s1 =	sshll.u32 s1, $0x11  }
0xc5: {  	s0 =	sor.u32 s1, s0  }
0xc6: {  	s0 =	sadd.s32 $0x8F2B, s0  }
0xc7: {  	[sflag:s0] =	ssyncadd.remote.s32 $0x1  }
0xc8: {  	_ =	sfence.sel $0xFFFF  }
0xc9: {  	[dreg:$0x0] =	wrdreg $0xFFFFFFFF;
	(pc) =	sbr.abs _section_cstart, $3  }
0xca: {  	[dreg:$0x1] =	wrdreg $0xFFFFFFFF  }
0xcb: {  	_ =	task.clear_ibuf [dreg:s12], $0x2FFFF;
	_ =	strace $0x9FFFFFFF  }
0xcc: {  	(tm) =	ssettm $0x7FFFFFFF  }
0xcd: {  	_ =	shalt  }
tec
execute0_lowered:
.L_overlay_start_1:
0x0: {  	(tag) =	ssettag $0x1  }
0x1: {  	s0 =	rddreg [dreg:$0x0]  }
0x2: {  	s4 =	rddreg [dreg:$0x1]  }
0x3: {  	s1 =	rddreg [dreg:$0x2]  }
0x4: {  	s2 =	rddreg [dreg:$0x3]  }
0x5: {  	s3 =	rddreg [dreg:$0x4]  }
0x6: {  	s5 =	rddreg [dreg:$0x6];
	s7 =	srdreg.scid  }
0x7: {  	s6 =	simm.s32 $0x0;
	s9 =	stileid.u32;
	s12 =	simm.s32 $0x280  }
0x8: {  	s14 =	simm.s32 $0x400;
	s15 =	simm.s32 $0x7A1400;
	s16 =	simm.s32 $0x580  }
0x9: {  	s17 =	simm.s32 $0x8580;
	s18 =	simm.s32 $0x10580;
	s22 =	simm.s32 $0xF580  }
0xa: {  	s23 =	simm.s32 $0x10900;
	s28 =	simm.s32 $0x3;
	s29 =	simm.s32 $0x4  }
0xb: {  	s30 =	simm.s32 $0x5;
	s31 =	simm.s32 $0x6;
	s7 =	sand.u32 $0x1, s7  }
0xc: {  	v0 =	vlaneseq.u32;
	s9 =	sshll.u32 s9, $0x7;
	s8 =	ssub.s32 $0x2, s7;
	s7 =	sshll.u32 s7, $0x6  }
0xd: {  	[smem:$0x7FF] =	sst s6;
	v1 =	vmul.u32 $0x80, v0;
	s10 =	sshrl.u32 s8, $0x1;
	s7 =	sor.u32 s7, s9  }
0xe: {  	_ =	strace $0x80000047;
	s8 =	ssub.s32 s8, s10;
	s0 =	sadd.s32 s0, s7  }
.Ltmp0:
0xf: {  	v2 =	vor.u32 $0x800, v1;
	v3 =	vor.u32 $0x1000, v1;
	v4 =	vor.u32 $0x1800, v1;
	s24 =	sadd.s32 s4, s7;
	[dreg:$0x8] =	wrdreg s0;
	(pc) =	sbr.rel .LBB2_1-.Ltmp0, $4  }
0x10: {  	v5 =	vor.u32 $0x2000, v1;
	v6 =	vor.u32 $0x2800, v1;
	v7 =	vor.u32 $0x3000, v1;
	s25 =	sadd.s32 s5, s7;
	s7 =	simm.s32 $0x9;
	[dreg:$0x9] =	wrdreg s24  }
0x11: {  	v8 =	vor.u32 $0x3800, v1;
	v9 =	vor.u32 $0x4000, v1;
	v10 =	vor.u32 $0x4800, v1;
	s5 =	simm.s32 $0x8;
	[dreg:$0xa] =	wrdreg s25;
	s26 =	smax.u32 s8, $0x1  }
0x12: {  	v11 =	vor.u32 $0x5000, v1;
	v12 =	vor.u32 $0x5800, v1;
	v13 =	vor.u32 $0x6000, v1;
	s24 =	simm.s32 $0x1;
	s25 =	simm.s32 $0x10980;
	s0 =	simm.s32 $0x7  }
0x13: {  	v14 =	vor.u32 $0x6800, v1;
	v15 =	vor.u32 $0x7000, v1;
	v16 =	vor.u32 $0x7800, v1;
	s8 =	simm.s32 $0x0;
	[dreg:$0xb] =	wrdreg s26;
	s26 =	simm.s32 $0x2  }
.LBB2_4:
0x14: {  	s4 =	rddreg [dreg:$0xa];
	s7 =	simm.s32 $0x9  }
0x15: {  	[hbm4b:s4+s6] =	stream.linear.scatter [tilespmem:s25], [sflag:$0x9], $0x200, $0x38;
	[tilespmem:$0x10B80] =	vst v63  }
0x16: {  	_ =	swait.ge [sflag:s7], $0x200  }
0x17: {  	s8 =	rddreg [dreg:$0xc]  }
0x18: {  	s21 =	rddreg [dreg:$0xb];
	s8 =	sadd.s32 $0x1, s8  }
0x19: {  	p0 =	sne.s32 s8, s21  }
.Ltmp1:
0x1a: {  	_ = 	snop;
	(pc) =	sbr.rel @!p0 .LBB2_5-.Ltmp1, $3  }
0x1b: {  	_ =	sdelay $0x1  }
0x1c: {  	[sflag:s7] =	ssyncset.done $0x0  }
0x1d: {  	[sflag:s7] =	ssyncadd.s32 $0xFFFFFE00  }
.LBB2_1:
0x1e: {  	[dreg:$0xc] =	wrdreg s8  }
0x1f: {  	s4 =	rddreg [dreg:$0x8]  }
0x20: {  	[tilespmem:s6], [sflag:$0x9] =	stream.linear.gather [hbm4b:s4+s6], $0x200, $0x38;
	[tilespmem:$0x10B80] =	vst v63  }
0x21: {  	_ =	swait.ge [sflag:s7], $0x200  }
0x22: {  	[sflag:s7] =	ssyncset.done $0x0  }
0x23: {  	s19 =	rddreg [dreg:$0x9];
	[sflag:s7] =	ssyncadd.s32 $0xFFFFFE00  }
0x24: {  	[tilespmem:s12], [sflag:$0x9] =	stream.linear.gather [hbm4b:s19+s6], $0x200, $0x38;
	[tilespmem:$0x10B80] =	vst v63  }
0x25: {  	_ =	swait.ge [sflag:s7], $0x200  }
0x26: {  	[sflag:s7] =	ssyncset.done $0x0  }
0x27: {  	[sflag:s7] =	ssyncadd.s32 $0xFFFFFE00  }
0x28: {  	s21 =	simm.s32 $0x500;
	s20 =	rddreg [dreg:$0x5]  }
0x29: {  	[tilespmem:s21], [sflag:$0x9] =	stream.linear.gather [hbm4b:s20+s6], $0x80, $0x38;
	[tilespmem:$0x10B80] =	vst v63  }
0x2a: {  	_ =	swait.ge [sflag:s7], $0x80  }
0x2b: {  	[sflag:s7] =	ssyncset.done $0x0  }
0x2c: {  	[sflag:s7] =	ssyncadd.s32 $0xFFFFFF80  }
0x2d: {  	v20 =	vld.idx.msk [tilespmem:v0+s12+$0x0], $0xffff  }
0x2e: {  	v19 =	vld.idx.msk [tilespmem:v0+s6+$0x0], $0xffff;
	_ =	sdelay $0x3  }
0x2f: {  	(v2sf) =	vpush v20, $0x0  }
0x30: {  	(v2sf) =	vpush v19, $0x0;
	_ =	sdelay $0xd  }
0x31: {  	s9 =	spop (v2sf);
	(v2sf) =	vpush v20, $0x1  }
0x32: {  	s10 =	spop (v2sf);
	(v2sf) =	vpush v19, $0x1;
	_ =	sdelay $0xa  }
0x33: {  	s13 =	sshra.s32 s10, $0x1F  }
0x34: {  	s13 =	sshrl.u32 s13, $0x19  }
0x35: {  	s11 =	sshra.s32 s9, $0x1F;
	s8 =	sadd.s32 s13, s10  }
0x36: {  	s19 =	sshrl.u32 s11, $0x19;
	s8 =	sand.u32 $0x1FFFFF80, s8;
	s20 =	spop (v2sf);
	(v2sf) =	vpush v20, $0x2  }
0x37: {  	v17 =	vld [tilespmem:$0x500];
	s13 =	sshrl.u32 s11, $0x1C;
	s8 =	sadd.s32 s1, s8;
	s21 =	spop (v2sf);
	(v2sf) =	vpush v19, $0x2  }
0x38: {  	v18 =	vld [tilespmem:$0x510];
	[tilespmem:s16], [sflag:$0x1] =	stream.strided.gather [hbm4b:s8+s14], $0x1000, s15, s14, $0x38  }
0x39: {  	s7 =	sadd.s32 s13, s9;
	s8 =	sadd.s32 s19, s9  }
0x3a: {  	s7 =	sshrl.u32 s7, $0x3;
	s8 =	sand.u32 $0x1FFFFF80, s8  }
0x3b: {  	s7 =	sand.u32 $0x1FFFFFFE, s7;
	s8 =	sadd.s32 s2, s8  }
0x3c: {  	[tilespmem:s17], [sflag:$0x1] =	stream.strided.gather [hbm4b:s8+s14], $0x1000, s15, s14, $0x38;
	[tilespmem:$0x10B80] =	vst v63  }
0x3d: {  	s7 =	sadd.s32 s3, s7  }
0x3e: {  	[tilespmem:s18], [sflag:$0x1] =	stream.linear.gather [hbm4b:s7+s6], $0x10, $0x38;
	[tilespmem:$0x10B80] =	vst v63  }
0x3f: {  	s4 =	sshra.s32 s21, $0x1F  }
0x40: {  	s13 =	sshrl.u32 s4, $0x19  }
0x41: {  	s8 =	sadd.s32 s13, s21  }
0x42: {  	s10 =	simm.s32 $0x1580;
	s9 =	sshra.s32 s20, $0x1F;
	s8 =	sand.u32 $0x1FFFFF80, s8  }
0x43: {  	s11 =	sshrl.u32 s9, $0x19;
	s13 =	sshrl.u32 s9, $0x1C;
	s8 =	sadd.s32 s1, s8  }
0x44: {  	[tilespmem:s10], [sflag:$0x2] =	stream.strided.gather [hbm4b:s8+s14], $0x1000, s15, s14, $0x38;
	[tilespmem:$0x10B80] =	vst v63  }
0x45: {  	s7 =	sadd.s32 s13, s20;
	s8 =	sadd.s32 s11, s20;
	s20 =	spop (v2sf);
	(v2sf) =	vpush v20, $0x3  }
0x46: {  	s21 =	spop (v2sf);
	(v2sf) =	vpush v19, $0x3;
	_ =	sdelay $0x2  }
0x47: {  	s7 =	sshrl.u32 s7, $0x3;
	s8 =	sand.u32 $0x1FFFFF80, s8  }
0x48: {  	s13 =	simm.s32 $0x9580;
	s7 =	sand.u32 $0x1FFFFFFE, s7;
	s8 =	sadd.s32 s2, s8  }
0x49: {  	[tilespmem:s13], [sflag:$0x2] =	stream.strided.gather [hbm4b:s8+s14], $0x1000, s15, s14, $0x38;
	[tilespmem:$0x10B80] =	vst v63  }
0x4a: {  	s19 =	simm.s32 $0x10600;
	s7 =	sadd.s32 s3, s7  }
0x4b: {  	[tilespmem:s19], [sflag:$0x2] =	stream.linear.gather [hbm4b:s7+s6], $0x10, $0x38;
	[tilespmem:$0x10B80] =	vst v63  }
0x4c: {  	s4 =	sshra.s32 s21, $0x1F  }
0x4d: {  	s13 =	sshrl.u32 s4, $0x19  }
0x4e: {  	s8 =	sadd.s32 s13, s21  }
0x4f: {  	s10 =	simm.s32 $0x2580;
	s9 =	sshra.s32 s20, $0x1F;
	s8 =	sand.u32 $0x1FFFFF80, s8  }
0x50: {  	s11 =	sshrl.u32 s9, $0x19;
	s13 =	sshrl.u32 s9, $0x1C;
	s8 =	sadd.s32 s1, s8  }
0x51: {  	[tilespmem:s10], [sflag:$0x3] =	stream.strided.gather [hbm4b:s8+s14], $0x1000, s15, s14, $0x38;
	[tilespmem:$0x10B80] =	vst v63  }
0x52: {  	s7 =	sadd.s32 s13, s20;
	s8 =	sadd.s32 s11, s20;
	s20 =	spop (v2sf);
	(v2sf) =	vpush v20, $0x4  }
0x53: {  	s21 =	spop (v2sf);
	(v2sf) =	vpush v19, $0x4;
	_ =	sdelay $0x2  }
0x54: {  	s7 =	sshrl.u32 s7, $0x3;
	s8 =	sand.u32 $0x1FFFFF80, s8  }
0x55: {  	s13 =	simm.s32 $0xA580;
	s7 =	sand.u32 $0x1FFFFFFE, s7;
	s8 =	sadd.s32 s2, s8  }
0x56: {  	[tilespmem:s13], [sflag:$0x3] =	stream.strided.gather [hbm4b:s8+s14], $0x1000, s15, s14, $0x38;
	[tilespmem:$0x10B80] =	vst v63  }
0x57: {  	s19 =	simm.s32 $0x10680;
	s7 =	sadd.s32 s3, s7  }
0x58: {  	[tilespmem:s19], [sflag:$0x3] =	stream.linear.gather [hbm4b:s7+s6], $0x10, $0x38;
	[tilespmem:$0x10B80] =	vst v63  }
0x59: {  	s4 =	sshra.s32 s21, $0x1F  }
0x5a: {  	s13 =	sshrl.u32 s4, $0x19  }
0x5b: {  	s8 =	sadd.s32 s13, s21  }
0x5c: {  	s10 =	simm.s32 $0x3580;
	s9 =	sshra.s32 s20, $0x1F;
	s8 =	sand.u32 $0x1FFFFF80, s8  }
0x5d: {  	s11 =	sshrl.u32 s9, $0x19;
	s13 =	sshrl.u32 s9, $0x1C;
	s8 =	sadd.s32 s1, s8  }
0x5e: {  	[tilespmem:s10], [sflag:$0x4] =	stream.strided.gather [hbm4b:s8+s14], $0x1000, s15, s14, $0x38;
	[tilespmem:$0x10B80] =	vst v63  }
0x5f: {  	s7 =	sadd.s32 s13, s20;
	s8 =	sadd.s32 s11, s20;
	s20 =	spop (v2sf);
	(v2sf) =	vpush v20, $0x5  }
0x60: {  	s21 =	spop (v2sf);
	(v2sf) =	vpush v19, $0x5;
	_ =	sdelay $0x1  }
0x61: {  	s7 =	sshrl.u32 s7, $0x3;
	s8 =	sand.u32 $0x1FFFFF80, s8  }
0x62: {  	s13 =	simm.s32 $0xB580;
	s7 =	sand.u32 $0x1FFFFFFE, s7;
	s8 =	sadd.s32 s2, s8  }
0x63: {  	[tilespmem:s13], [sflag:$0x4] =	stream.strided.gather [hbm4b:s8+s14], $0x1000, s15, s14, $0x38;
	[tilespmem:$0x10B80] =	vst v63  }
0x64: {  	s19 =	simm.s32 $0x10700;
	s7 =	sadd.s32 s3, s7  }
0x65: {  	[tilespmem:s19], [sflag:$0x4] =	stream.linear.gather [hbm4b:s7+s6], $0x10, $0x38;
	[tilespmem:$0x10B80] =	vst v63  }
0x66: {  	s4 =	sshra.s32 s21, $0x1F  }
0x67: {  	s13 =	sshrl.u32 s4, $0x19  }
0x68: {  	s8 =	sadd.s32 s13, s21  }
0x69: {  	s10 =	simm.s32 $0x4580;
	s9 =	sshra.s32 s20, $0x1F;
	s8 =	sand.u32 $0x1FFFFF80, s8  }
0x6a: {  	s11 =	sshrl.u32 s9, $0x19;
	s13 =	sshrl.u32 s9, $0x1C;
	s8 =	sadd.s32 s1, s8  }
0x6b: {  	[tilespmem:s10], [sflag:$0x5] =	stream.strided.gather [hbm4b:s8+s14], $0x1000, s15, s14, $0x38;
	[tilespmem:$0x10B80] =	vst v63  }
0x6c: {  	s7 =	sadd.s32 s13, s20;
	s13 =	simm.s32 $0xC580;
	s8 =	sadd.s32 s11, s20  }
0x6d: {  	s7 =	sshrl.u32 s7, $0x3;
	s8 =	sand.u32 $0x1FFFFF80, s8;
	s20 =	spop (v2sf);
	(v2sf) =	vpush v20, $0x6  }
0x6e: {  	s7 =	sand.u32 $0x1FFFFFFE, s7;
	s8 =	sadd.s32 s2, s8;
	s21 =	spop (v2sf);
	(v2sf) =	vpush v19, $0x6  }
0x6f: {  	[tilespmem:s13], [sflag:$0x5] =	stream.strided.gather [hbm4b:s8+s14], $0x1000, s15, s14, $0x38;
	[tilespmem:$0x10B80] =	vst v63  }
0x70: {  	s19 =	simm.s32 $0x10780;
	s7 =	sadd.s32 s3, s7  }
0x71: {  	[tilespmem:s19], [sflag:$0x5] =	stream.linear.gather [hbm4b:s7+s6], $0x10, $0x38;
	[tilespmem:$0x10B80] =	vst v63  }
0x72: {  	s4 =	sshra.s32 s21, $0x1F  }
0x73: {  	s13 =	sshrl.u32 s4, $0x19  }
0x74: {  	s8 =	sadd.s32 s13, s21  }
0x75: {  	s9 =	sshra.s32 s20, $0x1F;
	s8 =	sand.u32 $0x1FFFFF80, s8  }
0x76: {  	s10 =	simm.s32 $0x5580;
	s11 =	sshrl.u32 s9, $0x19;
	s8 =	sadd.s32 s1, s8  }
0x77: {  	[tilespmem:s10], [sflag:$0x6] =	stream.strided.gather [hbm4b:s8+s14], $0x1000, s15, s14, $0x38;
	[tilespmem:$0x10B80] =	vst v63  }
0x78: {  	s13 =	sshrl.u32 s9, $0x1C;
	s8 =	sadd.s32 s11, s20  }
0x79: {  	s7 =	sadd.s32 s13, s20;
	s8 =	sand.u32 $0x1FFFFF80, s8  }
0x7a: {  	s19 =	simm.s32 $0xD580;
	s7 =	sshrl.u32 s7, $0x3;
	s8 =	sadd.s32 s2, s8  }
0x7b: {  	[tilespmem:s19], [sflag:$0x6] =	stream.strided.gather [hbm4b:s8+s14], $0x1000, s15, s14, $0x38;
	[tilespmem:$0x10B80] =	vst v63  }
0x7c: {  	s7 =	sand.u32 $0x1FFFFFFE, s7;
	s21 =	spop (v2sf);
	(v2sf) =	vpush v20, $0x7  }
0x7d: {  	s20 =	simm.s32 $0x10800;
	s7 =	sadd.s32 s3, s7;
	s4 =	spop (v2sf);
	(v2sf) =	vpush v19, $0x7  }
0x7e: {  	[tilespmem:s20], [sflag:$0x6] =	stream.linear.gather [hbm4b:s7+s6], $0x10, $0x38;
	[tilespmem:$0x10B80] =	vst v63  }
0x7f: {  	s9 =	sshra.s32 s4, $0x1F  }
0x80: {  	s13 =	sshrl.u32 s9, $0x19  }
0x81: {  	s8 =	sadd.s32 s13, s4  }
0x82: {  	s11 =	simm.s32 $0x6580;
	s10 =	sshra.s32 s21, $0x1F;
	s8 =	sand.u32 $0x1FFFFF80, s8  }
0x83: {  	s19 =	sshrl.u32 s10, $0x19;
	s13 =	sshrl.u32 s10, $0x1C;
	s8 =	sadd.s32 s1, s8  }
0x84: {  	[tilespmem:s11], [sflag:$0x7] =	stream.strided.gather [hbm4b:s8+s14], $0x1000, s15, s14, $0x38;
	[tilespmem:$0x10B80] =	vst v63  }
0x85: {  	s7 =	sadd.s32 s13, s21;
	s8 =	sadd.s32 s19, s21  }
0x86: {  	s7 =	sshrl.u32 s7, $0x3;
	s8 =	sand.u32 $0x1FFFFF80, s8  }
0x87: {  	s20 =	simm.s32 $0xE580;
	s7 =	sand.u32 $0x1FFFFFFE, s7;
	s8 =	sadd.s32 s2, s8  }
0x88: {  	[tilespmem:s20], [sflag:$0x7] =	stream.strided.gather [hbm4b:s8+s14], $0x1000, s15, s14, $0x38;
	[tilespmem:$0x10B80] =	vst v63  }
0x89: {  	s21 =	simm.s32 $0x10880;
	s7 =	sadd.s32 s3, s7  }
0x8a: {  	[tilespmem:s21], [sflag:$0x7] =	stream.linear.gather [hbm4b:s7+s6], $0x10, $0x38;
	[tilespmem:$0x10B80] =	vst v63  }
0x8b: {  	s8 =	spop (v2sf)  }
0x8c: {  	s9 =	spop (v2sf)  }
0x8d: {  	s10 =	sshra.s32 s9, $0x1F  }
0x8e: {  	s13 =	sshrl.u32 s10, $0x19  }
0x8f: {  	s7 =	sadd.s32 s13, s9  }
0x90: {  	s11 =	sshra.s32 s8, $0x1F;
	s7 =	sand.u32 $0x1FFFFF80, s7  }
0x91: {  	s19 =	simm.s32 $0x7580;
	s20 =	sshrl.u32 s11, $0x19;
	s7 =	sadd.s32 s1, s7  }
0x92: {  	[tilespmem:s19], [sflag:$0x8] =	stream.strided.gather [hbm4b:s7+s14], $0x1000, s15, s14, $0x38;
	[tilespmem:$0x10B80] =	vst v63  }
0x93: {  	s13 =	sshrl.u32 s11, $0x1C;
	s7 =	sadd.s32 s20, s8  }
0x94: {  	s8 =	sadd.s32 s13, s8;
	s7 =	sand.u32 $0x1FFFFF80, s7  }
0x95: {  	s21 =	sshrl.u32 s8, $0x3;
	s7 =	sadd.s32 s2, s7  }
0x96: {  	[tilespmem:s22], [sflag:$0x8] =	stream.strided.gather [hbm4b:s7+s14], $0x1000, s15, s14, $0x38;
	[tilespmem:$0x10B80] =	vst v63  }
0x97: {  	s7 =	sand.u32 $0x1FFFFFFE, s21  }
0x98: {  	s19 =	simm.s32 $0x0;
	s7 =	sadd.s32 s3, s7  }
0x99: {  	[tilespmem:s23], [sflag:$0x8] =	stream.linear.gather [hbm4b:s7+s6], $0x10, $0x38;
	[tilespmem:$0x10B80] =	vst v63  }
.LBB2_2:
0x9a: {  	v19 =	vadd.s32 s19, v0  }
0x9b: {  	s13 =	smov.u32 s19;
	s19 =	sadd.s32 $0x8, s19  }
0x9c: {  	v20 =	vadd.s32 s19, v0;
	_ =	sdelay $0x2  }
0x9d: {  	v21 =	vld.idx.msk [tilespmem:v19+s6+$0x0], $0xffff  }
0x9e: {  	v22 =	vld.idx.msk [tilespmem:v19+s12+$0x0], $0xffff  }
0x9f: {  	v19 =	vld.idx.msk [tilespmem:v20+s6+$0x0], $0xffff  }
0xa0: {  	v20 =	vld.idx.msk [tilespmem:v20+s12+$0x0], $0xffff;
	_ =	swait.ge [sflag:s24], $0x1000  }
0xa1: {  	[sflag:s24] =	ssyncset.done $0x0  }
0xa2: {  	[sflag:s24] =	ssyncadd.s32 $0xFFFFF000  }
0xa3: {  	_ =	swait.ge [sflag:s24], $0x1000  }
0xa4: {  	[sflag:s24] =	ssyncset.done $0x0  }
0xa5: {  	[sflag:s24] =	ssyncadd.s32 $0xFFFFF000  }
0xa6: {  	_ =	swait.ge [sflag:s24], $0x10  }
0xa7: {  	(v2sf) =	vpush v21, $0x0;
	_ =	sdelay $0x1  }
0xa8: {  	(v2sf) =	vpush v22, $0x0;
	_ =	sdelay $0xc  }
0xa9: {  	s7 =	spop (v2sf)  }
0xaa: {  	s7 =	sand.u32 $0x7F, s7  }
0xab: {  	s8 =	spop (v2sf);
	v23 =	vor.u32 s7, v1  }
0xac: {  	s20 =	sand.u32 $0x7F, s8;
	v24 =	vor.u32 s7, v2  }
0xad: {  	v25 =	vor.u32 s20, v1  }
0xae: {  	[sflag:s24] =	ssyncset.done $0x0;
	v26 =	vor.u32 s20, v2  }
0xaf: {  	[sflag:s24] =	ssyncadd.s32 $0xFFFFFFF0  }
0xb0: {  	v23 =	vld.idx.msk [tilespmem:v23+s16+$0x0], $0xffff  }
0xb1: {  	v24 =	vld.idx.msk [tilespmem:v24+s16+$0x0], $0xffff  }
0xb2: {  	v25 =	vld.idx.msk [tilespmem:v25+s17+$0x0], $0xffff  }
0xb3: {  	v26 =	vld.idx.msk [tilespmem:v26+s17+$0x0], $0xffff;
	_ =	sdelay $0x4  }
0xb4: {  	v23 =	vmul.f32 v25, v23;
	v24 =	vmul.f32 v26, v24;
	_ =	sdelay $0x1  }
0xb5: {  	v23 =	vmax.f32 v23, $0.0e+00;
	v24 =	vmax.f32 v24, $0.0e+00  }
0xb6: {  	v23 =	vmul.f32 v23, v17;
	v24 =	vmul.f32 v24, v18;
	_ =	sdelay $0x1  }
0xb7: {  	v23 =	vadd.f32 v24, v23;
	_ =	sdelay $0x1  }
0xb8: {  	(xrf2) =	vadd.scan.msk.f32 $0xffff, v23  }
0xb9: {  	s20 =	sand.u32 $0xF, s8  }
0xba: {  	v23 =	vmov s20;
	_ =	sdelay $0x4  }
0xbb: {  	v23 =	vld.idx.msk [tilespmem:v23+s18+$0x0], $0xffff;
	_ =	sdelay $0x2  }
0xbc: {  	v61, _, _ =	vpop (xrf2)  }
0xbd: {  	(v2sf) =	vpush v61, $0xF  }
0xbe: {  	p0 =	seq.s32 s13, $0x1F8;
	(v2sf) =	vpush v23, $0x0  }
0xbf: {  	(v2sf) =	vpush @!p0 v20, $0x0  }
0xc0: {  	(v2sf) =	vpush @!p0 v19, $0x0;
	_ =	sdelay $0xb  }
0xc1: {  	s21 =	spop (v2sf)  }
0xc2: {  	s4 =	spop (v2sf)  }
0xc3: {  	s9 =	spop @!p0 (v2sf)  }
0xc4: {  	v23 =	vmov s13;
	s20 =	spop @!p0 (v2sf)  }
0xc5: {  	s7 =	sadd.f32 s21, s4;
	s10 =	sshra.s32 @!p0 s20, $0x1F  }
0xc6: {  	s10 =	sshrl.u32 @!p0 s10, $0x19  }
0xc7: {  	s8 =	sshra.s32 @!p0 s9, $0x1F;
	v62 =	vmov s7;
	s7 =	simm.s32 @!p0 $0x7A1400;
	s10 =	sadd.s32 @!p0 s10, s20  }
0xc8: {  	s4 =	simm.s32 @!p0 $0x580;
	s20 =	sshrl.u32 @!p0 s8, $0x19;
	s10 =	sand.u32 @!p0 $0x1FFFFF80, s10  }
0xc9: {  	[tilespmem:v23+s25+$0x0] =	vst.idx.msk $0x1, v62;
	s11 =	sadd.s32 @!p0 s20, s9;
	s20 =	simm.s32 @!p0 $0x400;
	s10 =	sadd.s32 @!p0 s1, s10  }
0xca: {  	[tilespmem:s4], [sflag:$0x1] =	stream.strided.gather @!p0 [hbm4b:s10+s20], $0x1000, s7, s20, $0x38;
	[tilespmem:$0x10B80] =	vst v63  }
0xcb: {  	s4 =	sshrl.u32 @!p0 s8, $0x1C;
	s8 =	sand.u32 @!p0 $0x1FFFFF80, s11  }
0xcc: {  	s4 =	sadd.s32 @!p0 s4, s9;
	s8 =	sadd.s32 @!p0 s2, s8;
	s9 =	simm.s32 @!p0 $0x8580  }
0xcd: {  	[tilespmem:s9], [sflag:$0x1] =	stream.strided.gather @!p0 [hbm4b:s8+s20], $0x1000, s7, s20, $0x38;
	[tilespmem:$0x10B80] =	vst v63  }
0xce: {  	s4 =	sshrl.u32 @!p0 s4, $0x3  }
0xcf: {  	s4 =	sand.u32 @!p0 $0x1FFFFFFE, s4  }
0xd0: {  	s8 =	simm.s32 @!p0 $0x0;
	s9 =	simm.s32 @!p0 $0x10580;
	s4 =	sadd.s32 @!p0 s3, s4  }
0xd1: {  	[tilespmem:s9], [sflag:$0x1] =	stream.linear.gather @!p0 [hbm4b:s4+s8], $0x10, $0x38;
	[tilespmem:$0x10B80] =	vst v63  }
0xd2: {  	_ =	swait.ge [sflag:s26], $0x1000  }
0xd3: {  	[sflag:s26] =	ssyncset.done $0x0  }
0xd4: {  	[sflag:s26] =	ssyncadd.s32 $0xFFFFF000  }
0xd5: {  	_ =	swait.ge [sflag:s26], $0x1000  }
0xd6: {  	[sflag:s26] =	ssyncset.done $0x0  }
0xd7: {  	[sflag:s26] =	ssyncadd.s32 $0xFFFFF000  }
0xd8: {  	_ =	swait.ge [sflag:s26], $0x10  }
0xd9: {  	(v2sf) =	vpush v21, $0x1;
	_ =	sdelay $0x1  }
0xda: {  	(v2sf) =	vpush v22, $0x1;
	_ =	sdelay $0xc  }
0xdb: {  	s10 =	spop (v2sf)  }
0xdc: {  	s4 =	sand.u32 $0x7F, s10  }
0xdd: {  	s11 =	spop (v2sf);
	v23 =	vor.u32 s4, v3  }
0xde: {  	s21 =	sand.u32 $0x7F, s11;
	v63 =	vor.u32 s4, v4  }
0xdf: {  	v28 =	vor.u32 s21, v3  }
0xe0: {  	[sflag:s26] =	ssyncset.done $0x0;
	v29 =	vor.u32 s21, v4  }
0xe1: {  	[sflag:s26] =	ssyncadd.s32 $0xFFFFFFF0  }
0xe2: {  	v23 =	vld.idx.msk [tilespmem:v23+s16+$0x0], $0xffff  }
0xe3: {  	v24 =	vld.idx.msk [tilespmem:v63+s16+$0x0], $0xffff  }
0xe4: {  	v25 =	vld.idx.msk [tilespmem:v28+s17+$0x0], $0xffff  }
0xe5: {  	v26 =	vld.idx.msk [tilespmem:v29+s17+$0x0], $0xffff;
	_ =	sdelay $0x4  }
0xe6: {  	v23 =	vmul.f32 v25, v23;
	v24 =	vmul.f32 v26, v24;
	_ =	sdelay $0x1  }
0xe7: {  	v23 =	vmax.f32 v23, $0.0e+00;
	v24 =	vmax.f32 v24, $0.0e+00  }
0xe8: {  	v23 =	vmul.f32 v23, v17;
	v24 =	vmul.f32 v24, v18;
	_ =	sdelay $0x1  }
0xe9: {  	s11 =	sand.u32 $0xF, s11;
	v23 =	vadd.f32 v24, v23  }
0xea: {  	v30 =	vmov s11  }
0xeb: {  	(xrf2) =	vadd.scan.msk.f32 $0xffff, v23;
	v23 =	vor.u32 $0x80, v30  }
0xec: {  	v23 =	vbroadcast v23, $0x0;
	_ =	sdelay $0x5  }
0xed: {  	v23 =	vld.idx.msk [tilespmem:v23+s18+$0x0], $0xffff;
	_ =	sdelay $0x2  }
0xee: {  	v31, _, _ =	vpop (xrf2)  }
0xef: {  	(v2sf) =	vpush v31, $0xF  }
0xf0: {  	(v2sf) =	vpush v23, $0x0  }
0xf1: {  	(v2sf) =	vpush @!p0 v20, $0x1  }
0xf2: {  	(v2sf) =	vpush @!p0 v19, $0x1;
	_ =	sdelay $0xa  }
0xf3: {  	s21 =	sadd.s32 $0x1, s13  }
0xf4: {  	v23 =	vmov s21;
	s9 =	spop (v2sf)  }
0xf5: {  	v23 =	vand.u32 $0xFFFFFFF9, v23;
	s4 =	spop (v2sf)  }
0xf6: {  	v23 =	vbroadcast v23, $0x0;
	s10 =	spop @!p0 (v2sf)  }
0xf7: {  	s11 =	spop @!p0 (v2sf)  }
0xf8: {  	s21 =	sshra.s32 @!p0 s11, $0x1F  }
0xf9: {  	s4 =	sadd.f32 s9, s4;
	s9 =	sshrl.u32 @!p0 s21, $0x19  }
0xfa: {  	s21 =	sshra.s32 @!p0 s10, $0x1F;
	s9 =	sadd.s32 @!p0 s9, s11  }
0xfb: {  	v32 =	vmov s4;
	s4 =	sshrl.u32 @!p0 s21, $0x19;
	s9 =	sand.u32 @!p0 $0x1FFFFF80, s9  }
0xfc: {  	[tilespmem:v23+s25+$0x0] =	vst.idx.msk $0x1, v32;
	s11 =	simm.s32 @!p0 $0x1580;
	s4 =	sadd.s32 @!p0 s4, s10;
	s9 =	sadd.s32 @!p0 s1, s9  }
0xfd: {  	[tilespmem:s11], [sflag:$0x2] =	stream.strided.gather @!p0 [hbm4b:s9+s20], $0x1000, s7, s20, $0x38;
	[tilespmem:$0x10B80] =	vst v63  }
0xfe: {  	s4 =	sand.u32 @!p0 $0x1FFFFF80, s4;
	s9 =	sshrl.u32 @!p0 s21, $0x1C  }
0xff: {  	s4 =	sadd.s32 @!p0 s2, s4;
	s9 =	sadd.s32 @!p0 s9, s10;
	s10 =	simm.s32 @!p0 $0x9580  }
0x100: {  	[tilespmem:s10], [sflag:$0x2] =	stream.strided.gather @!p0 [hbm4b:s4+s20], $0x1000, s7, s20, $0x38;
	[tilespmem:$0x10B80] =	vst v63  }
0x101: {  	s4 =	sshrl.u32 @!p0 s9, $0x3  }
0x102: {  	s4 =	sand.u32 @!p0 $0x1FFFFFFE, s4  }
0x103: {  	s9 =	simm.s32 @!p0 $0x10600;
	s4 =	sadd.s32 @!p0 s3, s4  }
0x104: {  	[tilespmem:s9], [sflag:$0x2] =	stream.linear.gather @!p0 [hbm4b:s4+s8], $0x10, $0x38;
	[tilespmem:$0x10B80] =	vst v63  }
0x105: {  	_ =	swait.ge [sflag:s28], $0x1000  }
0x106: {  	[sflag:s28] =	ssyncset.done $0x0  }
0x107: {  	[sflag:s28] =	ssyncadd.s32 $0xFFFFF000  }
0x108: {  	_ =	swait.ge [sflag:s28], $0x1000  }
0x109: {  	[sflag:s28] =	ssyncset.done $0x0  }
0x10a: {  	[sflag:s28] =	ssyncadd.s32 $0xFFFFF000  }
0x10b: {  	_ =	swait.ge [sflag:s28], $0x10  }
0x10c: {  	(v2sf) =	vpush v21, $0x2;
	_ =	sdelay $0x1  }
0x10d: {  	(v2sf) =	vpush v22, $0x2;
	_ =	sdelay $0xc  }
0x10e: {  	s10 =	spop (v2sf)  }
0x10f: {  	s4 =	sand.u32 $0x7F, s10  }
0x110: {  	s11 =	spop (v2sf);
	v23 =	vor.u32 s4, v5  }
0x111: {  	s21 =	sand.u32 $0x7F, s11;
	v33 =	vor.u32 s4, v6  }
0x112: {  	v34 =	vor.u32 s21, v5  }
0x113: {  	[sflag:s28] =	ssyncset.done $0x0;
	v35 =	vor.u32 s21, v6  }
0x114: {  	[sflag:s28] =	ssyncadd.s32 $0xFFFFFFF0  }
0x115: {  	v23 =	vld.idx.msk [tilespmem:v23+s16+$0x0], $0xffff  }
0x116: {  	v24 =	vld.idx.msk [tilespmem:v33+s16+$0x0], $0xffff  }
0x117: {  	v25 =	vld.idx.msk [tilespmem:v34+s17+$0x0], $0xffff  }
0x118: {  	v26 =	vld.idx.msk [tilespmem:v35+s17+$0x0], $0xffff;
	_ =	sdelay $0x4  }
0x119: {  	v23 =	vmul.f32 v25, v23;
	v24 =	vmul.f32 v26, v24;
	_ =	sdelay $0x1  }
0x11a: {  	v23 =	vmax.f32 v23, $0.0e+00;
	v24 =	vmax.f32 v24, $0.0e+00  }
0x11b: {  	v23 =	vmul.f32 v23, v17;
	v24 =	vmul.f32 v24, v18;
	_ =	sdelay $0x1  }
0x11c: {  	s11 =	sand.u32 $0xF, s11;
	v23 =	vadd.f32 v24, v23  }
0x11d: {  	v36 =	vmov s11  }
0x11e: {  	(xrf2) =	vadd.scan.msk.f32 $0xffff, v23;
	v23 =	vor.u32 $0x100, v36  }
0x11f: {  	v23 =	vbroadcast v23, $0x0;
	_ =	sdelay $0x5  }
0x120: {  	v23 =	vld.idx.msk [tilespmem:v23+s18+$0x0], $0xffff;
	_ =	sdelay $0x2  }
0x121: {  	v37, _, _ =	vpop (xrf2)  }
0x122: {  	(v2sf) =	vpush v37, $0xF  }
0x123: {  	(v2sf) =	vpush v23, $0x0  }
0x124: {  	(v2sf) =	vpush @!p0 v20, $0x2  }
0x125: {  	(v2sf) =	vpush @!p0 v19, $0x2;
	_ =	sdelay $0xa  }
0x126: {  	s21 =	sadd.s32 $0x2, s13  }
0x127: {  	v23 =	vmov s21;
	s9 =	spop (v2sf)  }
0x128: {  	v23 =	vand.u32 $0xFFFFFFFA, v23;
	s4 =	spop (v2sf)  }
0x129: {  	v23 =	vbroadcast v23, $0x0;
	s10 =	spop @!p0 (v2sf)  }
0x12a: {  	s11 =	spop @!p0 (v2sf)  }
0x12b: {  	s21 =	sshra.s32 @!p0 s11, $0x1F  }
0x12c: {  	s4 =	sadd.f32 s9, s4;
	s9 =	sshrl.u32 @!p0 s21, $0x19  }
0x12d: {  	s21 =	sshra.s32 @!p0 s10, $0x1F;
	s9 =	sadd.s32 @!p0 s9, s11  }
0x12e: {  	v38 =	vmov s4;
	s4 =	sshrl.u32 @!p0 s21, $0x19;
	s9 =	sand.u32 @!p0 $0x1FFFFF80, s9  }
0x12f: {  	[tilespmem:v23+s25+$0x0] =	vst.idx.msk $0x1, v38;
	s11 =	simm.s32 @!p0 $0x2580;
	s4 =	sadd.s32 @!p0 s4, s10;
	s9 =	sadd.s32 @!p0 s1, s9  }
0x130: {  	[tilespmem:s11], [sflag:$0x3] =	stream.strided.gather @!p0 [hbm4b:s9+s20], $0x1000, s7, s20, $0x38;
	[tilespmem:$0x10B80] =	vst v63  }
0x131: {  	s4 =	sand.u32 @!p0 $0x1FFFFF80, s4;
	s9 =	sshrl.u32 @!p0 s21, $0x1C  }
0x132: {  	s4 =	sadd.s32 @!p0 s2, s4;
	s9 =	sadd.s32 @!p0 s9, s10;
	s10 =	simm.s32 @!p0 $0xA580  }
0x133: {  	[tilespmem:s10], [sflag:$0x3] =	stream.strided.gather @!p0 [hbm4b:s4+s20], $0x1000, s7, s20, $0x38;
	[tilespmem:$0x10B80] =	vst v63  }
0x134: {  	s4 =	sshrl.u32 @!p0 s9, $0x3  }
0x135: {  	s4 =	sand.u32 @!p0 $0x1FFFFFFE, s4  }
0x136: {  	s9 =	simm.s32 @!p0 $0x10680;
	s4 =	sadd.s32 @!p0 s3, s4  }
0x137: {  	[tilespmem:s9], [sflag:$0x3] =	stream.linear.gather @!p0 [hbm4b:s4+s8], $0x10, $0x38;
	[tilespmem:$0x10B80] =	vst v63  }
0x138: {  	_ =	swait.ge [sflag:s29], $0x1000  }
0x139: {  	[sflag:s29] =	ssyncset.done $0x0  }
0x13a: {  	[sflag:s29] =	ssyncadd.s32 $0xFFFFF000  }
0x13b: {  	_ =	swait.ge [sflag:s29], $0x1000  }
0x13c: {  	[sflag:s29] =	ssyncset.done $0x0  }
0x13d: {  	[sflag:s29] =	ssyncadd.s32 $0xFFFFF000  }
0x13e: {  	_ =	swait.ge [sflag:s29], $0x10  }
0x13f: {  	(v2sf) =	vpush v21, $0x3;
	_ =	sdelay $0x1  }
0x140: {  	(v2sf) =	vpush v22, $0x3;
	_ =	sdelay $0xc  }
0x141: {  	s10 =	spop (v2sf)  }
0x142: {  	s4 =	sand.u32 $0x7F, s10  }
0x143: {  	s11 =	spop (v2sf);
	v23 =	vor.u32 s4, v7  }
0x144: {  	s21 =	sand.u32 $0x7F, s11;
	v39 =	vor.u32 s4, v8  }
0x145: {  	v40 =	vor.u32 s21, v7  }
0x146: {  	[sflag:s29] =	ssyncset.done $0x0;
	v41 =	vor.u32 s21, v8  }
0x147: {  	[sflag:s29] =	ssyncadd.s32 $0xFFFFFFF0  }
0x148: {  	v23 =	vld.idx.msk [tilespmem:v23+s16+$0x0], $0xffff  }
0x149: {  	v24 =	vld.idx.msk [tilespmem:v39+s16+$0x0], $0xffff  }
0x14a: {  	v25 =	vld.idx.msk [tilespmem:v40+s17+$0x0], $0xffff  }
0x14b: {  	v26 =	vld.idx.msk [tilespmem:v41+s17+$0x0], $0xffff;
	_ =	sdelay $0x4  }
0x14c: {  	v23 =	vmul.f32 v25, v23;
	v24 =	vmul.f32 v26, v24;
	_ =	sdelay $0x1  }
0x14d: {  	v23 =	vmax.f32 v23, $0.0e+00;
	v24 =	vmax.f32 v24, $0.0e+00  }
0x14e: {  	v23 =	vmul.f32 v23, v17;
	v24 =	vmul.f32 v24, v18;
	_ =	sdelay $0x1  }
0x14f: {  	s11 =	sand.u32 $0xF, s11;
	v23 =	vadd.f32 v24, v23  }
0x150: {  	v42 =	vmov s11  }
0x151: {  	(xrf2) =	vadd.scan.msk.f32 $0xffff, v23;
	v23 =	vor.u32 $0x180, v42  }
0x152: {  	v23 =	vbroadcast v23, $0x0;
	_ =	sdelay $0x5  }
0x153: {  	v23 =	vld.idx.msk [tilespmem:v23+s18+$0x0], $0xffff;
	_ =	sdelay $0x2  }
0x154: {  	v43, _, _ =	vpop (xrf2)  }
0x155: {  	(v2sf) =	vpush v43, $0xF  }
0x156: {  	(v2sf) =	vpush v23, $0x0  }
0x157: {  	(v2sf) =	vpush @!p0 v20, $0x3  }
0x158: {  	(v2sf) =	vpush @!p0 v19, $0x3;
	_ =	sdelay $0xa  }
0x159: {  	s21 =	sadd.s32 $0x3, s13  }
0x15a: {  	v23 =	vmov s21;
	s9 =	spop (v2sf)  }
0x15b: {  	v23 =	vand.u32 $0xFFFFFFFB, v23;
	s4 =	spop (v2sf)  }
0x15c: {  	v23 =	vbroadcast v23, $0x0;
	s10 =	spop @!p0 (v2sf)  }
0x15d: {  	s11 =	spop @!p0 (v2sf)  }
0x15e: {  	s21 =	sshra.s32 @!p0 s11, $0x1F  }
0x15f: {  	s4 =	sadd.f32 s9, s4;
	s9 =	sshrl.u32 @!p0 s21, $0x19  }
0x160: {  	s21 =	sshra.s32 @!p0 s10, $0x1F;
	s9 =	sadd.s32 @!p0 s9, s11  }
0x161: {  	v44 =	vmov s4;
	s4 =	sshrl.u32 @!p0 s21, $0x19;
	s9 =	sand.u32 @!p0 $0x1FFFFF80, s9  }
0x162: {  	[tilespmem:v23+s25+$0x0] =	vst.idx.msk $0x1, v44;
	s11 =	simm.s32 @!p0 $0x3580;
	s4 =	sadd.s32 @!p0 s4, s10;
	s9 =	sadd.s32 @!p0 s1, s9  }
0x163: {  	[tilespmem:s11], [sflag:$0x4] =	stream.strided.gather @!p0 [hbm4b:s9+s20], $0x1000, s7, s20, $0x38;
	[tilespmem:$0x10B80] =	vst v63  }
0x164: {  	s4 =	sand.u32 @!p0 $0x1FFFFF80, s4;
	s9 =	sshrl.u32 @!p0 s21, $0x1C  }
0x165: {  	s4 =	sadd.s32 @!p0 s2, s4;
	s9 =	sadd.s32 @!p0 s9, s10;
	s10 =	simm.s32 @!p0 $0xB580  }
0x166: {  	[tilespmem:s10], [sflag:$0x4] =	stream.strided.gather @!p0 [hbm4b:s4+s20], $0x1000, s7, s20, $0x38;
	[tilespmem:$0x10B80] =	vst v63  }
0x167: {  	s4 =	sshrl.u32 @!p0 s9, $0x3  }
0x168: {  	s4 =	sand.u32 @!p0 $0x1FFFFFFE, s4  }
0x169: {  	s9 =	simm.s32 @!p0 $0x10700;
	s4 =	sadd.s32 @!p0 s3, s4  }
0x16a: {  	[tilespmem:s9], [sflag:$0x4] =	stream.linear.gather @!p0 [hbm4b:s4+s8], $0x10, $0x38;
	[tilespmem:$0x10B80] =	vst v63  }
0x16b: {  	_ =	swait.ge [sflag:s30], $0x1000  }
0x16c: {  	[sflag:s30] =	ssyncset.done $0x0  }
0x16d: {  	[sflag:s30] =	ssyncadd.s32 $0xFFFFF000  }
0x16e: {  	_ =	swait.ge [sflag:s30], $0x1000  }
0x16f: {  	[sflag:s30] =	ssyncset.done $0x0  }
0x170: {  	[sflag:s30] =	ssyncadd.s32 $0xFFFFF000  }
0x171: {  	_ =	swait.ge [sflag:s30], $0x10  }
0x172: {  	(v2sf) =	vpush v21, $0x4;
	_ =	sdelay $0x1  }
0x173: {  	(v2sf) =	vpush v22, $0x4;
	_ =	sdelay $0xc  }
0x174: {  	s10 =	spop (v2sf)  }
0x175: {  	s4 =	sand.u32 $0x7F, s10  }
0x176: {  	s11 =	spop (v2sf);
	v23 =	vor.u32 s4, v9  }
0x177: {  	s21 =	sand.u32 $0x7F, s11;
	v45 =	vor.u32 s4, v10  }
0x178: {  	v46 =	vor.u32 s21, v9  }
0x179: {  	[sflag:s30] =	ssyncset.done $0x0;
	v47 =	vor.u32 s21, v10  }
0x17a: {  	[sflag:s30] =	ssyncadd.s32 $0xFFFFFFF0  }
0x17b: {  	v23 =	vld.idx.msk [tilespmem:v23+s16+$0x0], $0xffff  }
0x17c: {  	v24 =	vld.idx.msk [tilespmem:v45+s16+$0x0], $0xffff  }
0x17d: {  	v25 =	vld.idx.msk [tilespmem:v46+s17+$0x0], $0xffff  }
0x17e: {  	v26 =	vld.idx.msk [tilespmem:v47+s17+$0x0], $0xffff;
	_ =	sdelay $0x4  }
0x17f: {  	v23 =	vmul.f32 v25, v23;
	v24 =	vmul.f32 v26, v24;
	_ =	sdelay $0x1  }
0x180: {  	v23 =	vmax.f32 v23, $0.0e+00;
	v24 =	vmax.f32 v24, $0.0e+00  }
0x181: {  	v23 =	vmul.f32 v23, v17;
	v24 =	vmul.f32 v24, v18;
	_ =	sdelay $0x1  }
0x182: {  	s11 =	sand.u32 $0xF, s11;
	v23 =	vadd.f32 v24, v23  }
0x183: {  	v48 =	vmov s11  }
0x184: {  	(xrf2) =	vadd.scan.msk.f32 $0xffff, v23;
	v23 =	vor.u32 $0x200, v48  }
0x185: {  	v23 =	vbroadcast v23, $0x0;
	_ =	sdelay $0x5  }
0x186: {  	v23 =	vld.idx.msk [tilespmem:v23+s18+$0x0], $0xffff;
	_ =	sdelay $0x2  }
0x187: {  	v49, _, _ =	vpop (xrf2)  }
0x188: {  	(v2sf) =	vpush v49, $0xF  }
0x189: {  	(v2sf) =	vpush v23, $0x0  }
0x18a: {  	(v2sf) =	vpush @!p0 v20, $0x4  }
0x18b: {  	(v2sf) =	vpush @!p0 v19, $0x4;
	_ =	sdelay $0xa  }
0x18c: {  	s21 =	sadd.s32 $0x4, s13  }
0x18d: {  	v23 =	vmov s21;
	s9 =	spop (v2sf)  }
0x18e: {  	v23 =	vand.u32 $0xFFFFFFFC, v23;
	s4 =	spop (v2sf)  }
0x18f: {  	v23 =	vbroadcast v23, $0x0;
	s10 =	spop @!p0 (v2sf)  }
0x190: {  	s11 =	spop @!p0 (v2sf)  }
0x191: {  	s21 =	sshra.s32 @!p0 s11, $0x1F  }
0x192: {  	s4 =	sadd.f32 s9, s4;
	s9 =	sshrl.u32 @!p0 s21, $0x19  }
0x193: {  	s21 =	sshra.s32 @!p0 s10, $0x1F;
	s9 =	sadd.s32 @!p0 s9, s11  }
0x194: {  	v50 =	vmov s4;
	s4 =	sshrl.u32 @!p0 s21, $0x19;
	s9 =	sand.u32 @!p0 $0x1FFFFF80, s9  }
0x195: {  	[tilespmem:v23+s25+$0x0] =	vst.idx.msk $0x1, v50;
	s11 =	simm.s32 @!p0 $0x4580;
	s4 =	sadd.s32 @!p0 s4, s10;
	s9 =	sadd.s32 @!p0 s1, s9  }
0x196: {  	[tilespmem:s11], [sflag:$0x5] =	stream.strided.gather @!p0 [hbm4b:s9+s20], $0x1000, s7, s20, $0x38;
	[tilespmem:$0x10B80] =	vst v63  }
0x197: {  	s4 =	sand.u32 @!p0 $0x1FFFFF80, s4;
	s9 =	sshrl.u32 @!p0 s21, $0x1C  }
0x198: {  	s4 =	sadd.s32 @!p0 s2, s4;
	s9 =	sadd.s32 @!p0 s9, s10;
	s10 =	simm.s32 @!p0 $0xC580  }
0x199: {  	[tilespmem:s10], [sflag:$0x5] =	stream.strided.gather @!p0 [hbm4b:s4+s20], $0x1000, s7, s20, $0x38;
	[tilespmem:$0x10B80] =	vst v63  }
0x19a: {  	s4 =	sshrl.u32 @!p0 s9, $0x3  }
0x19b: {  	s4 =	sand.u32 @!p0 $0x1FFFFFFE, s4  }
0x19c: {  	s9 =	simm.s32 @!p0 $0x10780;
	s4 =	sadd.s32 @!p0 s3, s4  }
0x19d: {  	[tilespmem:s9], [sflag:$0x5] =	stream.linear.gather @!p0 [hbm4b:s4+s8], $0x10, $0x38;
	[tilespmem:$0x10B80] =	vst v63  }
0x19e: {  	_ =	swait.ge [sflag:s31], $0x1000  }
0x19f: {  	[sflag:s31] =	ssyncset.done $0x0  }
0x1a0: {  	[sflag:s31] =	ssyncadd.s32 $0xFFFFF000  }
0x1a1: {  	_ =	swait.ge [sflag:s31], $0x1000  }
0x1a2: {  	[sflag:s31] =	ssyncset.done $0x0  }
0x1a3: {  	[sflag:s31] =	ssyncadd.s32 $0xFFFFF000  }
0x1a4: {  	_ =	swait.ge [sflag:s31], $0x10  }
0x1a5: {  	(v2sf) =	vpush v21, $0x5;
	_ =	sdelay $0x1  }
0x1a6: {  	(v2sf) =	vpush v22, $0x5;
	_ =	sdelay $0xc  }
0x1a7: {  	s10 =	spop (v2sf)  }
0x1a8: {  	s4 =	sand.u32 $0x7F, s10  }
0x1a9: {  	s11 =	spop (v2sf);
	v23 =	vor.u32 s4, v11  }
0x1aa: {  	s21 =	sand.u32 $0x7F, s11;
	v51 =	vor.u32 s4, v12  }
0x1ab: {  	v52 =	vor.u32 s21, v11  }
0x1ac: {  	[sflag:s31] =	ssyncset.done $0x0;
	v53 =	vor.u32 s21, v12  }
0x1ad: {  	[sflag:s31] =	ssyncadd.s32 $0xFFFFFFF0  }
0x1ae: {  	v23 =	vld.idx.msk [tilespmem:v23+s16+$0x0], $0xffff  }
0x1af: {  	v24 =	vld.idx.msk [tilespmem:v51+s16+$0x0], $0xffff  }
0x1b0: {  	v25 =	vld.idx.msk [tilespmem:v52+s17+$0x0], $0xffff  }
0x1b1: {  	v26 =	vld.idx.msk [tilespmem:v53+s17+$0x0], $0xffff;
	_ =	sdelay $0x4  }
0x1b2: {  	v23 =	vmul.f32 v25, v23;
	v24 =	vmul.f32 v26, v24;
	_ =	sdelay $0x1  }
0x1b3: {  	v23 =	vmax.f32 v23, $0.0e+00;
	v24 =	vmax.f32 v24, $0.0e+00  }
0x1b4: {  	v23 =	vmul.f32 v23, v17;
	v24 =	vmul.f32 v24, v18;
	_ =	sdelay $0x1  }
0x1b5: {  	s11 =	sand.u32 $0xF, s11;
	v23 =	vadd.f32 v24, v23  }
0x1b6: {  	v54 =	vmov s11  }
0x1b7: {  	(xrf2) =	vadd.scan.msk.f32 $0xffff, v23;
	v23 =	vor.u32 $0x280, v54  }
0x1b8: {  	v23 =	vbroadcast v23, $0x0;
	_ =	sdelay $0x5  }
0x1b9: {  	v23 =	vld.idx.msk [tilespmem:v23+s18+$0x0], $0xffff;
	_ =	sdelay $0x2  }
0x1ba: {  	v55, _, _ =	vpop (xrf2)  }
0x1bb: {  	(v2sf) =	vpush v55, $0xF  }
0x1bc: {  	(v2sf) =	vpush v23, $0x0  }
0x1bd: {  	(v2sf) =	vpush @!p0 v20, $0x5  }
0x1be: {  	(v2sf) =	vpush @!p0 v19, $0x5;
	_ =	sdelay $0xa  }
0x1bf: {  	s21 =	sadd.s32 $0x5, s13  }
0x1c0: {  	v23 =	vmov s21;
	s9 =	spop (v2sf)  }
0x1c1: {  	v23 =	vand.u32 $0xFFFFFFFD, v23;
	s4 =	spop (v2sf)  }
0x1c2: {  	v23 =	vbroadcast v23, $0x0;
	s10 =	spop @!p0 (v2sf)  }
0x1c3: {  	s11 =	spop @!p0 (v2sf)  }
0x1c4: {  	s21 =	sshra.s32 @!p0 s11, $0x1F  }
0x1c5: {  	s4 =	sadd.f32 s9, s4;
	s9 =	sshrl.u32 @!p0 s21, $0x19  }
0x1c6: {  	s21 =	sshra.s32 @!p0 s10, $0x1F;
	s9 =	sadd.s32 @!p0 s9, s11  }
0x1c7: {  	v56 =	vmov s4;
	s4 =	sshrl.u32 @!p0 s21, $0x19;
	s9 =	sand.u32 @!p0 $0x1FFFFF80, s9  }
0x1c8: {  	[tilespmem:v23+s25+$0x0] =	vst.idx.msk $0x1, v56;
	s11 =	simm.s32 @!p0 $0x5580;
	s4 =	sadd.s32 @!p0 s4, s10;
	s9 =	sadd.s32 @!p0 s1, s9  }
0x1c9: {  	[tilespmem:s11], [sflag:$0x6] =	stream.strided.gather @!p0 [hbm4b:s9+s20], $0x1000, s7, s20, $0x38;
	[tilespmem:$0x10B80] =	vst v63  }
0x1ca: {  	s4 =	sand.u32 @!p0 $0x1FFFFF80, s4;
	s9 =	sshrl.u32 @!p0 s21, $0x1C  }
0x1cb: {  	s4 =	sadd.s32 @!p0 s2, s4;
	s9 =	sadd.s32 @!p0 s9, s10;
	s10 =	simm.s32 @!p0 $0xD580  }
0x1cc: {  	[tilespmem:s10], [sflag:$0x6] =	stream.strided.gather @!p0 [hbm4b:s4+s20], $0x1000, s7, s20, $0x38;
	[tilespmem:$0x10B80] =	vst v63  }
0x1cd: {  	s4 =	sshrl.u32 @!p0 s9, $0x3  }
0x1ce: {  	s4 =	sand.u32 @!p0 $0x1FFFFFFE, s4  }
0x1cf: {  	s9 =	simm.s32 @!p0 $0x10800;
	s4 =	sadd.s32 @!p0 s3, s4  }
0x1d0: {  	[tilespmem:s9], [sflag:$0x6] =	stream.linear.gather @!p0 [hbm4b:s4+s8], $0x10, $0x38;
	[tilespmem:$0x10B80] =	vst v63  }
0x1d1: {  	_ =	swait.ge [sflag:s0], $0x1000  }
0x1d2: {  	[sflag:s0] =	ssyncset.done $0x0  }
0x1d3: {  	[sflag:s0] =	ssyncadd.s32 $0xFFFFF000  }
0x1d4: {  	_ =	swait.ge [sflag:s0], $0x1000  }
0x1d5: {  	[sflag:s0] =	ssyncset.done $0x0  }
0x1d6: {  	[sflag:s0] =	ssyncadd.s32 $0xFFFFF000  }
0x1d7: {  	_ =	swait.ge [sflag:s0], $0x10  }
0x1d8: {  	(v2sf) =	vpush v21, $0x6;
	_ =	sdelay $0x1  }
0x1d9: {  	(v2sf) =	vpush v22, $0x6;
	_ =	sdelay $0xc  }
0x1da: {  	s10 =	spop (v2sf)  }
0x1db: {  	s4 =	sand.u32 $0x7F, s10  }
0x1dc: {  	s11 =	spop (v2sf);
	v23 =	vor.u32 s4, v13  }
0x1dd: {  	s21 =	sand.u32 $0x7F, s11;
	v57 =	vor.u32 s4, v14  }
0x1de: {  	v58 =	vor.u32 s21, v13  }
0x1df: {  	[sflag:s0] =	ssyncset.done $0x0;
	v59 =	vor.u32 s21, v14  }
0x1e0: {  	[sflag:s0] =	ssyncadd.s32 $0xFFFFFFF0  }
0x1e1: {  	v23 =	vld.idx.msk [tilespmem:v23+s16+$0x0], $0xffff  }
0x1e2: {  	v24 =	vld.idx.msk [tilespmem:v57+s16+$0x0], $0xffff  }
0x1e3: {  	v25 =	vld.idx.msk [tilespmem:v58+s17+$0x0], $0xffff  }
0x1e4: {  	v26 =	vld.idx.msk [tilespmem:v59+s17+$0x0], $0xffff;
	_ =	sdelay $0x4  }
0x1e5: {  	v23 =	vmul.f32 v25, v23;
	v24 =	vmul.f32 v26, v24;
	_ =	sdelay $0x1  }
0x1e6: {  	v23 =	vmax.f32 v23, $0.0e+00;
	v24 =	vmax.f32 v24, $0.0e+00  }
0x1e7: {  	v23 =	vmul.f32 v23, v17;
	v24 =	vmul.f32 v24, v18;
	_ =	sdelay $0x1  }
0x1e8: {  	s11 =	sand.u32 $0xF, s11;
	v23 =	vadd.f32 v24, v23  }
0x1e9: {  	v60 =	vmov s11  }
0x1ea: {  	(xrf2) =	vadd.scan.msk.f32 $0xffff, v23;
	v23 =	vor.u32 $0x300, v60  }
0x1eb: {  	v23 =	vbroadcast v23, $0x0;
	_ =	sdelay $0x5  }
0x1ec: {  	v23 =	vld.idx.msk [tilespmem:v23+s18+$0x0], $0xffff;
	_ =	sdelay $0x2  }
0x1ed: {  	v61, _, _ =	vpop (xrf2)  }
0x1ee: {  	(v2sf) =	vpush v61, $0xF  }
0x1ef: {  	(v2sf) =	vpush v23, $0x0  }
0x1f0: {  	(v2sf) =	vpush @!p0 v20, $0x6  }
0x1f1: {  	(v2sf) =	vpush @!p0 v19, $0x6;
	_ =	sdelay $0xa  }
0x1f2: {  	s21 =	sadd.s32 $0x6, s13  }
0x1f3: {  	v23 =	vmov s21;
	s9 =	spop (v2sf)  }
0x1f4: {  	v23 =	vand.u32 $0xFFFFFFFE, v23;
	s4 =	spop (v2sf)  }
0x1f5: {  	v23 =	vbroadcast v23, $0x0;
	s10 =	spop @!p0 (v2sf)  }
0x1f6: {  	s11 =	spop @!p0 (v2sf)  }
0x1f7: {  	s21 =	sshra.s32 @!p0 s11, $0x1F  }
0x1f8: {  	s4 =	sadd.f32 s9, s4;
	s9 =	sshrl.u32 @!p0 s21, $0x19  }
0x1f9: {  	s9 =	sadd.s32 @!p0 s9, s11  }
0x1fa: {  	v62 =	vmov s4;
	s4 =	sand.u32 @!p0 $0x1FFFFF80, s9  }
0x1fb: {  	[tilespmem:v23+s25+$0x0] =	vst.idx.msk $0x1, v62;
	s11 =	simm.s32 @!p0 $0x6580;
	s9 =	sshra.s32 @!p0 s10, $0x1F;
	s4 =	sadd.s32 @!p0 s1, s4  }
0x1fc: {  	[tilespmem:s11], [sflag:$0x7] =	stream.strided.gather @!p0 [hbm4b:s4+s20], $0x1000, s7, s20, $0x38;
	[tilespmem:$0x10B80] =	vst v63  }
0x1fd: {  	s4 =	sshrl.u32 @!p0 s9, $0x19  }
0x1fe: {  	s4 =	sadd.s32 @!p0 s4, s10  }
0x1ff: {  	s9 =	sshrl.u32 @!p0 s9, $0x1C;
	s4 =	sand.u32 @!p0 $0x1FFFFF80, s4  }
0x200: {  	s9 =	sadd.s32 @!p0 s9, s10;
	s10 =	simm.s32 @!p0 $0xE580;
	s4 =	sadd.s32 @!p0 s2, s4  }
0x201: {  	[tilespmem:s10], [sflag:$0x7] =	stream.strided.gather @!p0 [hbm4b:s4+s20], $0x1000, s7, s20, $0x38;
	[tilespmem:$0x10B80] =	vst v63  }
0x202: {  	s4 =	sshrl.u32 @!p0 s9, $0x3  }
0x203: {  	s4 =	sand.u32 @!p0 $0x1FFFFFFE, s4  }
0x204: {  	s7 =	simm.s32 @!p0 $0x10880;
	s4 =	sadd.s32 @!p0 s3, s4  }
0x205: {  	[tilespmem:s7], [sflag:$0x7] =	stream.linear.gather @!p0 [hbm4b:s4+s8], $0x10, $0x38;
	[tilespmem:$0x10B80] =	vst v63  }
0x206: {  	_ =	swait.ge [sflag:s5], $0x1000  }
0x207: {  	[sflag:s5] =	ssyncset.done $0x0  }
0x208: {  	[sflag:s5] =	ssyncadd.s32 $0xFFFFF000  }
0x209: {  	_ =	swait.ge [sflag:s5], $0x1000  }
0x20a: {  	[sflag:s5] =	ssyncset.done $0x0  }
0x20b: {  	[sflag:s5] =	ssyncadd.s32 $0xFFFFF000  }
0x20c: {  	_ =	swait.ge [sflag:s5], $0x10  }
0x20d: {  	(v2sf) =	vpush v21, $0x7;
	_ =	sdelay $0x1  }
0x20e: {  	(v2sf) =	vpush v22, $0x7;
	_ =	sdelay $0xc  }
0x20f: {  	s8 =	spop (v2sf)  }
0x210: {  	s4 =	sand.u32 $0x7F, s8  }
0x211: {  	s9 =	spop (v2sf);
	v21 =	vor.u32 s4, v15  }
0x212: {  	s10 =	sand.u32 $0x7F, s9;
	v22 =	vor.u32 s4, v16  }
0x213: {  	v23 =	vor.u32 s10, v15  }
0x214: {  	[sflag:s5] =	ssyncset.done $0x0;
	v63 =	vor.u32 s10, v16  }
0x215: {  	[sflag:s5] =	ssyncadd.s32 $0xFFFFFFF0  }
0x216: {  	v21 =	vld.idx.msk [tilespmem:v21+s16+$0x0], $0xffff  }
0x217: {  	v22 =	vld.idx.msk [tilespmem:v22+s16+$0x0], $0xffff  }
0x218: {  	v23 =	vld.idx.msk [tilespmem:v23+s17+$0x0], $0xffff  }
0x219: {  	v24 =	vld.idx.msk [tilespmem:v63+s17+$0x0], $0xffff;
	_ =	sdelay $0x4  }
0x21a: {  	v21 =	vmul.f32 v23, v21;
	v22 =	vmul.f32 v24, v22;
	_ =	sdelay $0x1  }
0x21b: {  	v21 =	vmax.f32 v21, $0.0e+00;
	v22 =	vmax.f32 v22, $0.0e+00  }
0x21c: {  	v21 =	vmul.f32 v21, v17;
	v22 =	vmul.f32 v22, v18;
	_ =	sdelay $0x1  }
0x21d: {  	s11 =	sand.u32 $0xF, s9;
	v21 =	vadd.f32 v22, v21  }
0x21e: {  	v22 =	vmov s11  }
0x21f: {  	(xrf2) =	vadd.scan.msk.f32 $0xffff, v21;
	v21 =	vor.u32 $0x380, v22  }
0x220: {  	v21 =	vbroadcast v21, $0x0;
	_ =	sdelay $0x5  }
0x221: {  	v21 =	vld.idx.msk [tilespmem:v21+s18+$0x0], $0xffff;
	_ =	sdelay $0x2  }
0x222: {  	v22, _, _ =	vpop (xrf2)  }
0x223: {  	(v2sf) =	vpush v22, $0xF  }
0x224: {  	(v2sf) =	vpush v21, $0x0;
	_ =	sdelay $0xc  }
0x225: {  	s13 =	sadd.s32 $0x7, s13  }
0x226: {  	v21 =	vmov s13;
	s20 =	spop (v2sf)  }
.Ltmp2:
0x227: {  	s21 =	spop (v2sf);
	(pc) =	sbr.rel @p0 .LBB2_4-.Ltmp2, $3  }
0x228: {  	s4 =	sadd.f32 s20, s21;
	_ =	sdelay $0x1  }
0x229: {  	v22 =	vmov s4  }
0x22a: {  	[tilespmem:v21+s25+$0x0] =	vst.idx.msk $0x1, v22  }
0x22b: {  	(v2sf) =	vpush v20, $0x7  }
0x22c: {  	(v2sf) =	vpush v19, $0x7;
	_ =	sdelay $0xd  }
0x22d: {  	s4 =	spop (v2sf)  }
0x22e: {  	s7 =	spop (v2sf)  }
0x22f: {  	s8 =	sshra.s32 s7, $0x1F  }
0x230: {  	s8 =	sshrl.u32 s8, $0x19  }
0x231: {  	s10 =	simm.s32 $0x7580;
	s9 =	sshra.s32 s4, $0x1F;
	s7 =	sadd.s32 s8, s7  }
0x232: {  	s13 =	sshrl.u32 s9, $0x19;
	s20 =	sshrl.u32 s9, $0x1C;
	s7 =	sand.u32 $0x1FFFFF80, s7  }
0x233: {  	s8 =	sadd.s32 s13, s4;
	s4 =	sadd.s32 s20, s4;
	s7 =	sadd.s32 s1, s7  }
0x234: {  	[tilespmem:s10], [sflag:$0x8] =	stream.strided.gather [hbm4b:s7+s14], $0x1000, s15, s14, $0x38;
	[tilespmem:$0x10B80] =	vst v63  }
.Ltmp3:
0x235: {  	s8 =	sand.u32 $0x1FFFFF80, s8;
	s4 =	sshrl.u32 s4, $0x3;
	(pc) =	sbr.rel .LBB2_2-.Ltmp3, $4  }
0x236: {  	s21 =	sadd.s32 s2, s8;
	s4 =	sand.u32 $0x1FFFFFFE, s4  }
0x237: {  	[tilespmem:s22], [sflag:$0x8] =	stream.strided.gather [hbm4b:s21+s14], $0x1000, s15, s14, $0x38;
	[tilespmem:$0x10B80] =	vst v63  }
0x238: {  	s4 =	sadd.s32 s3, s4  }
0x239: {  	[tilespmem:s23], [sflag:$0x8] =	stream.linear.gather [hbm4b:s4+s6], $0x10, $0x38;
	[tilespmem:$0x10B80] =	vst v63  }
.LBB2_5:
0x23a: {  	_ =	sfence.sel $0x180000  }
0x23b: {  	[bflag:$0x0] =	sbarrier.arrive $0xFFFF  }
0x23c: {  	_ =	strace $0x90000047  }
0x23d: {  	s0 =	stileid.u32;
	[bflag:$0x2] =	sbarrier.arrive $0xFFFF  }
0x23e: {  	p0 =	sne.s32 s0, $0x0;
	s0 =	rddreg [dreg:$0x7]  }
0x23f: {  	s0 =	sadd.s32 @!p0 $0x100000, s0  }
0x240: {  	[sflag:s0] =	ssyncadd.tile.s32 @!p0 $0x1;
	_ =	shalt  }
.Lfunc_end2:
_tile_overlayer_lowered:
.L_overlay_start_2:
0x241: {  	(tag) =	ssettag $0x2  }
0x242: {  	s0 =	rddreg [dreg:$0x0];
	s2 =	stileid.u32  }
0x243: {  	s1 =	rddreg [dreg:$0x1];
	p0 =	sne.s32 s2, $0x0  }
0x244: {  	s3 =	rddreg [dreg:$0x2];
	[bflag:$0x3] =	sbarrier.arrive $0xFFFF;
	s2 =	simm.s32 @!p0 $0x1C09  }
0x245: {  	[timem:s3], [sflag:s2] =	dma.local @!p0 [hbm:s0], s1  }
0x246: {  	s0 =	simm.s32 @!p0 $0x9  }
0x247: {  	_ =	swait.ge @!p0 [sflag:s0], s1  }
0x248: {  	s1 =	ssub.s32 @!p0 $0x0, s1;
	[sflag:s0] =	ssyncset.done @!p0 $0x0  }
0x249: {  	[sflag:s0] =	ssyncadd.s32 @!p0 s1  }
0x24a: {  	[bflag:$0x3] =	sbarrier.arrive $0xFFFF  }
0x24b: {  	_ =	shalt  }

</sc_bundles>
